<compile_context>
chip_gen: v7x
topology: tpu7x:2x2x1
jax: 0.10.2.dev20260603
libtpu: 0.0.44.dev20260713+nightly
codegen_flags: <defaults>
</compile_context>

<pallas_src>
import functools

import numpy as np
import jax
import jax.numpy as jnp
from jax import lax
from jax.experimental import pallas as pl
from jax.experimental.pallas import tpu as pltpu
from jax.experimental.pallas import tpu_sc as plsc

N = 10000
E = 160000
NP = 10240
EP = 163840
MUL0 = 16
MUL1 = 8
CUTOFF = 10.0
NBASIS = 16
NUM_NEIGHBORS = 20
C = float(np.sqrt(0.5))
GAMMA = float(NBASIS / CUTOFF)
SH0 = float(1.0 / np.sqrt(NUM_NEIGHBORS))
SH1C = float(np.sqrt(3.0) / np.sqrt(NUM_NEIGHBORS))
INV_SQRT3 = float(1.0 / np.sqrt(3.0))
INV_SQRT24 = float(1.0 / np.sqrt(MUL0 + MUL1))

CHUNK = 128
NCHUNKS = EP // CHUNK
NTILES = 32
CPT = NCHUNKS // NTILES
GRP = 10
NGRP = CPT // GRP
ROWS_PT = NP // 16
GGRP = 10
G1_C0, G1_C1 = 40, 40
G2_C0, G2_C1 = 40, 40
CPTMAX = 40

BE = 2048
GE = EP // BE

CSTEP = float(CUTOFF / (NBASIS - 1))

_PERM = np.concatenate(
    [np.concatenate([np.arange(u * 24, (u + 1) * 24),
                     384 + np.arange(u * 8, (u + 1) * 8)]) for u in range(16)]
)


def _swish(x):
    return x * jax.nn.sigmoid(x)


def _swish16(x):
    return (x * jax.nn.sigmoid(x)).astype(jnp.bfloat16)


def _np_r16():
    r = np.zeros((16, 512), np.float32)
    for u in range(16):
        r[u, u * 32:(u + 1) * 32] = 1.0
    return r


def _np_t32():
    t = np.zeros((32, 512), np.float32)
    for k in range(32):
        t[k, k::32] = 1.0
    return t


def _np_vrep():
    a = np.zeros((8, 24), np.float32)
    for v in range(8):
        for m in range(3):
            a[v, 8 * m + v] = 1.0
    return a


def _np_srep():
    a = np.zeros((3, 24), np.float32)
    for m in range(3):
        a[m, 8 * m:8 * m + 8] = 1.0
    return a


def _np_sexp48():
    a = np.zeros((3, 48), np.float32)
    for m in range(3):
        a[m, 16 + 8 * m:24 + 8 * m] = 1.0
    return a


def _np_msum48():
    a = np.zeros((48, 8), np.float32)
    for m in range(3):
        for v in range(8):
            a[16 + 8 * m + v, v] = 1.0
    return a


_R16 = _np_r16()
_T32 = _np_t32()
_VREP = _np_vrep()
_SREP = _np_srep()
_SEXP48 = _np_sexp48()
_MSUM48 = _np_msum48()
_ONES24 = np.ones((24, 1), np.float32)



def _embed_body(z_ref, emb_ref, posp_ref, ts_ref):
    z = z_ref[...]
    k = lax.broadcasted_iota(jnp.int32, (NP, 100), 1)
    oh = (z == k).astype(jnp.float32)
    h0 = jnp.dot(oh, emb_ref[...], preferred_element_type=jnp.float32)
    ts_ref[...] = jnp.concatenate([posp_ref[...], h0], axis=1)


_embed = pl.pallas_call(
    _embed_body,
    out_shape=jax.ShapeDtypeStruct((NP, 32), jnp.float32),
)



def _gather1_body(src2, dst2, ts_hbm, posp_hbm, edat_hbm,
                  idxs_v, idxd_v, osrc_v, odst_v, sem):
    c = lax.axis_index("c")
    s = lax.axis_index("s")
    cbase = (s * 2 + c) * CPT
    ngrp = CPT // GGRP
    pltpu.sync_copy(src2.at[pl.ds(cbase, CPTMAX)], idxs_v)
    pltpu.sync_copy(dst2.at[pl.ds(cbase, CPTMAX)], idxd_v)

    def body(g, _):
        descs = []
        for j in range(GGRP):
            jj = g * GGRP + j
            descs.append(pltpu.async_copy(
                ts_hbm.at[idxs_v.at[jj]],
                osrc_v.at[pl.ds(j * CHUNK, CHUNK)], sem))
            descs.append(pltpu.async_copy(
                posp_hbm.at[idxd_v.at[jj]],
                odst_v.at[pl.ds(j * CHUNK, CHUNK)], sem))
        for d in descs:
            d.wait()
        ebase = (cbase + g * GGRP) * CHUNK
        pltpu.sync_copy(osrc_v,
                        edat_hbm.at[pl.ds(ebase, GGRP * CHUNK), pl.ds(0, 32)])
        pltpu.sync_copy(odst_v,
                        edat_hbm.at[pl.ds(ebase, GGRP * CHUNK), pl.ds(32, 16)])
        return ()

    lax.fori_loop(0, ngrp, body, ())


@functools.cache
def _gather1_kernel():
    return pl.kernel(
        _gather1_body,
        out_type=jax.ShapeDtypeStruct((EP, 128), jnp.float32),
        mesh=plsc.VectorSubcoreMesh(core_axis_name="c", subcore_axis_name="s"),
        compiler_params=pltpu.CompilerParams(use_tc_tiling_on_sc=False),
        scratch_types=(pltpu.VMEM((CPTMAX, CHUNK), jnp.int32),
                       pltpu.VMEM((CPTMAX, CHUNK), jnp.int32),
                       pltpu.VMEM((GGRP * CHUNK, 32), jnp.float32),
                       pltpu.VMEM((GGRP * CHUNK, 16), jnp.float32),
                       pltpu.SemaphoreType.DMA),
    )



def _edge1_body(edat_ref, w0, w1, w2, w3r, r16, t32, vrep, srep,
                v0, v1, v2, v3, out_ref, wsh_ref):
    i = pl.program_id(0)
    ps = edat_ref[:, 0:3]
    pd = edat_ref[:, 32:35]
    ev = ps - pd
    xj = edat_ref[:, 16:32]
    r2 = jnp.sum(ev * ev, axis=1, keepdims=True) + 1e-12
    inv = lax.rsqrt(r2)
    r = r2 * inv
    sh1 = SH1C * ev * inv
    cent = lax.broadcasted_iota(jnp.int32, (BE, NBASIS), 1).astype(jnp.float32) * CSTEP
    d = r - cent
    hb = jnp.exp(-GAMMA * d * d).astype(jnp.bfloat16)
    h1 = _swish16(jnp.dot(hb, w0[...], preferred_element_type=jnp.float32))
    h2 = _swish16(jnp.dot(h1, w1[...], preferred_element_type=jnp.float32))
    h3 = _swish16(jnp.dot(h2, w2[...], preferred_element_type=jnp.float32))
    xrep = jnp.dot(xj.astype(jnp.bfloat16), r16[...],
                   preferred_element_type=jnp.float32)
    hrep = jnp.dot(h3, t32[...], preferred_element_type=jnp.float32)
    acc = jnp.dot((xrep * hrep).astype(jnp.bfloat16), w3r[...],
                  preferred_element_type=jnp.float32)
    msc = acc[:, 0:24] * (SH0 * 0.25)
    tb = acc[:, 24:32] * 0.25
    l1 = (jnp.dot(tb, vrep[...], preferred_element_type=jnp.float32) *
          jnp.dot(sh1, srep[...], preferred_element_type=jnp.float32))
    msg = jnp.concatenate([msc, l1], axis=1)
    gid = i * BE + lax.broadcasted_iota(jnp.int32, (BE, 1), 0)
    out_ref[:, 0:48] = jnp.where(gid < E, msg, 0.0)
    g1 = _swish16(jnp.dot(hb, v0[...], preferred_element_type=jnp.float32))
    g2 = _swish16(jnp.dot(g1, v1[...], preferred_element_type=jnp.float32))
    g3 = _swish16(jnp.dot(g2, v2[...], preferred_element_type=jnp.float32))
    w2e = jnp.dot(g3, v3[...], preferred_element_type=jnp.float32)
    wsh_ref[...] = jnp.concatenate(
        [w2e, sh1, jnp.zeros((BE, 5), jnp.float32)], axis=1)


_edge1 = pl.pallas_call(
    _edge1_body,
    grid=(GE,),
    in_specs=[
        pl.BlockSpec((BE, 128), lambda i: (i, 0)),
        pl.BlockSpec((16, 64), lambda i: (0, 0)),
        pl.BlockSpec((64, 64), lambda i: (0, 0)),
        pl.BlockSpec((64, 32), lambda i: (0, 0)),
        pl.BlockSpec((512, 32), lambda i: (0, 0)),
        pl.BlockSpec((16, 512), lambda i: (0, 0)),
        pl.BlockSpec((32, 512), lambda i: (0, 0)),
        pl.BlockSpec((8, 24), lambda i: (0, 0)),
        pl.BlockSpec((3, 24), lambda i: (0, 0)),
        pl.BlockSpec((16, 64), lambda i: (0, 0)),
        pl.BlockSpec((64, 64), lambda i: (0, 0)),
        pl.BlockSpec((64, 32), lambda i: (0, 0)),
        pl.BlockSpec((32, 24), lambda i: (0, 0)),
    ],
    out_specs=(pl.BlockSpec((BE, 128), lambda i: (i, 0)),
               pl.BlockSpec((BE, 32), lambda i: (i, 0))),
    out_shape=(jax.ShapeDtypeStruct((EP, 128), jnp.float32),
               jax.ShapeDtypeStruct((EP, 32), jnp.float32)),
)



def _scatter_body(dst2, msg_hbm, zeros_hbm, agg_hbm, shared, idx_v, msg_v):
    c = lax.axis_index("c")
    s = lax.axis_index("s")
    pltpu.sync_copy(zeros_hbm.at[pl.ds(s * ROWS_PT, ROWS_PT)],
                    shared.at[pl.ds(s * ROWS_PT, ROWS_PT)])
    cbase = c * (NCHUNKS // 2) + s * CPT
    pltpu.sync_copy(dst2.at[pl.ds(cbase, CPT)], idx_v)
    plsc.subcore_barrier()

    def body(g, _):
        ebase = (cbase + g * GRP) * CHUNK
        pltpu.sync_copy(msg_hbm.at[pl.ds(ebase, GRP * CHUNK), pl.ds(0, 48)],
                        msg_v)
        for j in range(GRP):
            pltpu.sync_copy(msg_v.at[pl.ds(j * CHUNK, CHUNK)],
                            shared.at[idx_v.at[g * GRP + j]], add=True)
        return ()

    lax.fori_loop(0, NGRP, body, ())
    plsc.subcore_barrier()
    pltpu.sync_copy(shared.at[pl.ds(s * ROWS_PT, ROWS_PT)],
                    agg_hbm.at[c, pl.ds(s * ROWS_PT, ROWS_PT)])


@functools.cache
def _scatter_kernel():
    return pl.kernel(
        _scatter_body,
        out_type=jax.ShapeDtypeStruct((2, NP, 48), jnp.float32),
        mesh=plsc.VectorSubcoreMesh(core_axis_name="c", subcore_axis_name="s"),
        compiler_params=pltpu.CompilerParams(use_tc_tiling_on_sc=False),
        scratch_types=(pltpu.VMEM_SHARED((NP, 48), jnp.float32),
                       pltpu.VMEM((CPT, CHUNK), jnp.int32),
                       pltpu.VMEM((GRP * CHUNK, 48), jnp.float32)),
    )



BN = 1024
GN = NP // BN


def _node_body(ts_ref, agg_ref, si1, si2, grep, hg_ref, s2_ref):
    i = pl.program_id(0)
    ts = ts_ref[...]
    h0 = ts[:, 16:32]
    agg = agg_ref[0] + agg_ref[1]
    s24 = jnp.dot(h0, si1[...], preferred_element_type=jnp.float32)
    h24 = C * (s24 + agg[:, 0:24])
    scp = h24[:, 0:16]
    sc = scp * jax.nn.sigmoid(scp)
    g = jax.nn.sigmoid(h24[:, 16:24])
    l1g = agg[:, 24:48] * jnp.dot(g, grep[...],
                                  preferred_element_type=jnp.float32)
    hg_ref[...] = jnp.concatenate(
        [sc, l1g, jnp.zeros((BN, 8), jnp.float32)], axis=1)
    t = jnp.dot(sc, si2[...], preferred_element_type=jnp.float32)

    @pl.when(i == 0)
    def _():
        s2_ref[...] = jnp.zeros((1, 1), jnp.float32)

    s2_ref[...] += jnp.sum(t).reshape(1, 1)


_node = pl.pallas_call(
    _node_body,
    grid=(GN,),
    in_specs=[
        pl.BlockSpec((BN, 32), lambda i: (i, 0)),
        pl.BlockSpec((2, BN, 48), lambda i: (0, i, 0)),
        pl.BlockSpec((16, 24), lambda i: (0, 0)),
        pl.BlockSpec((16, 1), lambda i: (0, 0)),
        pl.BlockSpec((8, 24), lambda i: (0, 0)),
    ],
    out_specs=(pl.BlockSpec((BN, 48), lambda i: (i, 0)),
               pl.BlockSpec((1, 1), lambda i: (0, 0))),
    out_shape=(jax.ShapeDtypeStruct((NP, 48), jnp.float32),
               jax.ShapeDtypeStruct((1, 1), jnp.float32)),
)



def _gather2_body(src2, hg_hbm, ghg_hbm, idx_v, o_v, sem):
    c = lax.axis_index("c")
    s = lax.axis_index("s")
    cbase = (s * 2 + c) * CPT
    ngrp = CPT // GGRP
    pltpu.sync_copy(src2.at[pl.ds(cbase, CPTMAX)], idx_v)

    def body(g, _):
        descs = []
        for j in range(GGRP):
            descs.append(pltpu.async_copy(
                hg_hbm.at[idx_v.at[g * GGRP + j]],
                o_v.at[pl.ds(j * CHUNK, CHUNK)], sem))
        for d in descs:
            d.wait()
        ebase = (cbase + g * GGRP) * CHUNK
        pltpu.sync_copy(o_v,
                        ghg_hbm.at[pl.ds(ebase, GGRP * CHUNK), pl.ds(0, 48)])
        return ()

    lax.fori_loop(0, ngrp, body, ())


@functools.cache
def _gather2_kernel():
    return pl.kernel(
        _gather2_body,
        out_type=jax.ShapeDtypeStruct((EP, 128), jnp.float32),
        mesh=plsc.VectorSubcoreMesh(core_axis_name="c", subcore_axis_name="s"),
        compiler_params=pltpu.CompilerParams(use_tc_tiling_on_sc=False),
        scratch_types=(pltpu.VMEM((CPTMAX, CHUNK), jnp.int32),
                       pltpu.VMEM((GGRP * CHUNK, 48), jnp.float32),
                       pltpu.SemaphoreType.DMA),
    )



def _edge2_body(wsh_ref, ghg_ref, sexp, msum,
                ones24, out_ref):
    i = pl.program_id(0)
    ws = wsh_ref[...]
    w2e = ws[:, 0:24]
    sh1 = ws[:, 24:27]
    hg = ghg_ref[:, 0:48]
    xsc = hg[:, 0:16]
    sh1rep = jnp.dot(sh1, sexp[...], preferred_element_type=jnp.float32)
    dts = jnp.dot(hg * sh1rep, msum[...], preferred_element_type=jnp.float32)
    cat = jnp.concatenate([xsc * SH0, dts * INV_SQRT3], axis=1)
    m0 = jnp.dot(w2e * cat, ones24[...],
                 preferred_element_type=jnp.float32) * INV_SQRT24
    gid = i * BE + lax.broadcasted_iota(jnp.int32, (BE, 1), 0)
    m0 = jnp.where(gid < E, m0, 0.0)

    @pl.when(i == 0)
    def _():
        out_ref[...] = jnp.zeros((1, 1), jnp.float32)

    out_ref[...] += jnp.sum(m0).reshape(1, 1)


_edge2 = pl.pallas_call(
    _edge2_body,
    grid=(GE,),
    in_specs=[
        pl.BlockSpec((BE, 32), lambda i: (i, 0)),
        pl.BlockSpec((BE, 128), lambda i: (i, 0)),
        pl.BlockSpec((3, 48), lambda i: (0, 0)),
        pl.BlockSpec((48, 8), lambda i: (0, 0)),
        pl.BlockSpec((24, 1), lambda i: (0, 0)),
    ],
    out_specs=pl.BlockSpec((1, 1), lambda i: (0, 0)),
    out_shape=jax.ShapeDtypeStruct((1, 1), jnp.float32),
)



def kernel(z, pos, edge_index, emb, si1_W, rm1_w0, rm1_w1, rm1_w2, rm1_w3,
           si2_W, rm2_w0, rm2_w1, rm2_w2, rm2_w3):
    src = edge_index[0].astype(jnp.int32)
    dst = edge_index[1].astype(jnp.int32)
    src2 = jnp.pad(src, (0, EP - E)).reshape(NCHUNKS, CHUNK)
    dst2 = jnp.pad(dst, (0, EP - E)).reshape(NCHUNKS, CHUNK)
    posp = jnp.pad(pos.astype(jnp.float32), ((0, NP - N), (0, 13)))
    z2 = jnp.pad(z.astype(jnp.int32), (0, NP - N),
                 constant_values=100).reshape(NP, 1)

    w0s = (rm1_w0 * 0.25).astype(jnp.bfloat16)
    w1s = (rm1_w1 * 0.125).astype(jnp.bfloat16)
    w2s = (rm1_w2 * 0.125).astype(jnp.bfloat16)
    w3p = (rm1_w3 * float(1.0 / np.sqrt(32.0)))[:, _PERM]
    w3r = w3p.reshape(32, 16, 32).transpose(1, 0, 2).reshape(512, 32)
    w3r = w3r.astype(jnp.bfloat16)
    r16 = jnp.asarray(_R16).astype(jnp.bfloat16)
    t32 = jnp.asarray(_T32).astype(jnp.bfloat16)
    vrep = jnp.asarray(_VREP)
    srep = jnp.asarray(_SREP)
    sexp = jnp.asarray(_SEXP48)
    msum = jnp.asarray(_MSUM48)
    ones24 = jnp.asarray(_ONES24)
    v0s = (rm2_w0 * 0.25).astype(jnp.bfloat16)
    v1s = (rm2_w1 * 0.125).astype(jnp.bfloat16)
    v2s = (rm2_w2 * 0.125).astype(jnp.bfloat16)
    v3s = (rm2_w3 * float(1.0 / np.sqrt(32.0))).astype(jnp.bfloat16)
    si1s = si1_W * 0.25
    si2s = si2_W * 0.25
    zeros48 = jnp.zeros((NP, 48), jnp.float32)

    ts = _embed(z2, emb, posp)
    edat = _gather1_kernel()(src2, dst2, ts, posp)
    msg, wsh = _edge1(edat, w0s, w1s, w2s, w3r, r16, t32, vrep, srep,
                      v0s, v1s, v2s, v3s)
    agg = _scatter_kernel()(dst2, msg, zeros48)
    hg, s2 = _node(ts, agg, si1s, si2s, vrep)
    ghg = _gather2_kernel()(src2, hg)
    m0s = _edge2(wsh, ghg, sexp, msum, ones24)
    return C * (s2 + m0s)

# --- scband reference (transcript-rebuilt; emitter-appended) ---
"""Pipeline reference for scband-network-77541339562682 (READ-ONLY COPY).

The authoritative reference and input builder live on the scoring server;
editing this copy changes nothing except your own understanding.
"""

import jax, jax.numpy as jnp
import numpy as np

N = 10000
E = 160000
MUL0 = 16
MUL1 = 8
CUTOFF = 10.0
NBASIS = 16
NUM_NEIGHBORS = 20
D_MID = MUL0 + MUL1 + 3 * MUL1
NW1 = MUL0 * (MUL0 + MUL1) + MUL0 * MUL1
NW2 = MUL0 + MUL1
C = float(np.sqrt(0.5))


def swish(x):
    return x * jax.nn.sigmoid(x)


def radial(ws, r):
    # GaussianRadialModel: gaussian basis on [0, cutoff] followed by swish MLP
    centers = jnp.linspace(0.0, CUTOFF, NBASIS)
    gamma = NBASIS / CUTOFF
    h = jnp.exp(-gamma * (r[:, None] - centers[None, :]) ** 2)
    n = len(ws)
    for i, W in enumerate(ws):
        h = h @ (W / jnp.sqrt(W.shape[0]))
        if i < n - 1:
            h = swish(h)
    return h


def _forward(z, edge_index, pos, emb, si1_W, rm1_w0, rm1_w1, rm1_w2, rm1_w3, si2_W, rm2_w0, rm2_w1, rm2_w2, rm2_w3):
    src = edge_index[0]
    dst = edge_index[1]
    h = emb[z]
    edge_vec = pos[src] - pos[dst]
    r = jnp.sqrt(jnp.sum(edge_vec ** 2, axis=1) + 1e-12)
    # component-normalized spherical harmonics (l=0,1), pre-scaled by 1/sqrt(num_neighbors)
    sh0 = jnp.ones_like(r) / np.sqrt(NUM_NEIGHBORS)
    sh1 = (np.sqrt(3.0) * edge_vec / r[:, None]) / np.sqrt(NUM_NEIGHBORS)
    # ---- layer 1 Conv: Rs_in=[(16,0,+1)] -> Rs_out=[(16,0,+1),(8,0,+1),(8,1,-1)] ----
    s = jnp.concatenate([h @ (si1_W / np.sqrt(MUL0)), jnp.zeros((h.shape[0], 3 * MUL1), h.dtype)], axis=1)
    mask1 = jnp.concatenate([jnp.ones(MUL0 + MUL1), jnp.zeros(3 * MUL1)])
    w = radial([rm1_w0, rm1_w1, rm1_w2, rm1_w3], r)
    wA = w[:, :MUL0 * (MUL0 + MUL1)].reshape(-1, MUL0, MUL0 + MUL1)
    wB = w[:, MUL0 * (MUL0 + MUL1):].reshape(-1, MUL0, MUL1)
    xj = h[src]
    m_sc = jnp.einsum('eu,euv->ev', xj * sh0[:, None], wA) / np.sqrt(MUL0)
    m_l1 = jnp.einsum('eu,euv,em->evm', xj, wB, sh1) / np.sqrt(MUL0)
    msg = jnp.concatenate([m_sc, m_l1.reshape(-1, 3 * MUL1)], axis=1)
    agg = jnp.zeros((h.shape[0], D_MID), h.dtype).at[dst].add(msg)
    h = C * s + (1.0 + (C - 1.0) * mask1)[None, :] * agg
    # ---- GatedBlockParity ----
    sc = swish(h[:, :MUL0])
    g = jax.nn.sigmoid(h[:, MUL0:MUL0 + MUL1])
    l1 = h[:, MUL0 + MUL1:].reshape(-1, MUL1, 3) * g[:, :, None]
    h = jnp.concatenate([sc, l1.reshape(-1, 3 * MUL1)], axis=1)
    # ---- readout Conv: Rs=[(16,0,+1),(8,1,-1)] -> [(1,0,+1),(1,0,-1)] ----
    s2 = jnp.concatenate([h[:, :MUL0] @ (si2_W / np.sqrt(MUL0)), jnp.zeros((h.shape[0], 1), h.dtype)], axis=1)
    mask2 = jnp.array([1.0, 0.0])
    w2 = radial([rm2_w0, rm2_w1, rm2_w2, rm2_w3], r)
    wA2 = w2[:, :MUL0]
    wB2 = w2[:, MUL0:]
    xj2 = h[src]
    x_sc = xj2[:, :MUL0]
    x_l1 = xj2[:, MUL0:].reshape(-1, MUL1, 3)
    dots = jnp.einsum('evm,em->ev', x_l1, sh1)
    m0 = (jnp.sum(wA2 * x_sc * sh0[:, None], axis=1) + jnp.sum(wB2 * dots, axis=1) / np.sqrt(3.0)) / np.sqrt(MUL0 + MUL1)
    msg2 = jnp.stack([m0, jnp.zeros_like(m0)], axis=1)
    agg2 = jnp.zeros((h.shape[0], 2), h.dtype).at[dst].add(msg2)
    h2 = C * s2 + (1.0 + (C - 1.0) * mask2)[None, :] * agg2
    e = (h2[:, 0] + h2[:, 1] ** 2).reshape(-1, 1)
    batch = jnp.zeros(z.shape[0], dtype=jnp.int32)
    out = jnp.zeros((1, 1), e.dtype).at[batch].add(e)  # scatter 'add' readout, single graph
    return out


def _mlp(key, sizes):
    ws = []
    for i in range(len(sizes) - 1):
        key, k = jax.random.split(key)
        ws.append(jax.random.normal(k, (sizes[i], sizes[i + 1]), dtype=jnp.float32))
    return ws


def setup_inputs(seed: int = 0):
    key = jax.random.key(seed)
    ks = jax.random.split(key, 10)
    z = jax.random.randint(ks[0], (N,), 0, 100)
    pos = jax.random.uniform(ks[1], (N, 3), dtype=jnp.float32) * 8.0
    src = jax.random.randint(ks[2], (E,), 0, N)
    off = jax.random.randint(ks[3], (E,), 1, N)
    dst = (src + off) % N  # avoid self-loops (radius_graph excludes them)
    edge_index = jnp.stack([src, dst])
    emb = jax.random.normal(ks[4], (100, MUL0), dtype=jnp.float32)
    si1_W = jax.random.normal(ks[5], (MUL0, MUL0 + MUL1), dtype=jnp.float32)
    si2_W = jax.random.normal(ks[6], (MUL0, 1), dtype=jnp.float32)
    rm1 = _mlp(ks[7], [NBASIS, 64, 64, 32, NW1])
    rm2 = _mlp(ks[8], [NBASIS, 64, 64, 32, NW2])
    return {'z': z, 'pos': pos, 'edge_index': edge_index, 'emb': emb, 'si1_W': si1_W,
            'rm1_w0': rm1[0], 'rm1_w1': rm1[1], 'rm1_w2': rm1[2], 'rm1_w3': rm1[3],
            'si2_W': si2_W,
            'rm2_w0': rm2[0], 'rm2_w1': rm2[1], 'rm2_w2': rm2[2], 'rm2_w3': rm2[3]}


def reference(z, pos, edge_index, emb, si1_W, rm1_w0, rm1_w1, rm1_w2, rm1_w3, si2_W, rm2_w0, rm2_w1, rm2_w2, rm2_w3):
    return _forward(z, edge_index, pos, emb, si1_W, rm1_w0, rm1_w1, rm1_w2, rm1_w3, si2_W, rm2_w0, rm2_w1, rm2_w2, rm2_w3)

if __name__ == "__main__":
    import jax
    _d = setup_inputs()
    print(jax.jit(kernel)(*tuple(_d.values())))

</pallas_src>

<mosaic_0001>
#map = affine_map<(d0, d1) -> (0, 0)>
module attributes {stable_mosaic.version = 14 : i64} {
  func.func @_gather1_body(%arg0: i32, %arg1: i32, %arg2: memref<1280x128xi32, #tpu.memory_space<hbm>>, %arg3: memref<1280x128xi32, #tpu.memory_space<hbm>>, %arg4: memref<10240x32xf32, #tpu.memory_space<hbm>>, %arg5: memref<10240x16xf32, #tpu.memory_space<hbm>>, %arg6: memref<163840x128xf32, #tpu.memory_space<hbm>>, %arg7: memref<40x128xi32, #tpu.memory_space<vmem>>, %arg8: memref<40x128xi32, #tpu.memory_space<vmem>>, %arg9: memref<1280x32xf32, #tpu.memory_space<vmem>>, %arg10: memref<1280x16xf32, #tpu.memory_space<vmem>>, %arg11: memref<!tpu.dma_semaphore, #tpu.memory_space<semaphore_mem>>) attributes {dimension_semantics = [#tpu.dimension_semantics<core_parallel>, #tpu.dimension_semantics<subcore_parallel>], iteration_bounds = array<i64: 2, 16>, scalar_prefetch = 0 : i64, scratch_operands = 5 : i64, tpu.core_type = #tpu.core_type<sc_vector_subcore>, window_params = [{transform_indices = #map}, {transform_indices = #map}, {transform_indices = #map}, {transform_indices = #map}, {transform_indices = #map}]} {
    %mul3A = arith.constant 2 : i32
    %mul3A_0 = arith.muli %arg1, %mul3A : i32
    %add3A = arith.addi %mul3A_0, %arg0 : i32
    %mul3A_1 = arith.constant 40 : i32
    %mul3A_2 = arith.muli %add3A, %mul3A_1 : i32
    "tpu.region"() ({
      %run_scoped3A = tpu.sem_alloc : memref<!tpu.dma_semaphore, #tpu.memory_space<semaphore_mem>>
      %dma_start3A = arith.constant 0 : i32
      %dma_start3A_7 = tpu.memref_slice %arg2[%mul3A_2, %dma_start3A] : memref<1280x128xi32, #tpu.memory_space<hbm>> -> memref<40x128xi32, #tpu.memory_space<hbm>>
      %dma_start3A_8 = arith.constant 0 : i32
      %dma_start3A_9 = tpu.memref_slice %arg2[%mul3A_2, %dma_start3A_8] : memref<1280x128xi32, #tpu.memory_space<hbm>> -> memref<40x128xi32, #tpu.memory_space<hbm>>
      tpu.enqueue_dma source(%dma_start3A_9 : memref<40x128xi32, #tpu.memory_space<hbm>>) target(%arg7 : memref<40x128xi32, #tpu.memory_space<vmem>>) target_semaphore(%run_scoped3A : memref<!tpu.dma_semaphore, #tpu.memory_space<semaphore_mem>>)
      %dma_wait3A = arith.constant 0 : i32
      %dma_wait3A_10 = tpu.memref_slice %arg2[%mul3A_2, %dma_wait3A] : memref<1280x128xi32, #tpu.memory_space<hbm>> -> memref<40x128xi32, #tpu.memory_space<hbm>>
      %dma_wait3A_11 = arith.constant 0 : i32
      %dma_wait3A_12 = tpu.memref_slice %arg2[%mul3A_2, %dma_wait3A_11] : memref<1280x128xi32, #tpu.memory_space<hbm>> -> memref<40x128xi32, #tpu.memory_space<hbm>>
      tpu.wait_dma2 semaphore(%run_scoped3A : memref<!tpu.dma_semaphore, #tpu.memory_space<semaphore_mem>>) src(%dma_wait3A_12 : memref<40x128xi32, #tpu.memory_space<hbm>>) dst(%arg7 : memref<40x128xi32, #tpu.memory_space<vmem>>)
      tpu.yield
    }) : () -> ()
    "tpu.region"() ({
      %run_scoped3A = tpu.sem_alloc : memref<!tpu.dma_semaphore, #tpu.memory_space<semaphore_mem>>
      %dma_start3A = arith.constant 0 : i32
      %dma_start3A_7 = tpu.memref_slice %arg3[%mul3A_2, %dma_start3A] : memref<1280x128xi32, #tpu.memory_space<hbm>> -> memref<40x128xi32, #tpu.memory_space<hbm>>
      %dma_start3A_8 = arith.constant 0 : i32
      %dma_start3A_9 = tpu.memref_slice %arg3[%mul3A_2, %dma_start3A_8] : memref<1280x128xi32, #tpu.memory_space<hbm>> -> memref<40x128xi32, #tpu.memory_space<hbm>>
      tpu.enqueue_dma source(%dma_start3A_9 : memref<40x128xi32, #tpu.memory_space<hbm>>) target(%arg8 : memref<40x128xi32, #tpu.memory_space<vmem>>) target_semaphore(%run_scoped3A : memref<!tpu.dma_semaphore, #tpu.memory_space<semaphore_mem>>)
      %dma_wait3A = arith.constant 0 : i32
      %dma_wait3A_10 = tpu.memref_slice %arg3[%mul3A_2, %dma_wait3A] : memref<1280x128xi32, #tpu.memory_space<hbm>> -> memref<40x128xi32, #tpu.memory_space<hbm>>
      %dma_wait3A_11 = arith.constant 0 : i32
      %dma_wait3A_12 = tpu.memref_slice %arg3[%mul3A_2, %dma_wait3A_11] : memref<1280x128xi32, #tpu.memory_space<hbm>> -> memref<40x128xi32, #tpu.memory_space<hbm>>
      tpu.wait_dma2 semaphore(%run_scoped3A : memref<!tpu.dma_semaphore, #tpu.memory_space<semaphore_mem>>) src(%dma_wait3A_12 : memref<40x128xi32, #tpu.memory_space<hbm>>) dst(%arg8 : memref<40x128xi32, #tpu.memory_space<vmem>>)
      tpu.yield
    }) : () -> ()
    %scan3A = arith.constant 0 : i32
    %scan3A_3 = arith.constant 4 : i32
    %scan3A_4 = arith.addi %scan3A, %scan3A_3 : i32
    %scan3A_5 = arith.constant 1 : i32
    scf.for %scan3A_7 = %scan3A to %scan3A_4 step %scan3A_5  : i32 {
      %mul3A_8 = arith.constant 10 : i32
      %mul3A_9 = arith.muli %scan3A_7, %mul3A_8 : i32
      %add3A_10 = arith.constant 0 : i32
      %add3A_11 = arith.addi %mul3A_9, %add3A_10 : i32
      %dma_start3A = arith.constant 0 : i32
      %dma_start3A_12 = arith.constant 0 : i32
      %dma_start3A_13 = tpu.memref_slice %arg9[%dma_start3A, %dma_start3A_12] : memref<1280x32xf32, #tpu.memory_space<vmem>> -> memref<128x32xf32, #tpu.memory_space<vmem>>
      %dma_start3A_14 = arith.constant 0 : i32
      %dma_start3A_15 = tpu.memref_slice %arg7[%add3A_11, %dma_start3A_14] : memref<40x128xi32, #tpu.memory_space<vmem>> -> memref<1x128xi32, #tpu.memory_space<vmem>>
      %dma_start3A_16 = tpu.memref_squeeze %dma_start3A_15 : memref<1x128xi32, #tpu.memory_space<vmem>> -> memref<128xi32, #tpu.memory_space<vmem>>
      %dma_start3A_17 = arith.constant 0 : i32
      %dma_start3A_18 = arith.constant 0 : i32
      %dma_start3A_19 = tpu.memref_slice %arg4[%dma_start3A_17, %dma_start3A_18] : memref<10240x32xf32, #tpu.memory_space<hbm>> -> memref<10240x32xf32, #tpu.memory_space<hbm>>
      tpu.enqueue_indirect_dma source(%dma_start3A_19 : memref<10240x32xf32, #tpu.memory_space<hbm>>) target(%dma_start3A_13 : memref<128x32xf32, #tpu.memory_space<vmem>>) offsets(%dma_start3A_16 : memref<128xi32, #tpu.memory_space<vmem>>) semaphore(%arg11 : memref<!tpu.dma_semaphore, #tpu.memory_space<semaphore_mem>>)
      %dma_start3A_20 = arith.constant 0 : i32
      %dma_start3A_21 = arith.constant 0 : i32
      %dma_start3A_22 = tpu.memref_slice %arg10[%dma_start3A_20, %dma_start3A_21] : memref<1280x16xf32, #tpu.memory_space<vmem>> -> memref<128x16xf32, #tpu.memory_space<vmem>>
      %dma_start3A_23 = arith.constant 0 : i32
      %dma_start3A_24 = tpu.memref_slice %arg8[%add3A_11, %dma_start3A_23] : memref<40x128xi32, #tpu.memory_space<vmem>> -> memref<1x128xi32, #tpu.memory_space<vmem>>
      %dma_start3A_25 = tpu.memref_squeeze %dma_start3A_24 : memref<1x128xi32, #tpu.memory_space<vmem>> -> memref<128xi32, #tpu.memory_space<vmem>>
      %dma_start3A_26 = arith.constant 0 : i32
      %dma_start3A_27 = arith.constant 0 : i32
      %dma_start3A_28 = tpu.memref_slice %arg5[%dma_start3A_26, %dma_start3A_27] : memref<10240x16xf32, #tpu.memory_space<hbm>> -> memref<10240x16xf32, #tpu.memory_space<hbm>>
      tpu.enqueue_indirect_dma source(%dma_start3A_28 : memref<10240x16xf32, #tpu.memory_space<hbm>>) target(%dma_start3A_22 : memref<128x16xf32, #tpu.memory_space<vmem>>) offsets(%dma_start3A_25 : memref<128xi32, #tpu.memory_space<vmem>>) semaphore(%arg11 : memref<!tpu.dma_semaphore, #tpu.memory_space<semaphore_mem>>)
      %mul3A_29 = arith.constant 10 : i32
      %mul3A_30 = arith.muli %scan3A_7, %mul3A_29 : i32
      %add3A_31 = arith.constant 1 : i32
      %add3A_32 = arith.addi %mul3A_30, %add3A_31 : i32
      %dma_start3A_33 = arith.constant 128 : i32
      %dma_start3A_34 = arith.constant 0 : i32
      %dma_start3A_35 = tpu.memref_slice %arg9[%dma_start3A_33, %dma_start3A_34] : memref<1280x32xf32, #tpu.memory_space<vmem>> -> memref<128x32xf32, #tpu.memory_space<vmem>>
      %dma_start3A_36 = arith.constant 0 : i32
      %dma_start3A_37 = tpu.memref_slice %arg7[%add3A_32, %dma_start3A_36] : memref<40x128xi32, #tpu.memory_space<vmem>> -> memref<1x128xi32, #tpu.memory_space<vmem>>
      %dma_start3A_38 = tpu.memref_squeeze %dma_start3A_37 : memref<1x128xi32, #tpu.memory_space<vmem>> -> memref<128xi32, #tpu.memory_space<vmem>>
      %dma_start3A_39 = arith.constant 0 : i32
      %dma_start3A_40 = arith.constant 0 : i32
      %dma_start3A_41 = tpu.memref_slice %arg4[%dma_start3A_39, %dma_start3A_40] : memref<10240x32xf32, #tpu.memory_space<hbm>> -> memref<10240x32xf32, #tpu.memory_space<hbm>>
      tpu.enqueue_indirect_dma source(%dma_start3A_41 : memref<10240x32xf32, #tpu.memory_space<hbm>>) target(%dma_start3A_35 : memref<128x32xf32, #tpu.memory_space<vmem>>) offsets(%dma_start3A_38 : memref<128xi32, #tpu.memory_space<vmem>>) semaphore(%arg11 : memref<!tpu.dma_semaphore, #tpu.memory_space<semaphore_mem>>)
      %dma_start3A_42 = arith.constant 128 : i32
      %dma_start3A_43 = arith.constant 0 : i32
      %dma_start3A_44 = tpu.memref_slice %arg10[%dma_start3A_42, %dma_start3A_43] : memref<1280x16xf32, #tpu.memory_space<vmem>> -> memref<128x16xf32, #tpu.memory_space<vmem>>
      %dma_start3A_45 = arith.constant 0 : i32
      %dma_start3A_46 = tpu.memref_slice %arg8[%add3A_32, %dma_start3A_45] : memref<40x128xi32, #tpu.memory_space<vmem>> -> memref<1x128xi32, #tpu.memory_space<vmem>>
      %dma_start3A_47 = tpu.memref_squeeze %dma_start3A_46 : memref<1x128xi32, #tpu.memory_space<vmem>> -> memref<128xi32, #tpu.memory_space<vmem>>
      %dma_start3A_48 = arith.constant 0 : i32
      %dma_start3A_49 = arith.constant 0 : i32
      %dma_start3A_50 = tpu.memref_slice %arg5[%dma_start3A_48, %dma_start3A_49] : memref<10240x16xf32, #tpu.memory_space<hbm>> -> memref<10240x16xf32, #tpu.memory_space<hbm>>
      tpu.enqueue_indirect_dma source(%dma_start3A_50 : memref<10240x16xf32, #tpu.memory_space<hbm>>) target(%dma_start3A_44 : memref<128x16xf32, #tpu.memory_space<vmem>>) offsets(%dma_start3A_47 : memref<128xi32, #tpu.memory_space<vmem>>) semaphore(%arg11 : memref<!tpu.dma_semaphore, #tpu.memory_space<semaphore_mem>>)
      %mul3A_51 = arith.constant 10 : i32
      %mul3A_52 = arith.muli %scan3A_7, %mul3A_51 : i32
      %add3A_53 = arith.constant 2 : i32
      %add3A_54 = arith.addi %mul3A_52, %add3A_53 : i32
      %dma_start3A_55 = arith.constant 256 : i32
      %dma_start3A_56 = arith.constant 0 : i32
      %dma_start3A_57 = tpu.memref_slice %arg9[%dma_start3A_55, %dma_start3A_56] : memref<1280x32xf32, #tpu.memory_space<vmem>> -> memref<128x32xf32, #tpu.memory_space<vmem>>
      %dma_start3A_58 = arith.constant 0 : i32
      %dma_start3A_59 = tpu.memref_slice %arg7[%add3A_54, %dma_start3A_58] : memref<40x128xi32, #tpu.memory_space<vmem>> -> memref<1x128xi32, #tpu.memory_space<vmem>>
      %dma_start3A_60 = tpu.memref_squeeze %dma_start3A_59 : memref<1x128xi32, #tpu.memory_space<vmem>> -> memref<128xi32, #tpu.memory_space<vmem>>
      %dma_start3A_61 = arith.constant 0 : i32
      %dma_start3A_62 = arith.constant 0 : i32
      %dma_start3A_63 = tpu.memref_slice %arg4[%dma_start3A_61, %dma_start3A_62] : memref<10240x32xf32, #tpu.memory_space<hbm>> -> memref<10240x32xf32, #tpu.memory_space<hbm>>
      tpu.enqueue_indirect_dma source(%dma_start3A_63 : memref<10240x32xf32, #tpu.memory_space<hbm>>) target(%dma_start3A_57 : memref<128x32xf32, #tpu.memory_space<vmem>>) offsets(%dma_start3A_60 : memref<128xi32, #tpu.memory_space<vmem>>) semaphore(%arg11 : memref<!tpu.dma_semaphore, #tpu.memory_space<semaphore_mem>>)
      %dma_start3A_64 = arith.constant 256 : i32
      %dma_start3A_65 = arith.constant 0 : i32
      %dma_start3A_66 = tpu.memref_slice %arg10[%dma_start3A_64, %dma_start3A_65] : memref<1280x16xf32, #tpu.memory_space<vmem>> -> memref<128x16xf32, #tpu.memory_space<vmem>>
      %dma_start3A_67 = arith.constant 0 : i32
      %dma_start3A_68 = tpu.memref_slice %arg8[%add3A_54, %dma_start3A_67] : memref<40x128xi32, #tpu.memory_space<vmem>> -> memref<1x128xi32, #tpu.memory_space<vmem>>
      %dma_start3A_69 = tpu.memref_squeeze %dma_start3A_68 : memref<1x128xi32, #tpu.memory_space<vmem>> -> memref<128xi32, #tpu.memory_space<vmem>>
      %dma_start3A_70 = arith.constant 0 : i32
      %dma_start3A_71 = arith.constant 0 : i32
      %dma_start3A_72 = tpu.memref_slice %arg5[%dma_start3A_70, %dma_start3A_71] : memref<10240x16xf32, #tpu.memory_space<hbm>> -> memref<10240x16xf32, #tpu.memory_space<hbm>>
      tpu.enqueue_indirect_dma source(%dma_start3A_72 : memref<10240x16xf32, #tpu.memory_space<hbm>>) target(%dma_start3A_66 : memref<128x16xf32, #tpu.memory_space<vmem>>) offsets(%dma_start3A_69 : memref<128xi32, #tpu.memory_space<vmem>>) semaphore(%arg11 : memref<!tpu.dma_semaphore, #tpu.memory_space<semaphore_mem>>)
      %mul3A_73 = arith.constant 10 : i32
      %mul3A_74 = arith.muli %scan3A_7, %mul3A_73 : i32
      %add3A_75 = arith.constant 3 : i32
      %add3A_76 = arith.addi %mul3A_74, %add3A_75 : i32
      %dma_start3A_77 = arith.constant 384 : i32
      %dma_start3A_78 = arith.constant 0 : i32
      %dma_start3A_79 = tpu.memref_slice %arg9[%dma_start3A_77, %dma_start3A_78] : memref<1280x32xf32, #tpu.memory_space<vmem>> -> memref<128x32xf32, #tpu.memory_space<vmem>>
      %dma_start3A_80 = arith.constant 0 : i32
      %dma_start3A_81 = tpu.memref_slice %arg7[%add3A_76, %dma_start3A_80] : memref<40x128xi32, #tpu.memory_space<vmem>> -> memref<1x128xi32, #tpu.memory_space<vmem>>
      %dma_start3A_82 = tpu.memref_squeeze %dma_start3A_81 : memref<1x128xi32, #tpu.memory_space<vmem>> -> memref<128xi32, #tpu.memory_space<vmem>>
      %dma_start3A_83 = arith.constant 0 : i32
      %dma_start3A_84 = arith.constant 0 : i32
      %dma_start3A_85 = tpu.memref_slice %arg4[%dma_start3A_83, %dma_start3A_84] : memref<10240x32xf32, #tpu.memory_space<hbm>> -> memref<10240x32xf32, #tpu.memory_space<hbm>>
      tpu.enqueue_indirect_dma source(%dma_start3A_85 : memref<10240x32xf32, #tpu.memory_space<hbm>>) target(%dma_start3A_79 : memref<128x32xf32, #tpu.memory_space<vmem>>) offsets(%dma_start3A_82 : memref<128xi32, #tpu.memory_space<vmem>>) semaphore(%arg11 : memref<!tpu.dma_semaphore, #tpu.memory_space<semaphore_mem>>)
      %dma_start3A_86 = arith.constant 384 : i32
      %dma_start3A_87 = arith.constant 0 : i32
      %dma_start3A_88 = tpu.memref_slice %arg10[%dma_start3A_86, %dma_start3A_87] : memref<1280x16xf32, #tpu.memory_space<vmem>> -> memref<128x16xf32, #tpu.memory_space<vmem>>
      %dma_start3A_89 = arith.constant 0 : i32
      %dma_start3A_90 = tpu.memref_slice %arg8[%add3A_76, %dma_start3A_89] : memref<40x128xi32, #tpu.memory_space<vmem>> -> memref<1x128xi32, #tpu.memory_space<vmem>>
      %dma_start3A_91 = tpu.memref_squeeze %dma_start3A_90 : memref<1x128xi32, #tpu.memory_space<vmem>> -> memref<128xi32, #tpu.memory_space<vmem>>
      %dma_start3A_92 = arith.constant 0 : i32
      %dma_start3A_93 = arith.constant 0 : i32
      %dma_start3A_94 = tpu.memref_slice %arg5[%dma_start3A_92, %dma_start3A_93] : memref<10240x16xf32, #tpu.memory_space<hbm>> -> memref<10240x16xf32, #tpu.memory_space<hbm>>
      tpu.enqueue_indirect_dma source(%dma_start3A_94 : memref<10240x16xf32, #tpu.memory_space<hbm>>) target(%dma_start3A_88 : memref<128x16xf32, #tpu.memory_space<vmem>>) offsets(%dma_start3A_91 : memref<128xi32, #tpu.memory_space<vmem>>) semaphore(%arg11 : memref<!tpu.dma_semaphore, #tpu.memory_space<semaphore_mem>>)
      %mul3A_95 = arith.constant 10 : i32
      %mul3A_96 = arith.muli %scan3A_7, %mul3A_95 : i32
      %add3A_97 = arith.constant 4 : i32
      %add3A_98 = arith.addi %mul3A_96, %add3A_97 : i32
      %dma_start3A_99 = arith.constant 512 : i32
      %dma_start3A_100 = arith.constant 0 : i32
      %dma_start3A_101 = tpu.memref_slice %arg9[%dma_start3A_99, %dma_start3A_100] : memref<1280x32xf32, #tpu.memory_space<vmem>> -> memref<128x32xf32, #tpu.memory_space<vmem>>
      %dma_start3A_102 = arith.constant 0 : i32
      %dma_start3A_103 = tpu.memref_slice %arg7[%add3A_98, %dma_start3A_102] : memref<40x128xi32, #tpu.memory_space<vmem>> -> memref<1x128xi32, #tpu.memory_space<vmem>>
      %dma_start3A_104 = tpu.memref_squeeze %dma_start3A_103 : memref<1x128xi32, #tpu.memory_space<vmem>> -> memref<128xi32, #tpu.memory_space<vmem>>
      %dma_start3A_105 = arith.constant 0 : i32
      %dma_start3A_106 = arith.constant 0 : i32
      %dma_start3A_107 = tpu.memref_slice %arg4[%dma_start3A_105, %dma_start3A_106] : memref<10240x32xf32, #tpu.memory_space<hbm>> -> memref<10240x32xf32, #tpu.memory_space<hbm>>
      tpu.enqueue_indirect_dma source(%dma_start3A_107 : memref<10240x32xf32, #tpu.memory_space<hbm>>) target(%dma_start3A_101 : memref<128x32xf32, #tpu.memory_space<vmem>>) offsets(%dma_start3A_104 : memref<128xi32, #tpu.memory_space<vmem>>) semaphore(%arg11 : memref<!tpu.dma_semaphore, #tpu.memory_space<semaphore_mem>>)
      %dma_start3A_108 = arith.constant 512 : i32
      %dma_start3A_109 = arith.constant 0 : i32
      %dma_start3A_110 = tpu.memref_slice %arg10[%dma_start3A_108, %dma_start3A_109] : memref<1280x16xf32, #tpu.memory_space<vmem>> -> memref<128x16xf32, #tpu.memory_space<vmem>>
      %dma_start3A_111 = arith.constant 0 : i32
      %dma_start3A_112 = tpu.memref_slice %arg8[%add3A_98, %dma_start3A_111] : memref<40x128xi32, #tpu.memory_space<vmem>> -> memref<1x128xi32, #tpu.memory_space<vmem>>
      %dma_start3A_113 = tpu.memref_squeeze %dma_start3A_112 : memref<1x128xi32, #tpu.memory_space<vmem>> -> memref<128xi32, #tpu.memory_space<vmem>>
      %dma_start3A_114 = arith.constant 0 : i32
      %dma_start3A_115 = arith.constant 0 : i32
      %dma_start3A_116 = tpu.memref_slice %arg5[%dma_start3A_114, %dma_start3A_115] : memref<10240x16xf32, #tpu.memory_space<hbm>> -> memref<10240x16xf32, #tpu.memory_space<hbm>>
      tpu.enqueue_indirect_dma source(%dma_start3A_116 : memref<10240x16xf32, #tpu.memory_space<hbm>>) target(%dma_start3A_110 : memref<128x16xf32, #tpu.memory_space<vmem>>) offsets(%dma_start3A_113 : memref<128xi32, #tpu.memory_space<vmem>>) semaphore(%arg11 : memref<!tpu.dma_semaphore, #tpu.memory_space<semaphore_mem>>)
      %mul3A_117 = arith.constant 10 : i32
      %mul3A_118 = arith.muli %scan3A_7, %mul3A_117 : i32
      %add3A_119 = arith.constant 5 : i32
      %add3A_120 = arith.addi %mul3A_118, %add3A_119 : i32
      %dma_start3A_121 = arith.constant 640 : i32
      %dma_start3A_122 = arith.constant 0 : i32
      %dma_start3A_123 = tpu.memref_slice %arg9[%dma_start3A_121, %dma_start3A_122] : memref<1280x32xf32, #tpu.memory_space<vmem>> -> memref<128x32xf32, #tpu.memory_space<vmem>>
      %dma_start3A_124 = arith.constant 0 : i32
      %dma_start3A_125 = tpu.memref_slice %arg7[%add3A_120, %dma_start3A_124] : memref<40x128xi32, #tpu.memory_space<vmem>> -> memref<1x128xi32, #tpu.memory_space<vmem>>
      %dma_start3A_126 = tpu.memref_squeeze %dma_start3A_125 : memref<1x128xi32, #tpu.memory_space<vmem>> -> memref<128xi32, #tpu.memory_space<vmem>>
      %dma_start3A_127 = arith.constant 0 : i32
      %dma_start3A_128 = arith.constant 0 : i32
      %dma_start3A_129 = tpu.memref_slice %arg4[%dma_start3A_127, %dma_start3A_128] : memref<10240x32xf32, #tpu.memory_space<hbm>> -> memref<10240x32xf32, #tpu.memory_space<hbm>>
      tpu.enqueue_indirect_dma source(%dma_start3A_129 : memref<10240x32xf32, #tpu.memory_space<hbm>>) target(%dma_start3A_123 : memref<128x32xf32, #tpu.memory_space<vmem>>) offsets(%dma_start3A_126 : memref<128xi32, #tpu.memory_space<vmem>>) semaphore(%arg11 : memref<!tpu.dma_semaphore, #tpu.memory_space<semaphore_mem>>)
      %dma_start3A_130 = arith.constant 640 : i32
      %dma_start3A_131 = arith.constant 0 : i32
      %dma_start3A_132 = tpu.memref_slice %arg10[%dma_start3A_130, %dma_start3A_131] : memref<1280x16xf32, #tpu.memory_space<vmem>> -> memref<128x16xf32, #tpu.memory_space<vmem>>
      %dma_start3A_133 = arith.constant 0 : i32
      %dma_start3A_134 = tpu.memref_slice %arg8[%add3A_120, %dma_start3A_133] : memref<40x128xi32, #tpu.memory_space<vmem>> -> memref<1x128xi32, #tpu.memory_space<vmem>>
      %dma_start3A_135 = tpu.memref_squeeze %dma_start3A_134 : memref<1x128xi32, #tpu.memory_space<vmem>> -> memref<128xi32, #tpu.memory_space<vmem>>
      %dma_start3A_136 = arith.constant 0 : i32
      %dma_start3A_137 = arith.constant 0 : i32
      %dma_start3A_138 = tpu.memref_slice %arg5[%dma_start3A_136, %dma_start3A_137] : memref<10240x16xf32, #tpu.memory_space<hbm>> -> memref<10240x16xf32, #tpu.memory_space<hbm>>
      tpu.enqueue_indirect_dma source(%dma_start3A_138 : memref<10240x16xf32, #tpu.memory_space<hbm>>) target(%dma_start3A_132 : memref<128x16xf32, #tpu.memory_space<vmem>>) offsets(%dma_start3A_135 : memref<128xi32, #tpu.memory_space<vmem>>) semaphore(%arg11 : memref<!tpu.dma_semaphore, #tpu.memory_space<semaphore_mem>>)
      %mul3A_139 = arith.constant 10 : i32
      %mul3A_140 = arith.muli %scan3A_7, %mul3A_139 : i32
      %add3A_141 = arith.constant 6 : i32
      %add3A_142 = arith.addi %mul3A_140, %add3A_141 : i32
      %dma_start3A_143 = arith.constant 768 : i32
      %dma_start3A_144 = arith.constant 0 : i32
      %dma_start3A_145 = tpu.memref_slice %arg9[%dma_start3A_143, %dma_start3A_144] : memref<1280x32xf32, #tpu.memory_space<vmem>> -> memref<128x32xf32, #tpu.memory_space<vmem>>
      %dma_start3A_146 = arith.constant 0 : i32
      %dma_start3A_147 = tpu.memref_slice %arg7[%add3A_142, %dma_start3A_146] : memref<40x128xi32, #tpu.memory_space<vmem>> -> memref<1x128xi32, #tpu.memory_space<vmem>>
      %dma_start3A_148 = tpu.memref_squeeze %dma_start3A_147 : memref<1x128xi32, #tpu.memory_space<vmem>> -> memref<128xi32, #tpu.memory_space<vmem>>
      %dma_start3A_149 = arith.constant 0 : i32
      %dma_start3A_150 = arith.constant 0 : i32
      %dma_start3A_151 = tpu.memref_slice %arg4[%dma_start3A_149, %dma_start3A_150] : memref<10240x32xf32, #tpu.memory_space<hbm>> -> memref<10240x32xf32, #tpu.memory_space<hbm>>
      tpu.enqueue_indirect_dma source(%dma_start3A_151 : memref<10240x32xf32, #tpu.memory_space<hbm>>) target(%dma_start3A_145 : memref<128x32xf32, #tpu.memory_space<vmem>>) offsets(%dma_start3A_148 : memref<128xi32, #tpu.memory_space<vmem>>) semaphore(%arg11 : memref<!tpu.dma_semaphore, #tpu.memory_space<semaphore_mem>>)
      %dma_start3A_152 = arith.constant 768 : i32
      %dma_start3A_153 = arith.constant 0 : i32
      %dma_start3A_154 = tpu.memref_slice %arg10[%dma_start3A_152, %dma_start3A_153] : memref<1280x16xf32, #tpu.memory_space<vmem>> -> memref<128x16xf32, #tpu.memory_space<vmem>>
      %dma_start3A_155 = arith.constant 0 : i32
      %dma_start3A_156 = tpu.memref_slice %arg8[%add3A_142, %dma_start3A_155] : memref<40x128xi32, #tpu.memory_space<vmem>> -> memref<1x128xi32, #tpu.memory_space<vmem>>
      %dma_start3A_157 = tpu.memref_squeeze %dma_start3A_156 : memref<1x128xi32, #tpu.memory_space<vmem>> -> memref<128xi32, #tpu.memory_space<vmem>>
      %dma_start3A_158 = arith.constant 0 : i32
      %dma_start3A_159 = arith.constant 0 : i32
      %dma_start3A_160 = tpu.memref_slice %arg5[%dma_start3A_158, %dma_start3A_159] : memref<10240x16xf32, #tpu.memory_space<hbm>> -> memref<10240x16xf32, #tpu.memory_space<hbm>>
      tpu.enqueue_indirect_dma source(%dma_start3A_160 : memref<10240x16xf32, #tpu.memory_space<hbm>>) target(%dma_start3A_154 : memref<128x16xf32, #tpu.memory_space<vmem>>) offsets(%dma_start3A_157 : memref<128xi32, #tpu.memory_space<vmem>>) semaphore(%arg11 : memref<!tpu.dma_semaphore, #tpu.memory_space<semaphore_mem>>)
      %mul3A_161 = arith.constant 10 : i32
      %mul3A_162 = arith.muli %scan3A_7, %mul3A_161 : i32
      %add3A_163 = arith.constant 7 : i32
      %add3A_164 = arith.addi %mul3A_162, %add3A_163 : i32
      %dma_start3A_165 = arith.constant 896 : i32
      %dma_start3A_166 = arith.constant 0 : i32
      %dma_start3A_167 = tpu.memref_slice %arg9[%dma_start3A_165, %dma_start3A_166] : memref<1280x32xf32, #tpu.memory_space<vmem>> -> memref<128x32xf32, #tpu.memory_space<vmem>>
      %dma_start3A_168 = arith.constant 0 : i32
      %dma_start3A_169 = tpu.memref_slice %arg7[%add3A_164, %dma_start3A_168] : memref<40x128xi32, #tpu.memory_space<vmem>> -> memref<1x128xi32, #tpu.memory_space<vmem>>
      %dma_start3A_170 = tpu.memref_squeeze %dma_start3A_169 : memref<1x128xi32, #tpu.memory_space<vmem>> -> memref<128xi32, #tpu.memory_space<vmem>>
      %dma_start3A_171 = arith.constant 0 : i32
      %dma_start3A_172 = arith.constant 0 : i32
      %dma_start3A_173 = tpu.memref_slice %arg4[%dma_start3A_171, %dma_start3A_172] : memref<10240x32xf32, #tpu.memory_space<hbm>> -> memref<10240x32xf32, #tpu.memory_space<hbm>>
      tpu.enqueue_indirect_dma source(%dma_start3A_173 : memref<10240x32xf32, #tpu.memory_space<hbm>>) target(%dma_start3A_167 : memref<128x32xf32, #tpu.memory_space<vmem>>) offsets(%dma_start3A_170 : memref<128xi32, #tpu.memory_space<vmem>>) semaphore(%arg11 : memref<!tpu.dma_semaphore, #tpu.memory_space<semaphore_mem>>)
      %dma_start3A_174 = arith.constant 896 : i32
      %dma_start3A_175 = arith.constant 0 : i32
      %dma_start3A_176 = tpu.memref_slice %arg10[%dma_start3A_174, %dma_start3A_175] : memref<1280x16xf32, #tpu.memory_space<vmem>> -> memref<128x16xf32, #tpu.memory_space<vmem>>
      %dma_start3A_177 = arith.constant 0 : i32
      %dma_start3A_178 = tpu.memref_slice %arg8[%add3A_164, %dma_start3A_177] : memref<40x128xi32, #tpu.memory_space<vmem>> -> memref<1x128xi32, #tpu.memory_space<vmem>>
      %dma_start3A_179 = tpu.memref_squeeze %dma_start3A_178 : memref<1x128xi32, #tpu.memory_space<vmem>> -> memref<128xi32, #tpu.memory_space<vmem>>
      %dma_start3A_180 = arith.constant 0 : i32
      %dma_start3A_181 = arith.constant 0 : i32
      %dma_start3A_182 = tpu.memref_slice %arg5[%dma_start3A_180, %dma_start3A_181] : memref<10240x16xf32, #tpu.memory_space<hbm>> -> memref<10240x16xf32, #tpu.memory_space<hbm>>
      tpu.enqueue_indirect_dma source(%dma_start3A_182 : memref<10240x16xf32, #tpu.memory_space<hbm>>) target(%dma_start3A_176 : memref<128x16xf32, #tpu.memory_space<vmem>>) offsets(%dma_start3A_179 : memref<128xi32, #tpu.memory_space<vmem>>) semaphore(%arg11 : memref<!tpu.dma_semaphore, #tpu.memory_space<semaphore_mem>>)
      %mul3A_183 = arith.constant 10 : i32
      %mul3A_184 = arith.muli %scan3A_7, %mul3A_183 : i32
      %add3A_185 = arith.constant 8 : i32
      %add3A_186 = arith.addi %mul3A_184, %add3A_185 : i32
      %dma_start3A_187 = arith.constant 1024 : i32
      %dma_start3A_188 = arith.constant 0 : i32
      %dma_start3A_189 = tpu.memref_slice %arg9[%dma_start3A_187, %dma_start3A_188] : memref<1280x32xf32, #tpu.memory_space<vmem>> -> memref<128x32xf32, #tpu.memory_space<vmem>>
      %dma_start3A_190 = arith.constant 0 : i32
      %dma_start3A_191 = tpu.memref_slice %arg7[%add3A_186, %dma_start3A_190] : memref<40x128xi32, #tpu.memory_space<vmem>> -> memref<1x128xi32, #tpu.memory_space<vmem>>
      %dma_start3A_192 = tpu.memref_squeeze %dma_start3A_191 : memref<1x128xi32, #tpu.memory_space<vmem>> -> memref<128xi32, #tpu.memory_space<vmem>>
      %dma_start3A_193 = arith.constant 0 : i32
      %dma_start3A_194 = arith.constant 0 : i32
      %dma_start3A_195 = tpu.memref_slice %arg4[%dma_start3A_193, %dma_start3A_194] : memref<10240x32xf32, #tpu.memory_space<hbm>> -> memref<10240x32xf32, #tpu.memory_space<hbm>>
      tpu.enqueue_indirect_dma source(%dma_start3A_195 : memref<10240x32xf32, #tpu.memory_space<hbm>>) target(%dma_start3A_189 : memref<128x32xf32, #tpu.memory_space<vmem>>) offsets(%dma_start3A_192 : memref<128xi32, #tpu.memory_space<vmem>>) semaphore(%arg11 : memref<!tpu.dma_semaphore, #tpu.memory_space<semaphore_mem>>)
      %dma_start3A_196 = arith.constant 1024 : i32
      %dma_start3A_197 = arith.constant 0 : i32
      %dma_start3A_198 = tpu.memref_slice %arg10[%dma_start3A_196, %dma_start3A_197] : memref<1280x16xf32, #tpu.memory_space<vmem>> -> memref<128x16xf32, #tpu.memory_space<vmem>>
      %dma_start3A_199 = arith.constant 0 : i32
      %dma_start3A_200 = tpu.memref_slice %arg8[%add3A_186, %dma_start3A_199] : memref<40x128xi32, #tpu.memory_space<vmem>> -> memref<1x128xi32, #tpu.memory_space<vmem>>
      %dma_start3A_201 = tpu.memref_squeeze %dma_start3A_200 : memref<1x128xi32, #tpu.memory_space<vmem>> -> memref<128xi32, #tpu.memory_space<vmem>>
      %dma_start3A_202 = arith.constant 0 : i32
      %dma_start3A_203 = arith.constant 0 : i32
      %dma_start3A_204 = tpu.memref_slice %arg5[%dma_start3A_202, %dma_start3A_203] : memref<10240x16xf32, #tpu.memory_space<hbm>> -> memref<10240x16xf32, #tpu.memory_space<hbm>>
      tpu.enqueue_indirect_dma source(%dma_start3A_204 : memref<10240x16xf32, #tpu.memory_space<hbm>>) target(%dma_start3A_198 : memref<128x16xf32, #tpu.memory_space<vmem>>) offsets(%dma_start3A_201 : memref<128xi32, #tpu.memory_space<vmem>>) semaphore(%arg11 : memref<!tpu.dma_semaphore, #tpu.memory_space<semaphore_mem>>)
      %mul3A_205 = arith.constant 10 : i32
      %mul3A_206 = arith.muli %scan3A_7, %mul3A_205 : i32
      %add3A_207 = arith.constant 9 : i32
      %add3A_208 = arith.addi %mul3A_206, %add3A_207 : i32
      %dma_start3A_209 = arith.constant 1152 : i32
      %dma_start3A_210 = arith.constant 0 : i32
      %dma_start3A_211 = tpu.memref_slice %arg9[%dma_start3A_209, %dma_start3A_210] : memref<1280x32xf32, #tpu.memory_space<vmem>> -> memref<128x32xf32, #tpu.memory_space<vmem>>
      %dma_start3A_212 = arith.constant 0 : i32
      %dma_start3A_213 = tpu.memref_slice %arg7[%add3A_208, %dma_start3A_212] : memref<40x128xi32, #tpu.memory_space<vmem>> -> memref<1x128xi32, #tpu.memory_space<vmem>>
      %dma_start3A_214 = tpu.memref_squeeze %dma_start3A_213 : memref<1x128xi32, #tpu.memory_space<vmem>> -> memref<128xi32, #tpu.memory_space<vmem>>
      %dma_start3A_215 = arith.constant 0 : i32
      %dma_start3A_216 = arith.constant 0 : i32
      %dma_start3A_217 = tpu.memref_slice %arg4[%dma_start3A_215, %dma_start3A_216] : memref<10240x32xf32, #tpu.memory_space<hbm>> -> memref<10240x32xf32, #tpu.memory_space<hbm>>
      tpu.enqueue_indirect_dma source(%dma_start3A_217 : memref<10240x32xf32, #tpu.memory_space<hbm>>) target(%dma_start3A_211 : memref<128x32xf32, #tpu.memory_space<vmem>>) offsets(%dma_start3A_214 : memref<128xi32, #tpu.memory_space<vmem>>) semaphore(%arg11 : memref<!tpu.dma_semaphore, #tpu.memory_space<semaphore_mem>>)
      %dma_start3A_218 = arith.constant 1152 : i32
      %dma_start3A_219 = arith.constant 0 : i32
      %dma_start3A_220 = tpu.memref_slice %arg10[%dma_start3A_218, %dma_start3A_219] : memref<1280x16xf32, #tpu.memory_space<vmem>> -> memref<128x16xf32, #tpu.memory_space<vmem>>
      %dma_start3A_221 = arith.constant 0 : i32
      %dma_start3A_222 = tpu.memref_slice %arg8[%add3A_208, %dma_start3A_221] : memref<40x128xi32, #tpu.memory_space<vmem>> -> memref<1x128xi32, #tpu.memory_space<vmem>>
      %dma_start3A_223 = tpu.memref_squeeze %dma_start3A_222 : memref<1x128xi32, #tpu.memory_space<vmem>> -> memref<128xi32, #tpu.memory_space<vmem>>
      %dma_start3A_224 = arith.constant 0 : i32
      %dma_start3A_225 = arith.constant 0 : i32
      %dma_start3A_226 = tpu.memref_slice %arg5[%dma_start3A_224, %dma_start3A_225] : memref<10240x16xf32, #tpu.memory_space<hbm>> -> memref<10240x16xf32, #tpu.memory_space<hbm>>
      tpu.enqueue_indirect_dma source(%dma_start3A_226 : memref<10240x16xf32, #tpu.memory_space<hbm>>) target(%dma_start3A_220 : memref<128x16xf32, #tpu.memory_space<vmem>>) offsets(%dma_start3A_223 : memref<128xi32, #tpu.memory_space<vmem>>) semaphore(%arg11 : memref<!tpu.dma_semaphore, #tpu.memory_space<semaphore_mem>>)
      %dma_wait3A = arith.constant 0 : i32
      %dma_wait3A_227 = arith.constant 0 : i32
      %dma_wait3A_228 = tpu.memref_slice %arg9[%dma_wait3A, %dma_wait3A_227] : memref<1280x32xf32, #tpu.memory_space<vmem>> -> memref<128x32xf32, #tpu.memory_space<vmem>>
      %dma_wait3A_229 = arith.constant 0 : i32
      %dma_wait3A_230 = tpu.memref_slice %arg7[%add3A_11, %dma_wait3A_229] : memref<40x128xi32, #tpu.memory_space<vmem>> -> memref<1x128xi32, #tpu.memory_space<vmem>>
      %dma_wait3A_231 = tpu.memref_squeeze %dma_wait3A_230 : memref<1x128xi32, #tpu.memory_space<vmem>> -> memref<128xi32, #tpu.memory_space<vmem>>
      %dma_wait3A_232 = arith.constant 0 : i32
      %dma_wait3A_233 = arith.constant 0 : i32
      %dma_wait3A_234 = tpu.memref_slice %arg4[%dma_wait3A_232, %dma_wait3A_233] : memref<10240x32xf32, #tpu.memory_space<hbm>> -> memref<10240x32xf32, #tpu.memory_space<hbm>>
      tpu.wait_indirect_dma semaphore(%arg11 : memref<!tpu.dma_semaphore, #tpu.memory_space<semaphore_mem>>) src(%dma_wait3A_234 : memref<10240x32xf32, #tpu.memory_space<hbm>>) dst(%dma_wait3A_228 : memref<128x32xf32, #tpu.memory_space<vmem>>)
      %dma_wait3A_235 = arith.constant 0 : i32
      %dma_wait3A_236 = arith.constant 0 : i32
      %dma_wait3A_237 = tpu.memref_slice %arg10[%dma_wait3A_235, %dma_wait3A_236] : memref<1280x16xf32, #tpu.memory_space<vmem>> -> memref<128x16xf32, #tpu.memory_space<vmem>>
      %dma_wait3A_238 = arith.constant 0 : i32
      %dma_wait3A_239 = tpu.memref_slice %arg8[%add3A_11, %dma_wait3A_238] : memref<40x128xi32, #tpu.memory_space<vmem>> -> memref<1x128xi32, #tpu.memory_space<vmem>>
      %dma_wait3A_240 = tpu.memref_squeeze %dma_wait3A_239 : memref<1x128xi32, #tpu.memory_space<vmem>> -> memref<128xi32, #tpu.memory_space<vmem>>
      %dma_wait3A_241 = arith.constant 0 : i32
      %dma_wait3A_242 = arith.constant 0 : i32
      %dma_wait3A_243 = tpu.memref_slice %arg5[%dma_wait3A_241, %dma_wait3A_242] : memref<10240x16xf32, #tpu.memory_space<hbm>> -> memref<10240x16xf32, #tpu.memory_space<hbm>>
      tpu.wait_indirect_dma semaphore(%arg11 : memref<!tpu.dma_semaphore, #tpu.memory_space<semaphore_mem>>) src(%dma_wait3A_243 : memref<10240x16xf32, #tpu.memory_space<hbm>>) dst(%dma_wait3A_237 : memref<128x16xf32, #tpu.memory_space<vmem>>)
      %dma_wait3A_244 = arith.constant 128 : i32
      %dma_wait3A_245 = arith.constant 0 : i32
      %dma_wait3A_246 = tpu.memref_slice %arg9[%dma_wait3A_244, %dma_wait3A_245] : memref<1280x32xf32, #tpu.memory_space<vmem>> -> memref<128x32xf32, #tpu.memory_space<vmem>>
      %dma_wait3A_247 = arith.constant 0 : i32
      %dma_wait3A_248 = tpu.memref_slice %arg7[%add3A_32, %dma_wait3A_247] : memref<40x128xi32, #tpu.memory_space<vmem>> -> memref<1x128xi32, #tpu.memory_space<vmem>>
      %dma_wait3A_249 = tpu.memref_squeeze %dma_wait3A_248 : memref<1x128xi32, #tpu.memory_space<vmem>> -> memref<128xi32, #tpu.memory_space<vmem>>
      %dma_wait3A_250 = arith.constant 0 : i32
      %dma_wait3A_251 = arith.constant 0 : i32
      %dma_wait3A_252 = tpu.memref_slice %arg4[%dma_wait3A_250, %dma_wait3A_251] : memref<10240x32xf32, #tpu.memory_space<hbm>> -> memref<10240x32xf32, #tpu.memory_space<hbm>>
      tpu.wait_indirect_dma semaphore(%arg11 : memref<!tpu.dma_semaphore, #tpu.memory_space<semaphore_mem>>) src(%dma_wait3A_252 : memref<10240x32xf32, #tpu.memory_space<hbm>>) dst(%dma_wait3A_246 : memref<128x32xf32, #tpu.memory_space<vmem>>)
      %dma_wait3A_253 = arith.constant 128 : i32
      %dma_wait3A_254 = arith.constant 0 : i32
      %dma_wait3A_255 = tpu.memref_slice %arg10[%dma_wait3A_253, %dma_wait3A_254] : memref<1280x16xf32, #tpu.memory_space<vmem>> -> memref<128x16xf32, #tpu.memory_space<vmem>>
      %dma_wait3A_256 = arith.constant 0 : i32
      %dma_wait3A_257 = tpu.memref_slice %arg8[%add3A_32, %dma_wait3A_256] : memref<40x128xi32, #tpu.memory_space<vmem>> -> memref<1x128xi32, #tpu.memory_space<vmem>>
      %dma_wait3A_258 = tpu.memref_squeeze %dma_wait3A_257 : memref<1x128xi32, #tpu.memory_space<vmem>> -> memref<128xi32, #tpu.memory_space<vmem>>
      %dma_wait3A_259 = arith.constant 0 : i32
      %dma_wait3A_260 = arith.constant 0 : i32
      %dma_wait3A_261 = tpu.memref_slice %arg5[%dma_wait3A_259, %dma_wait3A_260] : memref<10240x16xf32, #tpu.memory_space<hbm>> -> memref<10240x16xf32, #tpu.memory_space<hbm>>
      tpu.wait_indirect_dma semaphore(%arg11 : memref<!tpu.dma_semaphore, #tpu.memory_space<semaphore_mem>>) src(%dma_wait3A_261 : memref<10240x16xf32, #tpu.memory_space<hbm>>) dst(%dma_wait3A_255 : memref<128x16xf32, #tpu.memory_space<vmem>>)
      %dma_wait3A_262 = arith.constant 256 : i32
      %dma_wait3A_263 = arith.constant 0 : i32
      %dma_wait3A_264 = tpu.memref_slice %arg9[%dma_wait3A_262, %dma_wait3A_263] : memref<1280x32xf32, #tpu.memory_space<vmem>> -> memref<128x32xf32, #tpu.memory_space<vmem>>
      %dma_wait3A_265 = arith.constant 0 : i32
      %dma_wait3A_266 = tpu.memref_slice %arg7[%add3A_54, %dma_wait3A_265] : memref<40x128xi32, #tpu.memory_space<vmem>> -> memref<1x128xi32, #tpu.memory_space<vmem>>
      %dma_wait3A_267 = tpu.memref_squeeze %dma_wait3A_266 : memref<1x128xi32, #tpu.memory_space<vmem>> -> memref<128xi32, #tpu.memory_space<vmem>>
      %dma_wait3A_268 = arith.constant 0 : i32
      %dma_wait3A_269 = arith.constant 0 : i32
      %dma_wait3A_270 = tpu.memref_slice %arg4[%dma_wait3A_268, %dma_wait3A_269] : memref<10240x32xf32, #tpu.memory_space<hbm>> -> memref<10240x32xf32, #tpu.memory_space<hbm>>
      tpu.wait_indirect_dma semaphore(%arg11 : memref<!tpu.dma_semaphore, #tpu.memory_space<semaphore_mem>>) src(%dma_wait3A_270 : memref<10240x32xf32, #tpu.memory_space<hbm>>) dst(%dma_wait3A_264 : memref<128x32xf32, #tpu.memory_space<vmem>>)
      %dma_wait3A_271 = arith.constant 256 : i32
      %dma_wait3A_272 = arith.constant 0 : i32
      %dma_wait3A_273 = tpu.memref_slice %arg10[%dma_wait3A_271, %dma_wait3A_272] : memref<1280x16xf32, #tpu.memory_space<vmem>> -> memref<128x16xf32, #tpu.memory_space<vmem>>
      %dma_wait3A_274 = arith.constant 0 : i32
      %dma_wait3A_275 = tpu.memref_slice %arg8[%add3A_54, %dma_wait3A_274] : memref<40x128xi32, #tpu.memory_space<vmem>> -> memref<1x128xi32, #tpu.memory_space<vmem>>
      %dma_wait3A_276 = tpu.memref_squeeze %dma_wait3A_275 : memref<1x128xi32, #tpu.memory_space<vmem>> -> memref<128xi32, #tpu.memory_space<vmem>>
      %dma_wait3A_277 = arith.constant 0 : i32
      %dma_wait3A_278 = arith.constant 0 : i32
      %dma_wait3A_279 = tpu.memref_slice %arg5[%dma_wait3A_277, %dma_wait3A_278] : memref<10240x16xf32, #tpu.memory_space<hbm>> -> memref<10240x16xf32, #tpu.memory_space<hbm>>
      tpu.wait_indirect_dma semaphore(%arg11 : memref<!tpu.dma_semaphore, #tpu.memory_space<semaphore_mem>>) src(%dma_wait3A_279 : memref<10240x16xf32, #tpu.memory_space<hbm>>) dst(%dma_wait3A_273 : memref<128x16xf32, #tpu.memory_space<vmem>>)
      %dma_wait3A_280 = arith.constant 384 : i32
      %dma_wait3A_281 = arith.constant 0 : i32
      %dma_wait3A_282 = tpu.memref_slice %arg9[%dma_wait3A_280, %dma_wait3A_281] : memref<1280x32xf32, #tpu.memory_space<vmem>> -> memref<128x32xf32, #tpu.memory_space<vmem>>
      %dma_wait3A_283 = arith.constant 0 : i32
      %dma_wait3A_284 = tpu.memref_slice %arg7[%add3A_76, %dma_wait3A_283] : memref<40x128xi32, #tpu.memory_space<vmem>> -> memref<1x128xi32, #tpu.memory_space<vmem>>
      %dma_wait3A_285 = tpu.memref_squeeze %dma_wait3A_284 : memref<1x128xi32, #tpu.memory_space<vmem>> -> memref<128xi32, #tpu.memory_space<vmem>>
      %dma_wait3A_286 = arith.constant 0 : i32
      %dma_wait3A_287 = arith.constant 0 : i32
      %dma_wait3A_288 = tpu.memref_slice %arg4[%dma_wait3A_286, %dma_wait3A_287] : memref<10240x32xf32, #tpu.memory_space<hbm>> -> memref<10240x32xf32, #tpu.memory_space<hbm>>
      tpu.wait_indirect_dma semaphore(%arg11 : memref<!tpu.dma_semaphore, #tpu.memory_space<semaphore_mem>>) src(%dma_wait3A_288 : memref<10240x32xf32, #tpu.memory_space<hbm>>) dst(%dma_wait3A_282 : memref<128x32xf32, #tpu.memory_space<vmem>>)
      %dma_wait3A_289 = arith.constant 384 : i32
      %dma_wait3A_290 = arith.constant 0 : i32
      %dma_wait3A_291 = tpu.memref_slice %arg10[%dma_wait3A_289, %dma_wait3A_290] : memref<1280x16xf32, #tpu.memory_space<vmem>> -> memref<128x16xf32, #tpu.memory_space<vmem>>
      %dma_wait3A_292 = arith.constant 0 : i32
      %dma_wait3A_293 = tpu.memref_slice %arg8[%add3A_76, %dma_wait3A_292] : memref<40x128xi32, #tpu.memory_space<vmem>> -> memref<1x128xi32, #tpu.memory_space<vmem>>
      %dma_wait3A_294 = tpu.memref_squeeze %dma_wait3A_293 : memref<1x128xi32, #tpu.memory_space<vmem>> -> memref<128xi32, #tpu.memory_space<vmem>>
      %dma_wait3A_295 = arith.constant 0 : i32
      %dma_wait3A_296 = arith.constant 0 : i32
      %dma_wait3A_297 = tpu.memref_slice %arg5[%dma_wait3A_295, %dma_wait3A_296] : memref<10240x16xf32, #tpu.memory_space<hbm>> -> memref<10240x16xf32, #tpu.memory_space<hbm>>
      tpu.wait_indirect_dma semaphore(%arg11 : memref<!tpu.dma_semaphore, #tpu.memory_space<semaphore_mem>>) src(%dma_wait3A_297 : memref<10240x16xf32, #tpu.memory_space<hbm>>) dst(%dma_wait3A_291 : memref<128x16xf32, #tpu.memory_space<vmem>>)
      %dma_wait3A_298 = arith.constant 512 : i32
      %dma_wait3A_299 = arith.constant 0 : i32
      %dma_wait3A_300 = tpu.memref_slice %arg9[%dma_wait3A_298, %dma_wait3A_299] : memref<1280x32xf32, #tpu.memory_space<vmem>> -> memref<128x32xf32, #tpu.memory_space<vmem>>
      %dma_wait3A_301 = arith.constant 0 : i32
      %dma_wait3A_302 = tpu.memref_slice %arg7[%add3A_98, %dma_wait3A_301] : memref<40x128xi32, #tpu.memory_space<vmem>> -> memref<1x128xi32, #tpu.memory_space<vmem>>
      %dma_wait3A_303 = tpu.memref_squeeze %dma_wait3A_302 : memref<1x128xi32, #tpu.memory_space<vmem>> -> memref<128xi32, #tpu.memory_space<vmem>>
      %dma_wait3A_304 = arith.constant 0 : i32
      %dma_wait3A_305 = arith.constant 0 : i32
      %dma_wait3A_306 = tpu.memref_slice %arg4[%dma_wait3A_304, %dma_wait3A_305] : memref<10240x32xf32, #tpu.memory_space<hbm>> -> memref<10240x32xf32, #tpu.memory_space<hbm>>
      tpu.wait_indirect_dma semaphore(%arg11 : memref<!tpu.dma_semaphore, #tpu.memory_space<semaphore_mem>>) src(%dma_wait3A_306 : memref<10240x32xf32, #tpu.memory_space<hbm>>) dst(%dma_wait3A_300 : memref<128x32xf32, #tpu.memory_space<vmem>>)
      %dma_wait3A_307 = arith.constant 512 : i32
      %dma_wait3A_308 = arith.constant 0 : i32
      %dma_wait3A_309 = tpu.memref_slice %arg10[%dma_wait3A_307, %dma_wait3A_308] : memref<1280x16xf32, #tpu.memory_space<vmem>> -> memref<128x16xf32, #tpu.memory_space<vmem>>
      %dma_wait3A_310 = arith.constant 0 : i32
      %dma_wait3A_311 = tpu.memref_slice %arg8[%add3A_98, %dma_wait3A_310] : memref<40x128xi32, #tpu.memory_space<vmem>> -> memref<1x128xi32, #tpu.memory_space<vmem>>
      %dma_wait3A_312 = tpu.memref_squeeze %dma_wait3A_311 : memref<1x128xi32, #tpu.memory_space<vmem>> -> memref<128xi32, #tpu.memory_space<vmem>>
      %dma_wait3A_313 = arith.constant 0 : i32
      %dma_wait3A_314 = arith.constant 0 : i32
      %dma_wait3A_315 = tpu.memref_slice %arg5[%dma_wait3A_313, %dma_wait3A_314] : memref<10240x16xf32, #tpu.memory_space<hbm>> -> memref<10240x16xf32, #tpu.memory_space<hbm>>
      tpu.wait_indirect_dma semaphore(%arg11 : memref<!tpu.dma_semaphore, #tpu.memory_space<semaphore_mem>>) src(%dma_wait3A_315 : memref<10240x16xf32, #tpu.memory_space<hbm>>) dst(%dma_wait3A_309 : memref<128x16xf32, #tpu.memory_space<vmem>>)
      %dma_wait3A_316 = arith.constant 640 : i32
      %dma_wait3A_317 = arith.constant 0 : i32
      %dma_wait3A_318 = tpu.memref_slice %arg9[%dma_wait3A_316, %dma_wait3A_317] : memref<1280x32xf32, #tpu.memory_space<vmem>> -> memref<128x32xf32, #tpu.memory_space<vmem>>
      %dma_wait3A_319 = arith.constant 0 : i32
      %dma_wait3A_320 = tpu.memref_slice %arg7[%add3A_120, %dma_wait3A_319] : memref<40x128xi32, #tpu.memory_space<vmem>> -> memref<1x128xi32, #tpu.memory_space<vmem>>
      %dma_wait3A_321 = tpu.memref_squeeze %dma_wait3A_320 : memref<1x128xi32, #tpu.memory_space<vmem>> -> memref<128xi32, #tpu.memory_space<vmem>>
      %dma_wait3A_322 = arith.constant 0 : i32
      %dma_wait3A_323 = arith.constant 0 : i32
      %dma_wait3A_324 = tpu.memref_slice %arg4[%dma_wait3A_322, %dma_wait3A_323] : memref<10240x32xf32, #tpu.memory_space<hbm>> -> memref<10240x32xf32, #tpu.memory_space<hbm>>
      tpu.wait_indirect_dma semaphore(%arg11 : memref<!tpu.dma_semaphore, #tpu.memory_space<semaphore_mem>>) src(%dma_wait3A_324 : memref<10240x32xf32, #tpu.memory_space<hbm>>) dst(%dma_wait3A_318 : memref<128x32xf32, #tpu.memory_space<vmem>>)
      %dma_wait3A_325 = arith.constant 640 : i32
      %dma_wait3A_326 = arith.constant 0 : i32
      %dma_wait3A_327 = tpu.memref_slice %arg10[%dma_wait3A_325, %dma_wait3A_326] : memref<1280x16xf32, #tpu.memory_space<vmem>> -> memref<128x16xf32, #tpu.memory_space<vmem>>
      %dma_wait3A_328 = arith.constant 0 : i32
      %dma_wait3A_329 = tpu.memref_slice %arg8[%add3A_120, %dma_wait3A_328] : memref<40x128xi32, #tpu.memory_space<vmem>> -> memref<1x128xi32, #tpu.memory_space<vmem>>
      %dma_wait3A_330 = tpu.memref_squeeze %dma_wait3A_329 : memref<1x128xi32, #tpu.memory_space<vmem>> -> memref<128xi32, #tpu.memory_space<vmem>>
      %dma_wait3A_331 = arith.constant 0 : i32
      %dma_wait3A_332 = arith.constant 0 : i32
      %dma_wait3A_333 = tpu.memref_slice %arg5[%dma_wait3A_331, %dma_wait3A_332] : memref<10240x16xf32, #tpu.memory_space<hbm>> -> memref<10240x16xf32, #tpu.memory_space<hbm>>
      tpu.wait_indirect_dma semaphore(%arg11 : memref<!tpu.dma_semaphore, #tpu.memory_space<semaphore_mem>>) src(%dma_wait3A_333 : memref<10240x16xf32, #tpu.memory_space<hbm>>) dst(%dma_wait3A_327 : memref<128x16xf32, #tpu.memory_space<vmem>>)
      %dma_wait3A_334 = arith.constant 768 : i32
      %dma_wait3A_335 = arith.constant 0 : i32
      %dma_wait3A_336 = tpu.memref_slice %arg9[%dma_wait3A_334, %dma_wait3A_335] : memref<1280x32xf32, #tpu.memory_space<vmem>> -> memref<128x32xf32, #tpu.memory_space<vmem>>
      %dma_wait3A_337 = arith.constant 0 : i32
      %dma_wait3A_338 = tpu.memref_slice %arg7[%add3A_142, %dma_wait3A_337] : memref<40x128xi32, #tpu.memory_space<vmem>> -> memref<1x128xi32, #tpu.memory_space<vmem>>
      %dma_wait3A_339 = tpu.memref_squeeze %dma_wait3A_338 : memref<1x128xi32, #tpu.memory_space<vmem>> -> memref<128xi32, #tpu.memory_space<vmem>>
      %dma_wait3A_340 = arith.constant 0 : i32
      %dma_wait3A_341 = arith.constant 0 : i32
      %dma_wait3A_342 = tpu.memref_slice %arg4[%dma_wait3A_340, %dma_wait3A_341] : memref<10240x32xf32, #tpu.memory_space<hbm>> -> memref<10240x32xf32, #tpu.memory_space<hbm>>
      tpu.wait_indirect_dma semaphore(%arg11 : memref<!tpu.dma_semaphore, #tpu.memory_space<semaphore_mem>>) src(%dma_wait3A_342 : memref<10240x32xf32, #tpu.memory_space<hbm>>) dst(%dma_wait3A_336 : memref<128x32xf32, #tpu.memory_space<vmem>>)
      %dma_wait3A_343 = arith.constant 768 : i32
      %dma_wait3A_344 = arith.constant 0 : i32
      %dma_wait3A_345 = tpu.memref_slice %arg10[%dma_wait3A_343, %dma_wait3A_344] : memref<1280x16xf32, #tpu.memory_space<vmem>> -> memref<128x16xf32, #tpu.memory_space<vmem>>
      %dma_wait3A_346 = arith.constant 0 : i32
      %dma_wait3A_347 = tpu.memref_slice %arg8[%add3A_142, %dma_wait3A_346] : memref<40x128xi32, #tpu.memory_space<vmem>> -> memref<1x128xi32, #tpu.memory_space<vmem>>
      %dma_wait3A_348 = tpu.memref_squeeze %dma_wait3A_347 : memref<1x128xi32, #tpu.memory_space<vmem>> -> memref<128xi32, #tpu.memory_space<vmem>>
      %dma_wait3A_349 = arith.constant 0 : i32
      %dma_wait3A_350 = arith.constant 0 : i32
      %dma_wait3A_351 = tpu.memref_slice %arg5[%dma_wait3A_349, %dma_wait3A_350] : memref<10240x16xf32, #tpu.memory_space<hbm>> -> memref<10240x16xf32, #tpu.memory_space<hbm>>
      tpu.wait_indirect_dma semaphore(%arg11 : memref<!tpu.dma_semaphore, #tpu.memory_space<semaphore_mem>>) src(%dma_wait3A_351 : memref<10240x16xf32, #tpu.memory_space<hbm>>) dst(%dma_wait3A_345 : memref<128x16xf32, #tpu.memory_space<vmem>>)
      %dma_wait3A_352 = arith.constant 896 : i32
      %dma_wait3A_353 = arith.constant 0 : i32
      %dma_wait3A_354 = tpu.memref_slice %arg9[%dma_wait3A_352, %dma_wait3A_353] : memref<1280x32xf32, #tpu.memory_space<vmem>> -> memref<128x32xf32, #tpu.memory_space<vmem>>
      %dma_wait3A_355 = arith.constant 0 : i32
      %dma_wait3A_356 = tpu.memref_slice %arg7[%add3A_164, %dma_wait3A_355] : memref<40x128xi32, #tpu.memory_space<vmem>> -> memref<1x128xi32, #tpu.memory_space<vmem>>
      %dma_wait3A_357 = tpu.memref_squeeze %dma_wait3A_356 : memref<1x128xi32, #tpu.memory_space<vmem>> -> memref<128xi32, #tpu.memory_space<vmem>>
      %dma_wait3A_358 = arith.constant 0 : i32
      %dma_wait3A_359 = arith.constant 0 : i32
      %dma_wait3A_360 = tpu.memref_slice %arg4[%dma_wait3A_358, %dma_wait3A_359] : memref<10240x32xf32, #tpu.memory_space<hbm>> -> memref<10240x32xf32, #tpu.memory_space<hbm>>
      tpu.wait_indirect_dma semaphore(%arg11 : memref<!tpu.dma_semaphore, #tpu.memory_space<semaphore_mem>>) src(%dma_wait3A_360 : memref<10240x32xf32, #tpu.memory_space<hbm>>) dst(%dma_wait3A_354 : memref<128x32xf32, #tpu.memory_space<vmem>>)
      %dma_wait3A_361 = arith.constant 896 : i32
      %dma_wait3A_362 = arith.constant 0 : i32
      %dma_wait3A_363 = tpu.memref_slice %arg10[%dma_wait3A_361, %dma_wait3A_362] : memref<1280x16xf32, #tpu.memory_space<vmem>> -> memref<128x16xf32, #tpu.memory_space<vmem>>
      %dma_wait3A_364 = arith.constant 0 : i32
      %dma_wait3A_365 = tpu.memref_slice %arg8[%add3A_164, %dma_wait3A_364] : memref<40x128xi32, #tpu.memory_space<vmem>> -> memref<1x128xi32, #tpu.memory_space<vmem>>
      %dma_wait3A_366 = tpu.memref_squeeze %dma_wait3A_365 : memref<1x128xi32, #tpu.memory_space<vmem>> -> memref<128xi32, #tpu.memory_space<vmem>>
      %dma_wait3A_367 = arith.constant 0 : i32
      %dma_wait3A_368 = arith.constant 0 : i32
      %dma_wait3A_369 = tpu.memref_slice %arg5[%dma_wait3A_367, %dma_wait3A_368] : memref<10240x16xf32, #tpu.memory_space<hbm>> -> memref<10240x16xf32, #tpu.memory_space<hbm>>
      tpu.wait_indirect_dma semaphore(%arg11 : memref<!tpu.dma_semaphore, #tpu.memory_space<semaphore_mem>>) src(%dma_wait3A_369 : memref<10240x16xf32, #tpu.memory_space<hbm>>) dst(%dma_wait3A_363 : memref<128x16xf32, #tpu.memory_space<vmem>>)
      %dma_wait3A_370 = arith.constant 1024 : i32
      %dma_wait3A_371 = arith.constant 0 : i32
      %dma_wait3A_372 = tpu.memref_slice %arg9[%dma_wait3A_370, %dma_wait3A_371] : memref<1280x32xf32, #tpu.memory_space<vmem>> -> memref<128x32xf32, #tpu.memory_space<vmem>>
      %dma_wait3A_373 = arith.constant 0 : i32
      %dma_wait3A_374 = tpu.memref_slice %arg7[%add3A_186, %dma_wait3A_373] : memref<40x128xi32, #tpu.memory_space<vmem>> -> memref<1x128xi32, #tpu.memory_space<vmem>>
      %dma_wait3A_375 = tpu.memref_squeeze %dma_wait3A_374 : memref<1x128xi32, #tpu.memory_space<vmem>> -> memref<128xi32, #tpu.memory_space<vmem>>
      %dma_wait3A_376 = arith.constant 0 : i32
      %dma_wait3A_377 = arith.constant 0 : i32
      %dma_wait3A_378 = tpu.memref_slice %arg4[%dma_wait3A_376, %dma_wait3A_377] : memref<10240x32xf32, #tpu.memory_space<hbm>> -> memref<10240x32xf32, #tpu.memory_space<hbm>>
      tpu.wait_indirect_dma semaphore(%arg11 : memref<!tpu.dma_semaphore, #tpu.memory_space<semaphore_mem>>) src(%dma_wait3A_378 : memref<10240x32xf32, #tpu.memory_space<hbm>>) dst(%dma_wait3A_372 : memref<128x32xf32, #tpu.memory_space<vmem>>)
      %dma_wait3A_379 = arith.constant 1024 : i32
      %dma_wait3A_380 = arith.constant 0 : i32
      %dma_wait3A_381 = tpu.memref_slice %arg10[%dma_wait3A_379, %dma_wait3A_380] : memref<1280x16xf32, #tpu.memory_space<vmem>> -> memref<128x16xf32, #tpu.memory_space<vmem>>
      %dma_wait3A_382 = arith.constant 0 : i32
      %dma_wait3A_383 = tpu.memref_slice %arg8[%add3A_186, %dma_wait3A_382] : memref<40x128xi32, #tpu.memory_space<vmem>> -> memref<1x128xi32, #tpu.memory_space<vmem>>
      %dma_wait3A_384 = tpu.memref_squeeze %dma_wait3A_383 : memref<1x128xi32, #tpu.memory_space<vmem>> -> memref<128xi32, #tpu.memory_space<vmem>>
      %dma_wait3A_385 = arith.constant 0 : i32
      %dma_wait3A_386 = arith.constant 0 : i32
      %dma_wait3A_387 = tpu.memref_slice %arg5[%dma_wait3A_385, %dma_wait3A_386] : memref<10240x16xf32, #tpu.memory_space<hbm>> -> memref<10240x16xf32, #tpu.memory_space<hbm>>
      tpu.wait_indirect_dma semaphore(%arg11 : memref<!tpu.dma_semaphore, #tpu.memory_space<semaphore_mem>>) src(%dma_wait3A_387 : memref<10240x16xf32, #tpu.memory_space<hbm>>) dst(%dma_wait3A_381 : memref<128x16xf32, #tpu.memory_space<vmem>>)
      %dma_wait3A_388 = arith.constant 1152 : i32
      %dma_wait3A_389 = arith.constant 0 : i32
      %dma_wait3A_390 = tpu.memref_slice %arg9[%dma_wait3A_388, %dma_wait3A_389] : memref<1280x32xf32, #tpu.memory_space<vmem>> -> memref<128x32xf32, #tpu.memory_space<vmem>>
      %dma_wait3A_391 = arith.constant 0 : i32
      %dma_wait3A_392 = tpu.memref_slice %arg7[%add3A_208, %dma_wait3A_391] : memref<40x128xi32, #tpu.memory_space<vmem>> -> memref<1x128xi32, #tpu.memory_space<vmem>>
      %dma_wait3A_393 = tpu.memref_squeeze %dma_wait3A_392 : memref<1x128xi32, #tpu.memory_space<vmem>> -> memref<128xi32, #tpu.memory_space<vmem>>
      %dma_wait3A_394 = arith.constant 0 : i32
      %dma_wait3A_395 = arith.constant 0 : i32
      %dma_wait3A_396 = tpu.memref_slice %arg4[%dma_wait3A_394, %dma_wait3A_395] : memref<10240x32xf32, #tpu.memory_space<hbm>> -> memref<10240x32xf32, #tpu.memory_space<hbm>>
      tpu.wait_indirect_dma semaphore(%arg11 : memref<!tpu.dma_semaphore, #tpu.memory_space<semaphore_mem>>) src(%dma_wait3A_396 : memref<10240x32xf32, #tpu.memory_space<hbm>>) dst(%dma_wait3A_390 : memref<128x32xf32, #tpu.memory_space<vmem>>)
      %dma_wait3A_397 = arith.constant 1152 : i32
      %dma_wait3A_398 = arith.constant 0 : i32
      %dma_wait3A_399 = tpu.memref_slice %arg10[%dma_wait3A_397, %dma_wait3A_398] : memref<1280x16xf32, #tpu.memory_space<vmem>> -> memref<128x16xf32, #tpu.memory_space<vmem>>
      %dma_wait3A_400 = arith.constant 0 : i32
      %dma_wait3A_401 = tpu.memref_slice %arg8[%add3A_208, %dma_wait3A_400] : memref<40x128xi32, #tpu.memory_space<vmem>> -> memref<1x128xi32, #tpu.memory_space<vmem>>
      %dma_wait3A_402 = tpu.memref_squeeze %dma_wait3A_401 : memref<1x128xi32, #tpu.memory_space<vmem>> -> memref<128xi32, #tpu.memory_space<vmem>>
      %dma_wait3A_403 = arith.constant 0 : i32
      %dma_wait3A_404 = arith.constant 0 : i32
      %dma_wait3A_405 = tpu.memref_slice %arg5[%dma_wait3A_403, %dma_wait3A_404] : memref<10240x16xf32, #tpu.memory_space<hbm>> -> memref<10240x16xf32, #tpu.memory_space<hbm>>
      tpu.wait_indirect_dma semaphore(%arg11 : memref<!tpu.dma_semaphore, #tpu.memory_space<semaphore_mem>>) src(%dma_wait3A_405 : memref<10240x16xf32, #tpu.memory_space<hbm>>) dst(%dma_wait3A_399 : memref<128x16xf32, #tpu.memory_space<vmem>>)
      %mul3A_406 = arith.constant 10 : i32
      %mul3A_407 = arith.muli %scan3A_7, %mul3A_406 : i32
      %add3A_408 = arith.addi %mul3A_2, %mul3A_407 : i32
      %mul3A_409 = arith.constant 128 : i32
      %mul3A_410 = arith.muli %add3A_408, %mul3A_409 : i32
      "tpu.region"() ({
        %run_scoped3A = tpu.sem_alloc : memref<!tpu.dma_semaphore, #tpu.memory_space<semaphore_mem>>
        %dma_start3A_411 = arith.constant 0 : i32
        %dma_start3A_412 = tpu.memref_slice %arg6[%mul3A_410, %dma_start3A_411] : memref<163840x128xf32, #tpu.memory_space<hbm>> -> memref<1280x32xf32, #tpu.memory_space<hbm>>
        %dma_start3A_413 = arith.constant 0 : i32
        %dma_start3A_414 = tpu.memref_slice %arg6[%mul3A_410, %dma_start3A_413] : memref<163840x128xf32, #tpu.memory_space<hbm>> -> memref<1280x32xf32, #tpu.memory_space<hbm>>
        tpu.enqueue_dma source(%arg9 : memref<1280x32xf32, #tpu.memory_space<vmem>>) target(%dma_start3A_414 : memref<1280x32xf32, #tpu.memory_space<hbm>>) target_semaphore(%run_scoped3A : memref<!tpu.dma_semaphore, #tpu.memory_space<semaphore_mem>>)
        %dma_wait3A_415 = arith.constant 0 : i32
        %dma_wait3A_416 = tpu.memref_slice %arg6[%mul3A_410, %dma_wait3A_415] : memref<163840x128xf32, #tpu.memory_space<hbm>> -> memref<1280x32xf32, #tpu.memory_space<hbm>>
        %dma_wait3A_417 = arith.constant 0 : i32
        %dma_wait3A_418 = tpu.memref_slice %arg6[%mul3A_410, %dma_wait3A_417] : memref<163840x128xf32, #tpu.memory_space<hbm>> -> memref<1280x32xf32, #tpu.memory_space<hbm>>
        tpu.wait_dma2 semaphore(%run_scoped3A : memref<!tpu.dma_semaphore, #tpu.memory_space<semaphore_mem>>) src(%arg9 : memref<1280x32xf32, #tpu.memory_space<vmem>>) dst(%dma_wait3A_418 : memref<1280x32xf32, #tpu.memory_space<hbm>>)
        tpu.yield
      }) : () -> ()
      "tpu.region"() ({
        %run_scoped3A = tpu.sem_alloc : memref<!tpu.dma_semaphore, #tpu.memory_space<semaphore_mem>>
        %dma_start3A_411 = arith.constant 32 : i32
        %dma_start3A_412 = tpu.memref_slice %arg6[%mul3A_410, %dma_start3A_411] : memref<163840x128xf32, #tpu.memory_space<hbm>> -> memref<1280x16xf32, #tpu.memory_space<hbm>>
        %dma_start3A_413 = arith.constant 32 : i32
        %dma_start3A_414 = tpu.memref_slice %arg6[%mul3A_410, %dma_start3A_413] : memref<163840x128xf32, #tpu.memory_space<hbm>> -> memref<1280x16xf32, #tpu.memory_space<hbm>>
        tpu.enqueue_dma source(%arg10 : memref<1280x16xf32, #tpu.memory_space<vmem>>) target(%dma_start3A_414 : memref<1280x16xf32, #tpu.memory_space<hbm>>) target_semaphore(%run_scoped3A : memref<!tpu.dma_semaphore, #tpu.memory_space<semaphore_mem>>)
        %dma_wait3A_415 = arith.constant 32 : i32
        %dma_wait3A_416 = tpu.memref_slice %arg6[%mul3A_410, %dma_wait3A_415] : memref<163840x128xf32, #tpu.memory_space<hbm>> -> memref<1280x16xf32, #tpu.memory_space<hbm>>
        %dma_wait3A_417 = arith.constant 32 : i32
        %dma_wait3A_418 = tpu.memref_slice %arg6[%mul3A_410, %dma_wait3A_417] : memref<163840x128xf32, #tpu.memory_space<hbm>> -> memref<1280x16xf32, #tpu.memory_space<hbm>>
        tpu.wait_dma2 semaphore(%run_scoped3A : memref<!tpu.dma_semaphore, #tpu.memory_space<semaphore_mem>>) src(%arg10 : memref<1280x16xf32, #tpu.memory_space<vmem>>) dst(%dma_wait3A_418 : memref<1280x16xf32, #tpu.memory_space<hbm>>)
        tpu.yield
      }) : () -> ()
    }
    %scan3A_6 = arith.constant 4 : i32
    return
  }
}

#map = affine_map<(d0, d1) -> (0, 0)>
module attributes {stable_mosaic.version = 14 : i64} {
  func.func @_gather2_body(%arg0: i32, %arg1: i32, %arg2: memref<1280x128xi32, #tpu.memory_space<hbm>>, %arg3: memref<10240x48xf32, #tpu.memory_space<hbm>>, %arg4: memref<163840x128xf32, #tpu.memory_space<hbm>>, %arg5: memref<40x128xi32, #tpu.memory_space<vmem>>, %arg6: memref<1280x48xf32, #tpu.memory_space<vmem>>, %arg7: memref<!tpu.dma_semaphore, #tpu.memory_space<semaphore_mem>>) attributes {dimension_semantics = [#tpu.dimension_semantics<core_parallel>, #tpu.dimension_semantics<subcore_parallel>], iteration_bounds = array<i64: 2, 16>, scalar_prefetch = 0 : i64, scratch_operands = 3 : i64, tpu.core_type = #tpu.core_type<sc_vector_subcore>, window_params = [{transform_indices = #map}, {transform_indices = #map}, {transform_indices = #map}]} {
    %mul3A = arith.constant 2 : i32
    %mul3A_0 = arith.muli %arg1, %mul3A : i32
    %add3A = arith.addi %mul3A_0, %arg0 : i32
    %mul3A_1 = arith.constant 40 : i32
    %mul3A_2 = arith.muli %add3A, %mul3A_1 : i32
    "tpu.region"() ({
      %run_scoped3A = tpu.sem_alloc : memref<!tpu.dma_semaphore, #tpu.memory_space<semaphore_mem>>
      %dma_start3A = arith.constant 0 : i32
      %dma_start3A_7 = tpu.memref_slice %arg2[%mul3A_2, %dma_start3A] : memref<1280x128xi32, #tpu.memory_space<hbm>> -> memref<40x128xi32, #tpu.memory_space<hbm>>
      %dma_start3A_8 = arith.constant 0 : i32
      %dma_start3A_9 = tpu.memref_slice %arg2[%mul3A_2, %dma_start3A_8] : memref<1280x128xi32, #tpu.memory_space<hbm>> -> memref<40x128xi32, #tpu.memory_space<hbm>>
      tpu.enqueue_dma source(%dma_start3A_9 : memref<40x128xi32, #tpu.memory_space<hbm>>) target(%arg5 : memref<40x128xi32, #tpu.memory_space<vmem>>) target_semaphore(%run_scoped3A : memref<!tpu.dma_semaphore, #tpu.memory_space<semaphore_mem>>)
      %dma_wait3A = arith.constant 0 : i32
      %dma_wait3A_10 = tpu.memref_slice %arg2[%mul3A_2, %dma_wait3A] : memref<1280x128xi32, #tpu.memory_space<hbm>> -> memref<40x128xi32, #tpu.memory_space<hbm>>
      %dma_wait3A_11 = arith.constant 0 : i32
      %dma_wait3A_12 = tpu.memref_slice %arg2[%mul3A_2, %dma_wait3A_11] : memref<1280x128xi32, #tpu.memory_space<hbm>> -> memref<40x128xi32, #tpu.memory_space<hbm>>
      tpu.wait_dma2 semaphore(%run_scoped3A : memref<!tpu.dma_semaphore, #tpu.memory_space<semaphore_mem>>) src(%dma_wait3A_12 : memref<40x128xi32, #tpu.memory_space<hbm>>) dst(%arg5 : memref<40x128xi32, #tpu.memory_space<vmem>>)
      tpu.yield
    }) : () -> ()
    %scan3A = arith.constant 0 : i32
    %scan3A_3 = arith.constant 4 : i32
    %scan3A_4 = arith.addi %scan3A, %scan3A_3 : i32
    %scan3A_5 = arith.constant 1 : i32
    scf.for %scan3A_7 = %scan3A to %scan3A_4 step %scan3A_5  : i32 {
      %mul3A_8 = arith.constant 10 : i32
      %mul3A_9 = arith.muli %scan3A_7, %mul3A_8 : i32
      %add3A_10 = arith.constant 0 : i32
      %add3A_11 = arith.addi %mul3A_9, %add3A_10 : i32
      %dma_start3A = arith.constant 0 : i32
      %dma_start3A_12 = arith.constant 0 : i32
      %dma_start3A_13 = tpu.memref_slice %arg6[%dma_start3A, %dma_start3A_12] : memref<1280x48xf32, #tpu.memory_space<vmem>> -> memref<128x48xf32, #tpu.memory_space<vmem>>
      %dma_start3A_14 = arith.constant 0 : i32
      %dma_start3A_15 = tpu.memref_slice %arg5[%add3A_11, %dma_start3A_14] : memref<40x128xi32, #tpu.memory_space<vmem>> -> memref<1x128xi32, #tpu.memory_space<vmem>>
      %dma_start3A_16 = tpu.memref_squeeze %dma_start3A_15 : memref<1x128xi32, #tpu.memory_space<vmem>> -> memref<128xi32, #tpu.memory_space<vmem>>
      %dma_start3A_17 = arith.constant 0 : i32
      %dma_start3A_18 = arith.constant 0 : i32
      %dma_start3A_19 = tpu.memref_slice %arg3[%dma_start3A_17, %dma_start3A_18] : memref<10240x48xf32, #tpu.memory_space<hbm>> -> memref<10240x48xf32, #tpu.memory_space<hbm>>
      tpu.enqueue_indirect_dma source(%dma_start3A_19 : memref<10240x48xf32, #tpu.memory_space<hbm>>) target(%dma_start3A_13 : memref<128x48xf32, #tpu.memory_space<vmem>>) offsets(%dma_start3A_16 : memref<128xi32, #tpu.memory_space<vmem>>) semaphore(%arg7 : memref<!tpu.dma_semaphore, #tpu.memory_space<semaphore_mem>>)
      %mul3A_20 = arith.constant 10 : i32
      %mul3A_21 = arith.muli %scan3A_7, %mul3A_20 : i32
      %add3A_22 = arith.constant 1 : i32
      %add3A_23 = arith.addi %mul3A_21, %add3A_22 : i32
      %dma_start3A_24 = arith.constant 128 : i32
      %dma_start3A_25 = arith.constant 0 : i32
      %dma_start3A_26 = tpu.memref_slice %arg6[%dma_start3A_24, %dma_start3A_25] : memref<1280x48xf32, #tpu.memory_space<vmem>> -> memref<128x48xf32, #tpu.memory_space<vmem>>
      %dma_start3A_27 = arith.constant 0 : i32
      %dma_start3A_28 = tpu.memref_slice %arg5[%add3A_23, %dma_start3A_27] : memref<40x128xi32, #tpu.memory_space<vmem>> -> memref<1x128xi32, #tpu.memory_space<vmem>>
      %dma_start3A_29 = tpu.memref_squeeze %dma_start3A_28 : memref<1x128xi32, #tpu.memory_space<vmem>> -> memref<128xi32, #tpu.memory_space<vmem>>
      %dma_start3A_30 = arith.constant 0 : i32
      %dma_start3A_31 = arith.constant 0 : i32
      %dma_start3A_32 = tpu.memref_slice %arg3[%dma_start3A_30, %dma_start3A_31] : memref<10240x48xf32, #tpu.memory_space<hbm>> -> memref<10240x48xf32, #tpu.memory_space<hbm>>
      tpu.enqueue_indirect_dma source(%dma_start3A_32 : memref<10240x48xf32, #tpu.memory_space<hbm>>) target(%dma_start3A_26 : memref<128x48xf32, #tpu.memory_space<vmem>>) offsets(%dma_start3A_29 : memref<128xi32, #tpu.memory_space<vmem>>) semaphore(%arg7 : memref<!tpu.dma_semaphore, #tpu.memory_space<semaphore_mem>>)
      %mul3A_33 = arith.constant 10 : i32
      %mul3A_34 = arith.muli %scan3A_7, %mul3A_33 : i32
      %add3A_35 = arith.constant 2 : i32
      %add3A_36 = arith.addi %mul3A_34, %add3A_35 : i32
      %dma_start3A_37 = arith.constant 256 : i32
      %dma_start3A_38 = arith.constant 0 : i32
      %dma_start3A_39 = tpu.memref_slice %arg6[%dma_start3A_37, %dma_start3A_38] : memref<1280x48xf32, #tpu.memory_space<vmem>> -> memref<128x48xf32, #tpu.memory_space<vmem>>
      %dma_start3A_40 = arith.constant 0 : i32
      %dma_start3A_41 = tpu.memref_slice %arg5[%add3A_36, %dma_start3A_40] : memref<40x128xi32, #tpu.memory_space<vmem>> -> memref<1x128xi32, #tpu.memory_space<vmem>>
      %dma_start3A_42 = tpu.memref_squeeze %dma_start3A_41 : memref<1x128xi32, #tpu.memory_space<vmem>> -> memref<128xi32, #tpu.memory_space<vmem>>
      %dma_start3A_43 = arith.constant 0 : i32
      %dma_start3A_44 = arith.constant 0 : i32
      %dma_start3A_45 = tpu.memref_slice %arg3[%dma_start3A_43, %dma_start3A_44] : memref<10240x48xf32, #tpu.memory_space<hbm>> -> memref<10240x48xf32, #tpu.memory_space<hbm>>
      tpu.enqueue_indirect_dma source(%dma_start3A_45 : memref<10240x48xf32, #tpu.memory_space<hbm>>) target(%dma_start3A_39 : memref<128x48xf32, #tpu.memory_space<vmem>>) offsets(%dma_start3A_42 : memref<128xi32, #tpu.memory_space<vmem>>) semaphore(%arg7 : memref<!tpu.dma_semaphore, #tpu.memory_space<semaphore_mem>>)
      %mul3A_46 = arith.constant 10 : i32
      %mul3A_47 = arith.muli %scan3A_7, %mul3A_46 : i32
      %add3A_48 = arith.constant 3 : i32
      %add3A_49 = arith.addi %mul3A_47, %add3A_48 : i32
      %dma_start3A_50 = arith.constant 384 : i32
      %dma_start3A_51 = arith.constant 0 : i32
      %dma_start3A_52 = tpu.memref_slice %arg6[%dma_start3A_50, %dma_start3A_51] : memref<1280x48xf32, #tpu.memory_space<vmem>> -> memref<128x48xf32, #tpu.memory_space<vmem>>
      %dma_start3A_53 = arith.constant 0 : i32
      %dma_start3A_54 = tpu.memref_slice %arg5[%add3A_49, %dma_start3A_53] : memref<40x128xi32, #tpu.memory_space<vmem>> -> memref<1x128xi32, #tpu.memory_space<vmem>>
      %dma_start3A_55 = tpu.memref_squeeze %dma_start3A_54 : memref<1x128xi32, #tpu.memory_space<vmem>> -> memref<128xi32, #tpu.memory_space<vmem>>
      %dma_start3A_56 = arith.constant 0 : i32
      %dma_start3A_57 = arith.constant 0 : i32
      %dma_start3A_58 = tpu.memref_slice %arg3[%dma_start3A_56, %dma_start3A_57] : memref<10240x48xf32, #tpu.memory_space<hbm>> -> memref<10240x48xf32, #tpu.memory_space<hbm>>
      tpu.enqueue_indirect_dma source(%dma_start3A_58 : memref<10240x48xf32, #tpu.memory_space<hbm>>) target(%dma_start3A_52 : memref<128x48xf32, #tpu.memory_space<vmem>>) offsets(%dma_start3A_55 : memref<128xi32, #tpu.memory_space<vmem>>) semaphore(%arg7 : memref<!tpu.dma_semaphore, #tpu.memory_space<semaphore_mem>>)
      %mul3A_59 = arith.constant 10 : i32
      %mul3A_60 = arith.muli %scan3A_7, %mul3A_59 : i32
      %add3A_61 = arith.constant 4 : i32
      %add3A_62 = arith.addi %mul3A_60, %add3A_61 : i32
      %dma_start3A_63 = arith.constant 512 : i32
      %dma_start3A_64 = arith.constant 0 : i32
      %dma_start3A_65 = tpu.memref_slice %arg6[%dma_start3A_63, %dma_start3A_64] : memref<1280x48xf32, #tpu.memory_space<vmem>> -> memref<128x48xf32, #tpu.memory_space<vmem>>
      %dma_start3A_66 = arith.constant 0 : i32
      %dma_start3A_67 = tpu.memref_slice %arg5[%add3A_62, %dma_start3A_66] : memref<40x128xi32, #tpu.memory_space<vmem>> -> memref<1x128xi32, #tpu.memory_space<vmem>>
      %dma_start3A_68 = tpu.memref_squeeze %dma_start3A_67 : memref<1x128xi32, #tpu.memory_space<vmem>> -> memref<128xi32, #tpu.memory_space<vmem>>
      %dma_start3A_69 = arith.constant 0 : i32
      %dma_start3A_70 = arith.constant 0 : i32
      %dma_start3A_71 = tpu.memref_slice %arg3[%dma_start3A_69, %dma_start3A_70] : memref<10240x48xf32, #tpu.memory_space<hbm>> -> memref<10240x48xf32, #tpu.memory_space<hbm>>
      tpu.enqueue_indirect_dma source(%dma_start3A_71 : memref<10240x48xf32, #tpu.memory_space<hbm>>) target(%dma_start3A_65 : memref<128x48xf32, #tpu.memory_space<vmem>>) offsets(%dma_start3A_68 : memref<128xi32, #tpu.memory_space<vmem>>) semaphore(%arg7 : memref<!tpu.dma_semaphore, #tpu.memory_space<semaphore_mem>>)
      %mul3A_72 = arith.constant 10 : i32
      %mul3A_73 = arith.muli %scan3A_7, %mul3A_72 : i32
      %add3A_74 = arith.constant 5 : i32
      %add3A_75 = arith.addi %mul3A_73, %add3A_74 : i32
      %dma_start3A_76 = arith.constant 640 : i32
      %dma_start3A_77 = arith.constant 0 : i32
      %dma_start3A_78 = tpu.memref_slice %arg6[%dma_start3A_76, %dma_start3A_77] : memref<1280x48xf32, #tpu.memory_space<vmem>> -> memref<128x48xf32, #tpu.memory_space<vmem>>
      %dma_start3A_79 = arith.constant 0 : i32
      %dma_start3A_80 = tpu.memref_slice %arg5[%add3A_75, %dma_start3A_79] : memref<40x128xi32, #tpu.memory_space<vmem>> -> memref<1x128xi32, #tpu.memory_space<vmem>>
      %dma_start3A_81 = tpu.memref_squeeze %dma_start3A_80 : memref<1x128xi32, #tpu.memory_space<vmem>> -> memref<128xi32, #tpu.memory_space<vmem>>
      %dma_start3A_82 = arith.constant 0 : i32
      %dma_start3A_83 = arith.constant 0 : i32
      %dma_start3A_84 = tpu.memref_slice %arg3[%dma_start3A_82, %dma_start3A_83] : memref<10240x48xf32, #tpu.memory_space<hbm>> -> memref<10240x48xf32, #tpu.memory_space<hbm>>
      tpu.enqueue_indirect_dma source(%dma_start3A_84 : memref<10240x48xf32, #tpu.memory_space<hbm>>) target(%dma_start3A_78 : memref<128x48xf32, #tpu.memory_space<vmem>>) offsets(%dma_start3A_81 : memref<128xi32, #tpu.memory_space<vmem>>) semaphore(%arg7 : memref<!tpu.dma_semaphore, #tpu.memory_space<semaphore_mem>>)
      %mul3A_85 = arith.constant 10 : i32
      %mul3A_86 = arith.muli %scan3A_7, %mul3A_85 : i32
      %add3A_87 = arith.constant 6 : i32
      %add3A_88 = arith.addi %mul3A_86, %add3A_87 : i32
      %dma_start3A_89 = arith.constant 768 : i32
      %dma_start3A_90 = arith.constant 0 : i32
      %dma_start3A_91 = tpu.memref_slice %arg6[%dma_start3A_89, %dma_start3A_90] : memref<1280x48xf32, #tpu.memory_space<vmem>> -> memref<128x48xf32, #tpu.memory_space<vmem>>
      %dma_start3A_92 = arith.constant 0 : i32
      %dma_start3A_93 = tpu.memref_slice %arg5[%add3A_88, %dma_start3A_92] : memref<40x128xi32, #tpu.memory_space<vmem>> -> memref<1x128xi32, #tpu.memory_space<vmem>>
      %dma_start3A_94 = tpu.memref_squeeze %dma_start3A_93 : memref<1x128xi32, #tpu.memory_space<vmem>> -> memref<128xi32, #tpu.memory_space<vmem>>
      %dma_start3A_95 = arith.constant 0 : i32
      %dma_start3A_96 = arith.constant 0 : i32
      %dma_start3A_97 = tpu.memref_slice %arg3[%dma_start3A_95, %dma_start3A_96] : memref<10240x48xf32, #tpu.memory_space<hbm>> -> memref<10240x48xf32, #tpu.memory_space<hbm>>
      tpu.enqueue_indirect_dma source(%dma_start3A_97 : memref<10240x48xf32, #tpu.memory_space<hbm>>) target(%dma_start3A_91 : memref<128x48xf32, #tpu.memory_space<vmem>>) offsets(%dma_start3A_94 : memref<128xi32, #tpu.memory_space<vmem>>) semaphore(%arg7 : memref<!tpu.dma_semaphore, #tpu.memory_space<semaphore_mem>>)
      %mul3A_98 = arith.constant 10 : i32
      %mul3A_99 = arith.muli %scan3A_7, %mul3A_98 : i32
      %add3A_100 = arith.constant 7 : i32
      %add3A_101 = arith.addi %mul3A_99, %add3A_100 : i32
      %dma_start3A_102 = arith.constant 896 : i32
      %dma_start3A_103 = arith.constant 0 : i32
      %dma_start3A_104 = tpu.memref_slice %arg6[%dma_start3A_102, %dma_start3A_103] : memref<1280x48xf32, #tpu.memory_space<vmem>> -> memref<128x48xf32, #tpu.memory_space<vmem>>
      %dma_start3A_105 = arith.constant 0 : i32
      %dma_start3A_106 = tpu.memref_slice %arg5[%add3A_101, %dma_start3A_105] : memref<40x128xi32, #tpu.memory_space<vmem>> -> memref<1x128xi32, #tpu.memory_space<vmem>>
      %dma_start3A_107 = tpu.memref_squeeze %dma_start3A_106 : memref<1x128xi32, #tpu.memory_space<vmem>> -> memref<128xi32, #tpu.memory_space<vmem>>
      %dma_start3A_108 = arith.constant 0 : i32
      %dma_start3A_109 = arith.constant 0 : i32
      %dma_start3A_110 = tpu.memref_slice %arg3[%dma_start3A_108, %dma_start3A_109] : memref<10240x48xf32, #tpu.memory_space<hbm>> -> memref<10240x48xf32, #tpu.memory_space<hbm>>
      tpu.enqueue_indirect_dma source(%dma_start3A_110 : memref<10240x48xf32, #tpu.memory_space<hbm>>) target(%dma_start3A_104 : memref<128x48xf32, #tpu.memory_space<vmem>>) offsets(%dma_start3A_107 : memref<128xi32, #tpu.memory_space<vmem>>) semaphore(%arg7 : memref<!tpu.dma_semaphore, #tpu.memory_space<semaphore_mem>>)
      %mul3A_111 = arith.constant 10 : i32
      %mul3A_112 = arith.muli %scan3A_7, %mul3A_111 : i32
      %add3A_113 = arith.constant 8 : i32
      %add3A_114 = arith.addi %mul3A_112, %add3A_113 : i32
      %dma_start3A_115 = arith.constant 1024 : i32
      %dma_start3A_116 = arith.constant 0 : i32
      %dma_start3A_117 = tpu.memref_slice %arg6[%dma_start3A_115, %dma_start3A_116] : memref<1280x48xf32, #tpu.memory_space<vmem>> -> memref<128x48xf32, #tpu.memory_space<vmem>>
      %dma_start3A_118 = arith.constant 0 : i32
      %dma_start3A_119 = tpu.memref_slice %arg5[%add3A_114, %dma_start3A_118] : memref<40x128xi32, #tpu.memory_space<vmem>> -> memref<1x128xi32, #tpu.memory_space<vmem>>
      %dma_start3A_120 = tpu.memref_squeeze %dma_start3A_119 : memref<1x128xi32, #tpu.memory_space<vmem>> -> memref<128xi32, #tpu.memory_space<vmem>>
      %dma_start3A_121 = arith.constant 0 : i32
      %dma_start3A_122 = arith.constant 0 : i32
      %dma_start3A_123 = tpu.memref_slice %arg3[%dma_start3A_121, %dma_start3A_122] : memref<10240x48xf32, #tpu.memory_space<hbm>> -> memref<10240x48xf32, #tpu.memory_space<hbm>>
      tpu.enqueue_indirect_dma source(%dma_start3A_123 : memref<10240x48xf32, #tpu.memory_space<hbm>>) target(%dma_start3A_117 : memref<128x48xf32, #tpu.memory_space<vmem>>) offsets(%dma_start3A_120 : memref<128xi32, #tpu.memory_space<vmem>>) semaphore(%arg7 : memref<!tpu.dma_semaphore, #tpu.memory_space<semaphore_mem>>)
      %mul3A_124 = arith.constant 10 : i32
      %mul3A_125 = arith.muli %scan3A_7, %mul3A_124 : i32
      %add3A_126 = arith.constant 9 : i32
      %add3A_127 = arith.addi %mul3A_125, %add3A_126 : i32
      %dma_start3A_128 = arith.constant 1152 : i32
      %dma_start3A_129 = arith.constant 0 : i32
      %dma_start3A_130 = tpu.memref_slice %arg6[%dma_start3A_128, %dma_start3A_129] : memref<1280x48xf32, #tpu.memory_space<vmem>> -> memref<128x48xf32, #tpu.memory_space<vmem>>
      %dma_start3A_131 = arith.constant 0 : i32
      %dma_start3A_132 = tpu.memref_slice %arg5[%add3A_127, %dma_start3A_131] : memref<40x128xi32, #tpu.memory_space<vmem>> -> memref<1x128xi32, #tpu.memory_space<vmem>>
      %dma_start3A_133 = tpu.memref_squeeze %dma_start3A_132 : memref<1x128xi32, #tpu.memory_space<vmem>> -> memref<128xi32, #tpu.memory_space<vmem>>
      %dma_start3A_134 = arith.constant 0 : i32
      %dma_start3A_135 = arith.constant 0 : i32
      %dma_start3A_136 = tpu.memref_slice %arg3[%dma_start3A_134, %dma_start3A_135] : memref<10240x48xf32, #tpu.memory_space<hbm>> -> memref<10240x48xf32, #tpu.memory_space<hbm>>
      tpu.enqueue_indirect_dma source(%dma_start3A_136 : memref<10240x48xf32, #tpu.memory_space<hbm>>) target(%dma_start3A_130 : memref<128x48xf32, #tpu.memory_space<vmem>>) offsets(%dma_start3A_133 : memref<128xi32, #tpu.memory_space<vmem>>) semaphore(%arg7 : memref<!tpu.dma_semaphore, #tpu.memory_space<semaphore_mem>>)
      %dma_wait3A = arith.constant 0 : i32
      %dma_wait3A_137 = arith.constant 0 : i32
      %dma_wait3A_138 = tpu.memref_slice %arg6[%dma_wait3A, %dma_wait3A_137] : memref<1280x48xf32, #tpu.memory_space<vmem>> -> memref<128x48xf32, #tpu.memory_space<vmem>>
      %dma_wait3A_139 = arith.constant 0 : i32
      %dma_wait3A_140 = tpu.memref_slice %arg5[%add3A_11, %dma_wait3A_139] : memref<40x128xi32, #tpu.memory_space<vmem>> -> memref<1x128xi32, #tpu.memory_space<vmem>>
      %dma_wait3A_141 = tpu.memref_squeeze %dma_wait3A_140 : memref<1x128xi32, #tpu.memory_space<vmem>> -> memref<128xi32, #tpu.memory_space<vmem>>
      %dma_wait3A_142 = arith.constant 0 : i32
      %dma_wait3A_143 = arith.constant 0 : i32
      %dma_wait3A_144 = tpu.memref_slice %arg3[%dma_wait3A_142, %dma_wait3A_143] : memref<10240x48xf32, #tpu.memory_space<hbm>> -> memref<10240x48xf32, #tpu.memory_space<hbm>>
      tpu.wait_indirect_dma semaphore(%arg7 : memref<!tpu.dma_semaphore, #tpu.memory_space<semaphore_mem>>) src(%dma_wait3A_144 : memref<10240x48xf32, #tpu.memory_space<hbm>>) dst(%dma_wait3A_138 : memref<128x48xf32, #tpu.memory_space<vmem>>)
      %dma_wait3A_145 = arith.constant 128 : i32
      %dma_wait3A_146 = arith.constant 0 : i32
      %dma_wait3A_147 = tpu.memref_slice %arg6[%dma_wait3A_145, %dma_wait3A_146] : memref<1280x48xf32, #tpu.memory_space<vmem>> -> memref<128x48xf32, #tpu.memory_space<vmem>>
      %dma_wait3A_148 = arith.constant 0 : i32
      %dma_wait3A_149 = tpu.memref_slice %arg5[%add3A_23, %dma_wait3A_148] : memref<40x128xi32, #tpu.memory_space<vmem>> -> memref<1x128xi32, #tpu.memory_space<vmem>>
      %dma_wait3A_150 = tpu.memref_squeeze %dma_wait3A_149 : memref<1x128xi32, #tpu.memory_space<vmem>> -> memref<128xi32, #tpu.memory_space<vmem>>
      %dma_wait3A_151 = arith.constant 0 : i32
      %dma_wait3A_152 = arith.constant 0 : i32
      %dma_wait3A_153 = tpu.memref_slice %arg3[%dma_wait3A_151, %dma_wait3A_152] : memref<10240x48xf32, #tpu.memory_space<hbm>> -> memref<10240x48xf32, #tpu.memory_space<hbm>>
      tpu.wait_indirect_dma semaphore(%arg7 : memref<!tpu.dma_semaphore, #tpu.memory_space<semaphore_mem>>) src(%dma_wait3A_153 : memref<10240x48xf32, #tpu.memory_space<hbm>>) dst(%dma_wait3A_147 : memref<128x48xf32, #tpu.memory_space<vmem>>)
      %dma_wait3A_154 = arith.constant 256 : i32
      %dma_wait3A_155 = arith.constant 0 : i32
      %dma_wait3A_156 = tpu.memref_slice %arg6[%dma_wait3A_154, %dma_wait3A_155] : memref<1280x48xf32, #tpu.memory_space<vmem>> -> memref<128x48xf32, #tpu.memory_space<vmem>>
      %dma_wait3A_157 = arith.constant 0 : i32
      %dma_wait3A_158 = tpu.memref_slice %arg5[%add3A_36, %dma_wait3A_157] : memref<40x128xi32, #tpu.memory_space<vmem>> -> memref<1x128xi32, #tpu.memory_space<vmem>>
      %dma_wait3A_159 = tpu.memref_squeeze %dma_wait3A_158 : memref<1x128xi32, #tpu.memory_space<vmem>> -> memref<128xi32, #tpu.memory_space<vmem>>
      %dma_wait3A_160 = arith.constant 0 : i32
      %dma_wait3A_161 = arith.constant 0 : i32
      %dma_wait3A_162 = tpu.memref_slice %arg3[%dma_wait3A_160, %dma_wait3A_161] : memref<10240x48xf32, #tpu.memory_space<hbm>> -> memref<10240x48xf32, #tpu.memory_space<hbm>>
      tpu.wait_indirect_dma semaphore(%arg7 : memref<!tpu.dma_semaphore, #tpu.memory_space<semaphore_mem>>) src(%dma_wait3A_162 : memref<10240x48xf32, #tpu.memory_space<hbm>>) dst(%dma_wait3A_156 : memref<128x48xf32, #tpu.memory_space<vmem>>)
      %dma_wait3A_163 = arith.constant 384 : i32
      %dma_wait3A_164 = arith.constant 0 : i32
      %dma_wait3A_165 = tpu.memref_slice %arg6[%dma_wait3A_163, %dma_wait3A_164] : memref<1280x48xf32, #tpu.memory_space<vmem>> -> memref<128x48xf32, #tpu.memory_space<vmem>>
      %dma_wait3A_166 = arith.constant 0 : i32
      %dma_wait3A_167 = tpu.memref_slice %arg5[%add3A_49, %dma_wait3A_166] : memref<40x128xi32, #tpu.memory_space<vmem>> -> memref<1x128xi32, #tpu.memory_space<vmem>>
      %dma_wait3A_168 = tpu.memref_squeeze %dma_wait3A_167 : memref<1x128xi32, #tpu.memory_space<vmem>> -> memref<128xi32, #tpu.memory_space<vmem>>
      %dma_wait3A_169 = arith.constant 0 : i32
      %dma_wait3A_170 = arith.constant 0 : i32
      %dma_wait3A_171 = tpu.memref_slice %arg3[%dma_wait3A_169, %dma_wait3A_170] : memref<10240x48xf32, #tpu.memory_space<hbm>> -> memref<10240x48xf32, #tpu.memory_space<hbm>>
      tpu.wait_indirect_dma semaphore(%arg7 : memref<!tpu.dma_semaphore, #tpu.memory_space<semaphore_mem>>) src(%dma_wait3A_171 : memref<10240x48xf32, #tpu.memory_space<hbm>>) dst(%dma_wait3A_165 : memref<128x48xf32, #tpu.memory_space<vmem>>)
      %dma_wait3A_172 = arith.constant 512 : i32
      %dma_wait3A_173 = arith.constant 0 : i32
      %dma_wait3A_174 = tpu.memref_slice %arg6[%dma_wait3A_172, %dma_wait3A_173] : memref<1280x48xf32, #tpu.memory_space<vmem>> -> memref<128x48xf32, #tpu.memory_space<vmem>>
      %dma_wait3A_175 = arith.constant 0 : i32
      %dma_wait3A_176 = tpu.memref_slice %arg5[%add3A_62, %dma_wait3A_175] : memref<40x128xi32, #tpu.memory_space<vmem>> -> memref<1x128xi32, #tpu.memory_space<vmem>>
      %dma_wait3A_177 = tpu.memref_squeeze %dma_wait3A_176 : memref<1x128xi32, #tpu.memory_space<vmem>> -> memref<128xi32, #tpu.memory_space<vmem>>
      %dma_wait3A_178 = arith.constant 0 : i32
      %dma_wait3A_179 = arith.constant 0 : i32
      %dma_wait3A_180 = tpu.memref_slice %arg3[%dma_wait3A_178, %dma_wait3A_179] : memref<10240x48xf32, #tpu.memory_space<hbm>> -> memref<10240x48xf32, #tpu.memory_space<hbm>>
      tpu.wait_indirect_dma semaphore(%arg7 : memref<!tpu.dma_semaphore, #tpu.memory_space<semaphore_mem>>) src(%dma_wait3A_180 : memref<10240x48xf32, #tpu.memory_space<hbm>>) dst(%dma_wait3A_174 : memref<128x48xf32, #tpu.memory_space<vmem>>)
      %dma_wait3A_181 = arith.constant 640 : i32
      %dma_wait3A_182 = arith.constant 0 : i32
      %dma_wait3A_183 = tpu.memref_slice %arg6[%dma_wait3A_181, %dma_wait3A_182] : memref<1280x48xf32, #tpu.memory_space<vmem>> -> memref<128x48xf32, #tpu.memory_space<vmem>>
      %dma_wait3A_184 = arith.constant 0 : i32
      %dma_wait3A_185 = tpu.memref_slice %arg5[%add3A_75, %dma_wait3A_184] : memref<40x128xi32, #tpu.memory_space<vmem>> -> memref<1x128xi32, #tpu.memory_space<vmem>>
      %dma_wait3A_186 = tpu.memref_squeeze %dma_wait3A_185 : memref<1x128xi32, #tpu.memory_space<vmem>> -> memref<128xi32, #tpu.memory_space<vmem>>
      %dma_wait3A_187 = arith.constant 0 : i32
      %dma_wait3A_188 = arith.constant 0 : i32
      %dma_wait3A_189 = tpu.memref_slice %arg3[%dma_wait3A_187, %dma_wait3A_188] : memref<10240x48xf32, #tpu.memory_space<hbm>> -> memref<10240x48xf32, #tpu.memory_space<hbm>>
      tpu.wait_indirect_dma semaphore(%arg7 : memref<!tpu.dma_semaphore, #tpu.memory_space<semaphore_mem>>) src(%dma_wait3A_189 : memref<10240x48xf32, #tpu.memory_space<hbm>>) dst(%dma_wait3A_183 : memref<128x48xf32, #tpu.memory_space<vmem>>)
      %dma_wait3A_190 = arith.constant 768 : i32
      %dma_wait3A_191 = arith.constant 0 : i32
      %dma_wait3A_192 = tpu.memref_slice %arg6[%dma_wait3A_190, %dma_wait3A_191] : memref<1280x48xf32, #tpu.memory_space<vmem>> -> memref<128x48xf32, #tpu.memory_space<vmem>>
      %dma_wait3A_193 = arith.constant 0 : i32
      %dma_wait3A_194 = tpu.memref_slice %arg5[%add3A_88, %dma_wait3A_193] : memref<40x128xi32, #tpu.memory_space<vmem>> -> memref<1x128xi32, #tpu.memory_space<vmem>>
      %dma_wait3A_195 = tpu.memref_squeeze %dma_wait3A_194 : memref<1x128xi32, #tpu.memory_space<vmem>> -> memref<128xi32, #tpu.memory_space<vmem>>
      %dma_wait3A_196 = arith.constant 0 : i32
      %dma_wait3A_197 = arith.constant 0 : i32
      %dma_wait3A_198 = tpu.memref_slice %arg3[%dma_wait3A_196, %dma_wait3A_197] : memref<10240x48xf32, #tpu.memory_space<hbm>> -> memref<10240x48xf32, #tpu.memory_space<hbm>>
      tpu.wait_indirect_dma semaphore(%arg7 : memref<!tpu.dma_semaphore, #tpu.memory_space<semaphore_mem>>) src(%dma_wait3A_198 : memref<10240x48xf32, #tpu.memory_space<hbm>>) dst(%dma_wait3A_192 : memref<128x48xf32, #tpu.memory_space<vmem>>)
      %dma_wait3A_199 = arith.constant 896 : i32
      %dma_wait3A_200 = arith.constant 0 : i32
      %dma_wait3A_201 = tpu.memref_slice %arg6[%dma_wait3A_199, %dma_wait3A_200] : memref<1280x48xf32, #tpu.memory_space<vmem>> -> memref<128x48xf32, #tpu.memory_space<vmem>>
      %dma_wait3A_202 = arith.constant 0 : i32
      %dma_wait3A_203 = tpu.memref_slice %arg5[%add3A_101, %dma_wait3A_202] : memref<40x128xi32, #tpu.memory_space<vmem>> -> memref<1x128xi32, #tpu.memory_space<vmem>>
      %dma_wait3A_204 = tpu.memref_squeeze %dma_wait3A_203 : memref<1x128xi32, #tpu.memory_space<vmem>> -> memref<128xi32, #tpu.memory_space<vmem>>
      %dma_wait3A_205 = arith.constant 0 : i32
      %dma_wait3A_206 = arith.constant 0 : i32
      %dma_wait3A_207 = tpu.memref_slice %arg3[%dma_wait3A_205, %dma_wait3A_206] : memref<10240x48xf32, #tpu.memory_space<hbm>> -> memref<10240x48xf32, #tpu.memory_space<hbm>>
      tpu.wait_indirect_dma semaphore(%arg7 : memref<!tpu.dma_semaphore, #tpu.memory_space<semaphore_mem>>) src(%dma_wait3A_207 : memref<10240x48xf32, #tpu.memory_space<hbm>>) dst(%dma_wait3A_201 : memref<128x48xf32, #tpu.memory_space<vmem>>)
      %dma_wait3A_208 = arith.constant 1024 : i32
      %dma_wait3A_209 = arith.constant 0 : i32
      %dma_wait3A_210 = tpu.memref_slice %arg6[%dma_wait3A_208, %dma_wait3A_209] : memref<1280x48xf32, #tpu.memory_space<vmem>> -> memref<128x48xf32, #tpu.memory_space<vmem>>
      %dma_wait3A_211 = arith.constant 0 : i32
      %dma_wait3A_212 = tpu.memref_slice %arg5[%add3A_114, %dma_wait3A_211] : memref<40x128xi32, #tpu.memory_space<vmem>> -> memref<1x128xi32, #tpu.memory_space<vmem>>
      %dma_wait3A_213 = tpu.memref_squeeze %dma_wait3A_212 : memref<1x128xi32, #tpu.memory_space<vmem>> -> memref<128xi32, #tpu.memory_space<vmem>>
      %dma_wait3A_214 = arith.constant 0 : i32
      %dma_wait3A_215 = arith.constant 0 : i32
      %dma_wait3A_216 = tpu.memref_slice %arg3[%dma_wait3A_214, %dma_wait3A_215] : memref<10240x48xf32, #tpu.memory_space<hbm>> -> memref<10240x48xf32, #tpu.memory_space<hbm>>
      tpu.wait_indirect_dma semaphore(%arg7 : memref<!tpu.dma_semaphore, #tpu.memory_space<semaphore_mem>>) src(%dma_wait3A_216 : memref<10240x48xf32, #tpu.memory_space<hbm>>) dst(%dma_wait3A_210 : memref<128x48xf32, #tpu.memory_space<vmem>>)
      %dma_wait3A_217 = arith.constant 1152 : i32
      %dma_wait3A_218 = arith.constant 0 : i32
      %dma_wait3A_219 = tpu.memref_slice %arg6[%dma_wait3A_217, %dma_wait3A_218] : memref<1280x48xf32, #tpu.memory_space<vmem>> -> memref<128x48xf32, #tpu.memory_space<vmem>>
      %dma_wait3A_220 = arith.constant 0 : i32
      %dma_wait3A_221 = tpu.memref_slice %arg5[%add3A_127, %dma_wait3A_220] : memref<40x128xi32, #tpu.memory_space<vmem>> -> memref<1x128xi32, #tpu.memory_space<vmem>>
      %dma_wait3A_222 = tpu.memref_squeeze %dma_wait3A_221 : memref<1x128xi32, #tpu.memory_space<vmem>> -> memref<128xi32, #tpu.memory_space<vmem>>
      %dma_wait3A_223 = arith.constant 0 : i32
      %dma_wait3A_224 = arith.constant 0 : i32
      %dma_wait3A_225 = tpu.memref_slice %arg3[%dma_wait3A_223, %dma_wait3A_224] : memref<10240x48xf32, #tpu.memory_space<hbm>> -> memref<10240x48xf32, #tpu.memory_space<hbm>>
      tpu.wait_indirect_dma semaphore(%arg7 : memref<!tpu.dma_semaphore, #tpu.memory_space<semaphore_mem>>) src(%dma_wait3A_225 : memref<10240x48xf32, #tpu.memory_space<hbm>>) dst(%dma_wait3A_219 : memref<128x48xf32, #tpu.memory_space<vmem>>)
      %mul3A_226 = arith.constant 10 : i32
      %mul3A_227 = arith.muli %scan3A_7, %mul3A_226 : i32
      %add3A_228 = arith.addi %mul3A_2, %mul3A_227 : i32
      %mul3A_229 = arith.constant 128 : i32
      %mul3A_230 = arith.muli %add3A_228, %mul3A_229 : i32
      "tpu.region"() ({
        %run_scoped3A = tpu.sem_alloc : memref<!tpu.dma_semaphore, #tpu.memory_space<semaphore_mem>>
        %dma_start3A_231 = arith.constant 0 : i32
        %dma_start3A_232 = tpu.memref_slice %arg4[%mul3A_230, %dma_start3A_231] : memref<163840x128xf32, #tpu.memory_space<hbm>> -> memref<1280x48xf32, #tpu.memory_space<hbm>>
        %dma_start3A_233 = arith.constant 0 : i32
        %dma_start3A_234 = tpu.memref_slice %arg4[%mul3A_230, %dma_start3A_233] : memref<163840x128xf32, #tpu.memory_space<hbm>> -> memref<1280x48xf32, #tpu.memory_space<hbm>>
        tpu.enqueue_dma source(%arg6 : memref<1280x48xf32, #tpu.memory_space<vmem>>) target(%dma_start3A_234 : memref<1280x48xf32, #tpu.memory_space<hbm>>) target_semaphore(%run_scoped3A : memref<!tpu.dma_semaphore, #tpu.memory_space<semaphore_mem>>)
        %dma_wait3A_235 = arith.constant 0 : i32
        %dma_wait3A_236 = tpu.memref_slice %arg4[%mul3A_230, %dma_wait3A_235] : memref<163840x128xf32, #tpu.memory_space<hbm>> -> memref<1280x48xf32, #tpu.memory_space<hbm>>
        %dma_wait3A_237 = arith.constant 0 : i32
        %dma_wait3A_238 = tpu.memref_slice %arg4[%mul3A_230, %dma_wait3A_237] : memref<163840x128xf32, #tpu.memory_space<hbm>> -> memref<1280x48xf32, #tpu.memory_space<hbm>>
        tpu.wait_dma2 semaphore(%run_scoped3A : memref<!tpu.dma_semaphore, #tpu.memory_space<semaphore_mem>>) src(%arg6 : memref<1280x48xf32, #tpu.memory_space<vmem>>) dst(%dma_wait3A_238 : memref<1280x48xf32, #tpu.memory_space<hbm>>)
        tpu.yield
      }) : () -> ()
    }
    %scan3A_6 = arith.constant 4 : i32
    return
  }
}

#map = affine_map<(d0, d1) -> (0, 0)>
#map1 = affine_map<(d0, d1) -> (0, 0, 0)>
module attributes {stable_mosaic.version = 14 : i64} {
  func.func @_scatter_body(%arg0: i32, %arg1: i32, %arg2: memref<1280x128xi32, #tpu.memory_space<hbm>>, %arg3: memref<163840x128xf32, #tpu.memory_space<hbm>>, %arg4: memref<10240x48xf32, #tpu.memory_space<hbm>>, %arg5: memref<2x10240x48xf32, #tpu.memory_space<hbm>>, %arg6: memref<10240x48xf32, #tpu.memory_space<vmem_shared>>, %arg7: memref<40x128xi32, #tpu.memory_space<vmem>>, %arg8: memref<1280x48xf32, #tpu.memory_space<vmem>>) attributes {dimension_semantics = [#tpu.dimension_semantics<core_parallel>, #tpu.dimension_semantics<subcore_parallel>], iteration_bounds = array<i64: 2, 16>, scalar_prefetch = 0 : i64, scratch_operands = 3 : i64, tpu.core_type = #tpu.core_type<sc_vector_subcore>, window_params = [{transform_indices = #map}, {transform_indices = #map}, {transform_indices = #map}, {transform_indices = #map1}]} {
    %mul3A = arith.constant 640 : i32
    %mul3A_0 = arith.muli %arg1, %mul3A : i32
    %mul3A_1 = arith.constant 640 : i32
    %mul3A_2 = arith.muli %arg1, %mul3A_1 : i32
    "tpu.region"() ({
      %run_scoped3A = tpu.sem_alloc : memref<!tpu.dma_semaphore, #tpu.memory_space<semaphore_mem>>
      %dma_start3A = arith.constant 0 : i32
      %dma_start3A_16 = tpu.memref_slice %arg6[%mul3A_2, %dma_start3A] : memref<10240x48xf32, #tpu.memory_space<vmem_shared>> -> memref<640x48xf32, #tpu.memory_space<vmem_shared>>
      %dma_start3A_17 = arith.constant 0 : i32
      %dma_start3A_18 = tpu.memref_slice %arg4[%mul3A_0, %dma_start3A_17] : memref<10240x48xf32, #tpu.memory_space<hbm>> -> memref<640x48xf32, #tpu.memory_space<hbm>>
      tpu.enqueue_dma source(%dma_start3A_18 : memref<640x48xf32, #tpu.memory_space<hbm>>) target(%dma_start3A_16 : memref<640x48xf32, #tpu.memory_space<vmem_shared>>) target_semaphore(%run_scoped3A : memref<!tpu.dma_semaphore, #tpu.memory_space<semaphore_mem>>)
      %dma_wait3A = arith.constant 0 : i32
      %dma_wait3A_19 = tpu.memref_slice %arg6[%mul3A_2, %dma_wait3A] : memref<10240x48xf32, #tpu.memory_space<vmem_shared>> -> memref<640x48xf32, #tpu.memory_space<vmem_shared>>
      %dma_wait3A_20 = arith.constant 0 : i32
      %dma_wait3A_21 = tpu.memref_slice %arg4[%mul3A_0, %dma_wait3A_20] : memref<10240x48xf32, #tpu.memory_space<hbm>> -> memref<640x48xf32, #tpu.memory_space<hbm>>
      tpu.wait_dma2 semaphore(%run_scoped3A : memref<!tpu.dma_semaphore, #tpu.memory_space<semaphore_mem>>) src(%dma_wait3A_21 : memref<640x48xf32, #tpu.memory_space<hbm>>) dst(%dma_wait3A_19 : memref<640x48xf32, #tpu.memory_space<vmem_shared>>)
      tpu.yield
    }) : () -> ()
    %mul3A_3 = arith.constant 640 : i32
    %mul3A_4 = arith.muli %arg0, %mul3A_3 : i32
    %mul3A_5 = arith.constant 40 : i32
    %mul3A_6 = arith.muli %arg1, %mul3A_5 : i32
    %add3A = arith.addi %mul3A_4, %mul3A_6 : i32
    "tpu.region"() ({
      %run_scoped3A = tpu.sem_alloc : memref<!tpu.dma_semaphore, #tpu.memory_space<semaphore_mem>>
      %dma_start3A = arith.constant 0 : i32
      %dma_start3A_16 = tpu.memref_slice %arg2[%add3A, %dma_start3A] : memref<1280x128xi32, #tpu.memory_space<hbm>> -> memref<40x128xi32, #tpu.memory_space<hbm>>
      %dma_start3A_17 = arith.constant 0 : i32
      %dma_start3A_18 = tpu.memref_slice %arg2[%add3A, %dma_start3A_17] : memref<1280x128xi32, #tpu.memory_space<hbm>> -> memref<40x128xi32, #tpu.memory_space<hbm>>
      tpu.enqueue_dma source(%dma_start3A_18 : memref<40x128xi32, #tpu.memory_space<hbm>>) target(%arg7 : memref<40x128xi32, #tpu.memory_space<vmem>>) target_semaphore(%run_scoped3A : memref<!tpu.dma_semaphore, #tpu.memory_space<semaphore_mem>>)
      %dma_wait3A = arith.constant 0 : i32
      %dma_wait3A_19 = tpu.memref_slice %arg2[%add3A, %dma_wait3A] : memref<1280x128xi32, #tpu.memory_space<hbm>> -> memref<40x128xi32, #tpu.memory_space<hbm>>
      %dma_wait3A_20 = arith.constant 0 : i32
      %dma_wait3A_21 = tpu.memref_slice %arg2[%add3A, %dma_wait3A_20] : memref<1280x128xi32, #tpu.memory_space<hbm>> -> memref<40x128xi32, #tpu.memory_space<hbm>>
      tpu.wait_dma2 semaphore(%run_scoped3A : memref<!tpu.dma_semaphore, #tpu.memory_space<semaphore_mem>>) src(%dma_wait3A_21 : memref<40x128xi32, #tpu.memory_space<hbm>>) dst(%arg7 : memref<40x128xi32, #tpu.memory_space<vmem>>)
      tpu.yield
    }) : () -> ()
    %barrier3A = arith.constant 0 : index
    tpu.barrier barrier_id(%barrier3A)
    %scan3A = arith.constant 0 : i32
    %scan3A_7 = arith.constant 4 : i32
    %scan3A_8 = arith.addi %scan3A, %scan3A_7 : i32
    %scan3A_9 = arith.constant 1 : i32
    scf.for %scan3A_16 = %scan3A to %scan3A_8 step %scan3A_9  : i32 {
      %mul3A_17 = arith.constant 10 : i32
      %mul3A_18 = arith.muli %scan3A_16, %mul3A_17 : i32
      %add3A_19 = arith.addi %add3A, %mul3A_18 : i32
      %mul3A_20 = arith.constant 128 : i32
      %mul3A_21 = arith.muli %add3A_19, %mul3A_20 : i32
      "tpu.region"() ({
        %run_scoped3A = tpu.sem_alloc : memref<!tpu.dma_semaphore, #tpu.memory_space<semaphore_mem>>
        %dma_start3A = arith.constant 0 : i32
        %dma_start3A_62 = tpu.memref_slice %arg3[%mul3A_21, %dma_start3A] : memref<163840x128xf32, #tpu.memory_space<hbm>> -> memref<1280x48xf32, #tpu.memory_space<hbm>>
        %dma_start3A_63 = arith.constant 0 : i32
        %dma_start3A_64 = tpu.memref_slice %arg3[%mul3A_21, %dma_start3A_63] : memref<163840x128xf32, #tpu.memory_space<hbm>> -> memref<1280x48xf32, #tpu.memory_space<hbm>>
        tpu.enqueue_dma source(%dma_start3A_64 : memref<1280x48xf32, #tpu.memory_space<hbm>>) target(%arg8 : memref<1280x48xf32, #tpu.memory_space<vmem>>) target_semaphore(%run_scoped3A : memref<!tpu.dma_semaphore, #tpu.memory_space<semaphore_mem>>)
        %dma_wait3A = arith.constant 0 : i32
        %dma_wait3A_65 = tpu.memref_slice %arg3[%mul3A_21, %dma_wait3A] : memref<163840x128xf32, #tpu.memory_space<hbm>> -> memref<1280x48xf32, #tpu.memory_space<hbm>>
        %dma_wait3A_66 = arith.constant 0 : i32
        %dma_wait3A_67 = tpu.memref_slice %arg3[%mul3A_21, %dma_wait3A_66] : memref<163840x128xf32, #tpu.memory_space<hbm>> -> memref<1280x48xf32, #tpu.memory_space<hbm>>
        tpu.wait_dma2 semaphore(%run_scoped3A : memref<!tpu.dma_semaphore, #tpu.memory_space<semaphore_mem>>) src(%dma_wait3A_67 : memref<1280x48xf32, #tpu.memory_space<hbm>>) dst(%arg8 : memref<1280x48xf32, #tpu.memory_space<vmem>>)
        tpu.yield
      }) : () -> ()
      %mul3A_22 = arith.constant 10 : i32
      %mul3A_23 = arith.muli %scan3A_16, %mul3A_22 : i32
      %add3A_24 = arith.constant 0 : i32
      %add3A_25 = arith.addi %mul3A_23, %add3A_24 : i32
      "tpu.region"() ({
        %run_scoped3A = tpu.sem_alloc : memref<!tpu.dma_semaphore, #tpu.memory_space<semaphore_mem>>
        %dma_start3A = arith.constant 0 : i32
        %dma_start3A_62 = arith.constant 0 : i32
        %dma_start3A_63 = tpu.memref_slice %arg8[%dma_start3A, %dma_start3A_62] : memref<1280x48xf32, #tpu.memory_space<vmem>> -> memref<128x48xf32, #tpu.memory_space<vmem>>
        %dma_start3A_64 = arith.constant 0 : i32
        %dma_start3A_65 = tpu.memref_slice %arg7[%add3A_25, %dma_start3A_64] : memref<40x128xi32, #tpu.memory_space<vmem>> -> memref<1x128xi32, #tpu.memory_space<vmem>>
        %dma_start3A_66 = tpu.memref_squeeze %dma_start3A_65 : memref<1x128xi32, #tpu.memory_space<vmem>> -> memref<128xi32, #tpu.memory_space<vmem>>
        %dma_start3A_67 = arith.constant 0 : i32
        %dma_start3A_68 = arith.constant 0 : i32
        %dma_start3A_69 = tpu.memref_slice %arg6[%dma_start3A_67, %dma_start3A_68] : memref<10240x48xf32, #tpu.memory_space<vmem_shared>> -> memref<10240x48xf32, #tpu.memory_space<vmem_shared>>
        tpu.enqueue_indirect_dma source(%dma_start3A_63 : memref<128x48xf32, #tpu.memory_space<vmem>>) target(%dma_start3A_69 : memref<10240x48xf32, #tpu.memory_space<vmem_shared>>) offsets(%dma_start3A_66 : memref<128xi32, #tpu.memory_space<vmem>>) semaphore(%run_scoped3A : memref<!tpu.dma_semaphore, #tpu.memory_space<semaphore_mem>>) {add = true}
        %dma_wait3A = arith.constant 0 : i32
        %dma_wait3A_70 = arith.constant 0 : i32
        %dma_wait3A_71 = tpu.memref_slice %arg8[%dma_wait3A, %dma_wait3A_70] : memref<1280x48xf32, #tpu.memory_space<vmem>> -> memref<128x48xf32, #tpu.memory_space<vmem>>
        %dma_wait3A_72 = arith.constant 0 : i32
        %dma_wait3A_73 = tpu.memref_slice %arg7[%add3A_25, %dma_wait3A_72] : memref<40x128xi32, #tpu.memory_space<vmem>> -> memref<1x128xi32, #tpu.memory_space<vmem>>
        %dma_wait3A_74 = tpu.memref_squeeze %dma_wait3A_73 : memref<1x128xi32, #tpu.memory_space<vmem>> -> memref<128xi32, #tpu.memory_space<vmem>>
        %dma_wait3A_75 = arith.constant 0 : i32
        %dma_wait3A_76 = arith.constant 0 : i32
        %dma_wait3A_77 = tpu.memref_slice %arg6[%dma_wait3A_75, %dma_wait3A_76] : memref<10240x48xf32, #tpu.memory_space<vmem_shared>> -> memref<10240x48xf32, #tpu.memory_space<vmem_shared>>
        tpu.wait_indirect_dma semaphore(%run_scoped3A : memref<!tpu.dma_semaphore, #tpu.memory_space<semaphore_mem>>) src(%dma_wait3A_71 : memref<128x48xf32, #tpu.memory_space<vmem>>) dst(%dma_wait3A_77 : memref<10240x48xf32, #tpu.memory_space<vmem_shared>>)
        tpu.yield
      }) : () -> ()
      %mul3A_26 = arith.constant 10 : i32
      %mul3A_27 = arith.muli %scan3A_16, %mul3A_26 : i32
      %add3A_28 = arith.constant 1 : i32
      %add3A_29 = arith.addi %mul3A_27, %add3A_28 : i32
      "tpu.region"() ({
        %run_scoped3A = tpu.sem_alloc : memref<!tpu.dma_semaphore, #tpu.memory_space<semaphore_mem>>
        %dma_start3A = arith.constant 128 : i32
        %dma_start3A_62 = arith.constant 0 : i32
        %dma_start3A_63 = tpu.memref_slice %arg8[%dma_start3A, %dma_start3A_62] : memref<1280x48xf32, #tpu.memory_space<vmem>> -> memref<128x48xf32, #tpu.memory_space<vmem>>
        %dma_start3A_64 = arith.constant 0 : i32
        %dma_start3A_65 = tpu.memref_slice %arg7[%add3A_29, %dma_start3A_64] : memref<40x128xi32, #tpu.memory_space<vmem>> -> memref<1x128xi32, #tpu.memory_space<vmem>>
        %dma_start3A_66 = tpu.memref_squeeze %dma_start3A_65 : memref<1x128xi32, #tpu.memory_space<vmem>> -> memref<128xi32, #tpu.memory_space<vmem>>
        %dma_start3A_67 = arith.constant 0 : i32
        %dma_start3A_68 = arith.constant 0 : i32
        %dma_start3A_69 = tpu.memref_slice %arg6[%dma_start3A_67, %dma_start3A_68] : memref<10240x48xf32, #tpu.memory_space<vmem_shared>> -> memref<10240x48xf32, #tpu.memory_space<vmem_shared>>
        tpu.enqueue_indirect_dma source(%dma_start3A_63 : memref<128x48xf32, #tpu.memory_space<vmem>>) target(%dma_start3A_69 : memref<10240x48xf32, #tpu.memory_space<vmem_shared>>) offsets(%dma_start3A_66 : memref<128xi32, #tpu.memory_space<vmem>>) semaphore(%run_scoped3A : memref<!tpu.dma_semaphore, #tpu.memory_space<semaphore_mem>>) {add = true}
        %dma_wait3A = arith.constant 128 : i32
        %dma_wait3A_70 = arith.constant 0 : i32
        %dma_wait3A_71 = tpu.memref_slice %arg8[%dma_wait3A, %dma_wait3A_70] : memref<1280x48xf32, #tpu.memory_space<vmem>> -> memref<128x48xf32, #tpu.memory_space<vmem>>
        %dma_wait3A_72 = arith.constant 0 : i32
        %dma_wait3A_73 = tpu.memref_slice %arg7[%add3A_29, %dma_wait3A_72] : memref<40x128xi32, #tpu.memory_space<vmem>> -> memref<1x128xi32, #tpu.memory_space<vmem>>
        %dma_wait3A_74 = tpu.memref_squeeze %dma_wait3A_73 : memref<1x128xi32, #tpu.memory_space<vmem>> -> memref<128xi32, #tpu.memory_space<vmem>>
        %dma_wait3A_75 = arith.constant 0 : i32
        %dma_wait3A_76 = arith.constant 0 : i32
        %dma_wait3A_77 = tpu.memref_slice %arg6[%dma_wait3A_75, %dma_wait3A_76] : memref<10240x48xf32, #tpu.memory_space<vmem_shared>> -> memref<10240x48xf32, #tpu.memory_space<vmem_shared>>
        tpu.wait_indirect_dma semaphore(%run_scoped3A : memref<!tpu.dma_semaphore, #tpu.memory_space<semaphore_mem>>) src(%dma_wait3A_71 : memref<128x48xf32, #tpu.memory_space<vmem>>) dst(%dma_wait3A_77 : memref<10240x48xf32, #tpu.memory_space<vmem_shared>>)
        tpu.yield
      }) : () -> ()
      %mul3A_30 = arith.constant 10 : i32
      %mul3A_31 = arith.muli %scan3A_16, %mul3A_30 : i32
      %add3A_32 = arith.constant 2 : i32
      %add3A_33 = arith.addi %mul3A_31, %add3A_32 : i32
      "tpu.region"() ({
        %run_scoped3A = tpu.sem_alloc : memref<!tpu.dma_semaphore, #tpu.memory_space<semaphore_mem>>
        %dma_start3A = arith.constant 256 : i32
        %dma_start3A_62 = arith.constant 0 : i32
        %dma_start3A_63 = tpu.memref_slice %arg8[%dma_start3A, %dma_start3A_62] : memref<1280x48xf32, #tpu.memory_space<vmem>> -> memref<128x48xf32, #tpu.memory_space<vmem>>
        %dma_start3A_64 = arith.constant 0 : i32
        %dma_start3A_65 = tpu.memref_slice %arg7[%add3A_33, %dma_start3A_64] : memref<40x128xi32, #tpu.memory_space<vmem>> -> memref<1x128xi32, #tpu.memory_space<vmem>>
        %dma_start3A_66 = tpu.memref_squeeze %dma_start3A_65 : memref<1x128xi32, #tpu.memory_space<vmem>> -> memref<128xi32, #tpu.memory_space<vmem>>
        %dma_start3A_67 = arith.constant 0 : i32
        %dma_start3A_68 = arith.constant 0 : i32
        %dma_start3A_69 = tpu.memref_slice %arg6[%dma_start3A_67, %dma_start3A_68] : memref<10240x48xf32, #tpu.memory_space<vmem_shared>> -> memref<10240x48xf32, #tpu.memory_space<vmem_shared>>
        tpu.enqueue_indirect_dma source(%dma_start3A_63 : memref<128x48xf32, #tpu.memory_space<vmem>>) target(%dma_start3A_69 : memref<10240x48xf32, #tpu.memory_space<vmem_shared>>) offsets(%dma_start3A_66 : memref<128xi32, #tpu.memory_space<vmem>>) semaphore(%run_scoped3A : memref<!tpu.dma_semaphore, #tpu.memory_space<semaphore_mem>>) {add = true}
        %dma_wait3A = arith.constant 256 : i32
        %dma_wait3A_70 = arith.constant 0 : i32
        %dma_wait3A_71 = tpu.memref_slice %arg8[%dma_wait3A, %dma_wait3A_70] : memref<1280x48xf32, #tpu.memory_space<vmem>> -> memref<128x48xf32, #tpu.memory_space<vmem>>
        %dma_wait3A_72 = arith.constant 0 : i32
        %dma_wait3A_73 = tpu.memref_slice %arg7[%add3A_33, %dma_wait3A_72] : memref<40x128xi32, #tpu.memory_space<vmem>> -> memref<1x128xi32, #tpu.memory_space<vmem>>
        %dma_wait3A_74 = tpu.memref_squeeze %dma_wait3A_73 : memref<1x128xi32, #tpu.memory_space<vmem>> -> memref<128xi32, #tpu.memory_space<vmem>>
        %dma_wait3A_75 = arith.constant 0 : i32
        %dma_wait3A_76 = arith.constant 0 : i32
        %dma_wait3A_77 = tpu.memref_slice %arg6[%dma_wait3A_75, %dma_wait3A_76] : memref<10240x48xf32, #tpu.memory_space<vmem_shared>> -> memref<10240x48xf32, #tpu.memory_space<vmem_shared>>
        tpu.wait_indirect_dma semaphore(%run_scoped3A : memref<!tpu.dma_semaphore, #tpu.memory_space<semaphore_mem>>) src(%dma_wait3A_71 : memref<128x48xf32, #tpu.memory_space<vmem>>) dst(%dma_wait3A_77 : memref<10240x48xf32, #tpu.memory_space<vmem_shared>>)
        tpu.yield
      }) : () -> ()
      %mul3A_34 = arith.constant 10 : i32
      %mul3A_35 = arith.muli %scan3A_16, %mul3A_34 : i32
      %add3A_36 = arith.constant 3 : i32
      %add3A_37 = arith.addi %mul3A_35, %add3A_36 : i32
      "tpu.region"() ({
        %run_scoped3A = tpu.sem_alloc : memref<!tpu.dma_semaphore, #tpu.memory_space<semaphore_mem>>
        %dma_start3A = arith.constant 384 : i32
        %dma_start3A_62 = arith.constant 0 : i32
        %dma_start3A_63 = tpu.memref_slice %arg8[%dma_start3A, %dma_start3A_62] : memref<1280x48xf32, #tpu.memory_space<vmem>> -> memref<128x48xf32, #tpu.memory_space<vmem>>
        %dma_start3A_64 = arith.constant 0 : i32
        %dma_start3A_65 = tpu.memref_slice %arg7[%add3A_37, %dma_start3A_64] : memref<40x128xi32, #tpu.memory_space<vmem>> -> memref<1x128xi32, #tpu.memory_space<vmem>>
        %dma_start3A_66 = tpu.memref_squeeze %dma_start3A_65 : memref<1x128xi32, #tpu.memory_space<vmem>> -> memref<128xi32, #tpu.memory_space<vmem>>
        %dma_start3A_67 = arith.constant 0 : i32
        %dma_start3A_68 = arith.constant 0 : i32
        %dma_start3A_69 = tpu.memref_slice %arg6[%dma_start3A_67, %dma_start3A_68] : memref<10240x48xf32, #tpu.memory_space<vmem_shared>> -> memref<10240x48xf32, #tpu.memory_space<vmem_shared>>
        tpu.enqueue_indirect_dma source(%dma_start3A_63 : memref<128x48xf32, #tpu.memory_space<vmem>>) target(%dma_start3A_69 : memref<10240x48xf32, #tpu.memory_space<vmem_shared>>) offsets(%dma_start3A_66 : memref<128xi32, #tpu.memory_space<vmem>>) semaphore(%run_scoped3A : memref<!tpu.dma_semaphore, #tpu.memory_space<semaphore_mem>>) {add = true}
        %dma_wait3A = arith.constant 384 : i32
        %dma_wait3A_70 = arith.constant 0 : i32
        %dma_wait3A_71 = tpu.memref_slice %arg8[%dma_wait3A, %dma_wait3A_70] : memref<1280x48xf32, #tpu.memory_space<vmem>> -> memref<128x48xf32, #tpu.memory_space<vmem>>
        %dma_wait3A_72 = arith.constant 0 : i32
        %dma_wait3A_73 = tpu.memref_slice %arg7[%add3A_37, %dma_wait3A_72] : memref<40x128xi32, #tpu.memory_space<vmem>> -> memref<1x128xi32, #tpu.memory_space<vmem>>
        %dma_wait3A_74 = tpu.memref_squeeze %dma_wait3A_73 : memref<1x128xi32, #tpu.memory_space<vmem>> -> memref<128xi32, #tpu.memory_space<vmem>>
        %dma_wait3A_75 = arith.constant 0 : i32
        %dma_wait3A_76 = arith.constant 0 : i32
        %dma_wait3A_77 = tpu.memref_slice %arg6[%dma_wait3A_75, %dma_wait3A_76] : memref<10240x48xf32, #tpu.memory_space<vmem_shared>> -> memref<10240x48xf32, #tpu.memory_space<vmem_shared>>
        tpu.wait_indirect_dma semaphore(%run_scoped3A : memref<!tpu.dma_semaphore, #tpu.memory_space<semaphore_mem>>) src(%dma_wait3A_71 : memref<128x48xf32, #tpu.memory_space<vmem>>) dst(%dma_wait3A_77 : memref<10240x48xf32, #tpu.memory_space<vmem_shared>>)
        tpu.yield
      }) : () -> ()
      %mul3A_38 = arith.constant 10 : i32
      %mul3A_39 = arith.muli %scan3A_16, %mul3A_38 : i32
      %add3A_40 = arith.constant 4 : i32
      %add3A_41 = arith.addi %mul3A_39, %add3A_40 : i32
      "tpu.region"() ({
        %run_scoped3A = tpu.sem_alloc : memref<!tpu.dma_semaphore, #tpu.memory_space<semaphore_mem>>
        %dma_start3A = arith.constant 512 : i32
        %dma_start3A_62 = arith.constant 0 : i32
        %dma_start3A_63 = tpu.memref_slice %arg8[%dma_start3A, %dma_start3A_62] : memref<1280x48xf32, #tpu.memory_space<vmem>> -> memref<128x48xf32, #tpu.memory_space<vmem>>
        %dma_start3A_64 = arith.constant 0 : i32
        %dma_start3A_65 = tpu.memref_slice %arg7[%add3A_41, %dma_start3A_64] : memref<40x128xi32, #tpu.memory_space<vmem>> -> memref<1x128xi32, #tpu.memory_space<vmem>>
        %dma_start3A_66 = tpu.memref_squeeze %dma_start3A_65 : memref<1x128xi32, #tpu.memory_space<vmem>> -> memref<128xi32, #tpu.memory_space<vmem>>
        %dma_start3A_67 = arith.constant 0 : i32
        %dma_start3A_68 = arith.constant 0 : i32
        %dma_start3A_69 = tpu.memref_slice %arg6[%dma_start3A_67, %dma_start3A_68] : memref<10240x48xf32, #tpu.memory_space<vmem_shared>> -> memref<10240x48xf32, #tpu.memory_space<vmem_shared>>
        tpu.enqueue_indirect_dma source(%dma_start3A_63 : memref<128x48xf32, #tpu.memory_space<vmem>>) target(%dma_start3A_69 : memref<10240x48xf32, #tpu.memory_space<vmem_shared>>) offsets(%dma_start3A_66 : memref<128xi32, #tpu.memory_space<vmem>>) semaphore(%run_scoped3A : memref<!tpu.dma_semaphore, #tpu.memory_space<semaphore_mem>>) {add = true}
        %dma_wait3A = arith.constant 512 : i32
        %dma_wait3A_70 = arith.constant 0 : i32
        %dma_wait3A_71 = tpu.memref_slice %arg8[%dma_wait3A, %dma_wait3A_70] : memref<1280x48xf32, #tpu.memory_space<vmem>> -> memref<128x48xf32, #tpu.memory_space<vmem>>
        %dma_wait3A_72 = arith.constant 0 : i32
        %dma_wait3A_73 = tpu.memref_slice %arg7[%add3A_41, %dma_wait3A_72] : memref<40x128xi32, #tpu.memory_space<vmem>> -> memref<1x128xi32, #tpu.memory_space<vmem>>
        %dma_wait3A_74 = tpu.memref_squeeze %dma_wait3A_73 : memref<1x128xi32, #tpu.memory_space<vmem>> -> memref<128xi32, #tpu.memory_space<vmem>>
        %dma_wait3A_75 = arith.constant 0 : i32
        %dma_wait3A_76 = arith.constant 0 : i32
        %dma_wait3A_77 = tpu.memref_slice %arg6[%dma_wait3A_75, %dma_wait3A_76] : memref<10240x48xf32, #tpu.memory_space<vmem_shared>> -> memref<10240x48xf32, #tpu.memory_space<vmem_shared>>
        tpu.wait_indirect_dma semaphore(%run_scoped3A : memref<!tpu.dma_semaphore, #tpu.memory_space<semaphore_mem>>) src(%dma_wait3A_71 : memref<128x48xf32, #tpu.memory_space<vmem>>) dst(%dma_wait3A_77 : memref<10240x48xf32, #tpu.memory_space<vmem_shared>>)
        tpu.yield
      }) : () -> ()
      %mul3A_42 = arith.constant 10 : i32
      %mul3A_43 = arith.muli %scan3A_16, %mul3A_42 : i32
      %add3A_44 = arith.constant 5 : i32
      %add3A_45 = arith.addi %mul3A_43, %add3A_44 : i32
      "tpu.region"() ({
        %run_scoped3A = tpu.sem_alloc : memref<!tpu.dma_semaphore, #tpu.memory_space<semaphore_mem>>
        %dma_start3A = arith.constant 640 : i32
        %dma_start3A_62 = arith.constant 0 : i32
        %dma_start3A_63 = tpu.memref_slice %arg8[%dma_start3A, %dma_start3A_62] : memref<1280x48xf32, #tpu.memory_space<vmem>> -> memref<128x48xf32, #tpu.memory_space<vmem>>
        %dma_start3A_64 = arith.constant 0 : i32
        %dma_start3A_65 = tpu.memref_slice %arg7[%add3A_45, %dma_start3A_64] : memref<40x128xi32, #tpu.memory_space<vmem>> -> memref<1x128xi32, #tpu.memory_space<vmem>>
        %dma_start3A_66 = tpu.memref_squeeze %dma_start3A_65 : memref<1x128xi32, #tpu.memory_space<vmem>> -> memref<128xi32, #tpu.memory_space<vmem>>
        %dma_start3A_67 = arith.constant 0 : i32
        %dma_start3A_68 = arith.constant 0 : i32
        %dma_start3A_69 = tpu.memref_slice %arg6[%dma_start3A_67, %dma_start3A_68] : memref<10240x48xf32, #tpu.memory_space<vmem_shared>> -> memref<10240x48xf32, #tpu.memory_space<vmem_shared>>
        tpu.enqueue_indirect_dma source(%dma_start3A_63 : memref<128x48xf32, #tpu.memory_space<vmem>>) target(%dma_start3A_69 : memref<10240x48xf32, #tpu.memory_space<vmem_shared>>) offsets(%dma_start3A_66 : memref<128xi32, #tpu.memory_space<vmem>>) semaphore(%run_scoped3A : memref<!tpu.dma_semaphore, #tpu.memory_space<semaphore_mem>>) {add = true}
        %dma_wait3A = arith.constant 640 : i32
        %dma_wait3A_70 = arith.constant 0 : i32
        %dma_wait3A_71 = tpu.memref_slice %arg8[%dma_wait3A, %dma_wait3A_70] : memref<1280x48xf32, #tpu.memory_space<vmem>> -> memref<128x48xf32, #tpu.memory_space<vmem>>
        %dma_wait3A_72 = arith.constant 0 : i32
        %dma_wait3A_73 = tpu.memref_slice %arg7[%add3A_45, %dma_wait3A_72] : memref<40x128xi32, #tpu.memory_space<vmem>> -> memref<1x128xi32, #tpu.memory_space<vmem>>
        %dma_wait3A_74 = tpu.memref_squeeze %dma_wait3A_73 : memref<1x128xi32, #tpu.memory_space<vmem>> -> memref<128xi32, #tpu.memory_space<vmem>>
        %dma_wait3A_75 = arith.constant 0 : i32
        %dma_wait3A_76 = arith.constant 0 : i32
        %dma_wait3A_77 = tpu.memref_slice %arg6[%dma_wait3A_75, %dma_wait3A_76] : memref<10240x48xf32, #tpu.memory_space<vmem_shared>> -> memref<10240x48xf32, #tpu.memory_space<vmem_shared>>
        tpu.wait_indirect_dma semaphore(%run_scoped3A : memref<!tpu.dma_semaphore, #tpu.memory_space<semaphore_mem>>) src(%dma_wait3A_71 : memref<128x48xf32, #tpu.memory_space<vmem>>) dst(%dma_wait3A_77 : memref<10240x48xf32, #tpu.memory_space<vmem_shared>>)
        tpu.yield
      }) : () -> ()
      %mul3A_46 = arith.constant 10 : i32
      %mul3A_47 = arith.muli %scan3A_16, %mul3A_46 : i32
      %add3A_48 = arith.constant 6 : i32
      %add3A_49 = arith.addi %mul3A_47, %add3A_48 : i32
      "tpu.region"() ({
        %run_scoped3A = tpu.sem_alloc : memref<!tpu.dma_semaphore, #tpu.memory_space<semaphore_mem>>
        %dma_start3A = arith.constant 768 : i32
        %dma_start3A_62 = arith.constant 0 : i32
        %dma_start3A_63 = tpu.memref_slice %arg8[%dma_start3A, %dma_start3A_62] : memref<1280x48xf32, #tpu.memory_space<vmem>> -> memref<128x48xf32, #tpu.memory_space<vmem>>
        %dma_start3A_64 = arith.constant 0 : i32
        %dma_start3A_65 = tpu.memref_slice %arg7[%add3A_49, %dma_start3A_64] : memref<40x128xi32, #tpu.memory_space<vmem>> -> memref<1x128xi32, #tpu.memory_space<vmem>>
        %dma_start3A_66 = tpu.memref_squeeze %dma_start3A_65 : memref<1x128xi32, #tpu.memory_space<vmem>> -> memref<128xi32, #tpu.memory_space<vmem>>
        %dma_start3A_67 = arith.constant 0 : i32
        %dma_start3A_68 = arith.constant 0 : i32
        %dma_start3A_69 = tpu.memref_slice %arg6[%dma_start3A_67, %dma_start3A_68] : memref<10240x48xf32, #tpu.memory_space<vmem_shared>> -> memref<10240x48xf32, #tpu.memory_space<vmem_shared>>
        tpu.enqueue_indirect_dma source(%dma_start3A_63 : memref<128x48xf32, #tpu.memory_space<vmem>>) target(%dma_start3A_69 : memref<10240x48xf32, #tpu.memory_space<vmem_shared>>) offsets(%dma_start3A_66 : memref<128xi32, #tpu.memory_space<vmem>>) semaphore(%run_scoped3A : memref<!tpu.dma_semaphore, #tpu.memory_space<semaphore_mem>>) {add = true}
        %dma_wait3A = arith.constant 768 : i32
        %dma_wait3A_70 = arith.constant 0 : i32
        %dma_wait3A_71 = tpu.memref_slice %arg8[%dma_wait3A, %dma_wait3A_70] : memref<1280x48xf32, #tpu.memory_space<vmem>> -> memref<128x48xf32, #tpu.memory_space<vmem>>
        %dma_wait3A_72 = arith.constant 0 : i32
        %dma_wait3A_73 = tpu.memref_slice %arg7[%add3A_49, %dma_wait3A_72] : memref<40x128xi32, #tpu.memory_space<vmem>> -> memref<1x128xi32, #tpu.memory_space<vmem>>
        %dma_wait3A_74 = tpu.memref_squeeze %dma_wait3A_73 : memref<1x128xi32, #tpu.memory_space<vmem>> -> memref<128xi32, #tpu.memory_space<vmem>>
        %dma_wait3A_75 = arith.constant 0 : i32
        %dma_wait3A_76 = arith.constant 0 : i32
        %dma_wait3A_77 = tpu.memref_slice %arg6[%dma_wait3A_75, %dma_wait3A_76] : memref<10240x48xf32, #tpu.memory_space<vmem_shared>> -> memref<10240x48xf32, #tpu.memory_space<vmem_shared>>
        tpu.wait_indirect_dma semaphore(%run_scoped3A : memref<!tpu.dma_semaphore, #tpu.memory_space<semaphore_mem>>) src(%dma_wait3A_71 : memref<128x48xf32, #tpu.memory_space<vmem>>) dst(%dma_wait3A_77 : memref<10240x48xf32, #tpu.memory_space<vmem_shared>>)
        tpu.yield
      }) : () -> ()
      %mul3A_50 = arith.constant 10 : i32
      %mul3A_51 = arith.muli %scan3A_16, %mul3A_50 : i32
      %add3A_52 = arith.constant 7 : i32
      %add3A_53 = arith.addi %mul3A_51, %add3A_52 : i32
      "tpu.region"() ({
        %run_scoped3A = tpu.sem_alloc : memref<!tpu.dma_semaphore, #tpu.memory_space<semaphore_mem>>
        %dma_start3A = arith.constant 896 : i32
        %dma_start3A_62 = arith.constant 0 : i32
        %dma_start3A_63 = tpu.memref_slice %arg8[%dma_start3A, %dma_start3A_62] : memref<1280x48xf32, #tpu.memory_space<vmem>> -> memref<128x48xf32, #tpu.memory_space<vmem>>
        %dma_start3A_64 = arith.constant 0 : i32
        %dma_start3A_65 = tpu.memref_slice %arg7[%add3A_53, %dma_start3A_64] : memref<40x128xi32, #tpu.memory_space<vmem>> -> memref<1x128xi32, #tpu.memory_space<vmem>>
        %dma_start3A_66 = tpu.memref_squeeze %dma_start3A_65 : memref<1x128xi32, #tpu.memory_space<vmem>> -> memref<128xi32, #tpu.memory_space<vmem>>
        %dma_start3A_67 = arith.constant 0 : i32
        %dma_start3A_68 = arith.constant 0 : i32
        %dma_start3A_69 = tpu.memref_slice %arg6[%dma_start3A_67, %dma_start3A_68] : memref<10240x48xf32, #tpu.memory_space<vmem_shared>> -> memref<10240x48xf32, #tpu.memory_space<vmem_shared>>
        tpu.enqueue_indirect_dma source(%dma_start3A_63 : memref<128x48xf32, #tpu.memory_space<vmem>>) target(%dma_start3A_69 : memref<10240x48xf32, #tpu.memory_space<vmem_shared>>) offsets(%dma_start3A_66 : memref<128xi32, #tpu.memory_space<vmem>>) semaphore(%run_scoped3A : memref<!tpu.dma_semaphore, #tpu.memory_space<semaphore_mem>>) {add = true}
        %dma_wait3A = arith.constant 896 : i32
        %dma_wait3A_70 = arith.constant 0 : i32
        %dma_wait3A_71 = tpu.memref_slice %arg8[%dma_wait3A, %dma_wait3A_70] : memref<1280x48xf32, #tpu.memory_space<vmem>> -> memref<128x48xf32, #tpu.memory_space<vmem>>
        %dma_wait3A_72 = arith.constant 0 : i32
        %dma_wait3A_73 = tpu.memref_slice %arg7[%add3A_53, %dma_wait3A_72] : memref<40x128xi32, #tpu.memory_space<vmem>> -> memref<1x128xi32, #tpu.memory_space<vmem>>
        %dma_wait3A_74 = tpu.memref_squeeze %dma_wait3A_73 : memref<1x128xi32, #tpu.memory_space<vmem>> -> memref<128xi32, #tpu.memory_space<vmem>>
        %dma_wait3A_75 = arith.constant 0 : i32
        %dma_wait3A_76 = arith.constant 0 : i32
        %dma_wait3A_77 = tpu.memref_slice %arg6[%dma_wait3A_75, %dma_wait3A_76] : memref<10240x48xf32, #tpu.memory_space<vmem_shared>> -> memref<10240x48xf32, #tpu.memory_space<vmem_shared>>
        tpu.wait_indirect_dma semaphore(%run_scoped3A : memref<!tpu.dma_semaphore, #tpu.memory_space<semaphore_mem>>) src(%dma_wait3A_71 : memref<128x48xf32, #tpu.memory_space<vmem>>) dst(%dma_wait3A_77 : memref<10240x48xf32, #tpu.memory_space<vmem_shared>>)
        tpu.yield
      }) : () -> ()
      %mul3A_54 = arith.constant 10 : i32
      %mul3A_55 = arith.muli %scan3A_16, %mul3A_54 : i32
      %add3A_56 = arith.constant 8 : i32
      %add3A_57 = arith.addi %mul3A_55, %add3A_56 : i32
      "tpu.region"() ({
        %run_scoped3A = tpu.sem_alloc : memref<!tpu.dma_semaphore, #tpu.memory_space<semaphore_mem>>
        %dma_start3A = arith.constant 1024 : i32
        %dma_start3A_62 = arith.constant 0 : i32
        %dma_start3A_63 = tpu.memref_slice %arg8[%dma_start3A, %dma_start3A_62] : memref<1280x48xf32, #tpu.memory_space<vmem>> -> memref<128x48xf32, #tpu.memory_space<vmem>>
        %dma_start3A_64 = arith.constant 0 : i32
        %dma_start3A_65 = tpu.memref_slice %arg7[%add3A_57, %dma_start3A_64] : memref<40x128xi32, #tpu.memory_space<vmem>> -> memref<1x128xi32, #tpu.memory_space<vmem>>
        %dma_start3A_66 = tpu.memref_squeeze %dma_start3A_65 : memref<1x128xi32, #tpu.memory_space<vmem>> -> memref<128xi32, #tpu.memory_space<vmem>>
        %dma_start3A_67 = arith.constant 0 : i32
        %dma_start3A_68 = arith.constant 0 : i32
        %dma_start3A_69 = tpu.memref_slice %arg6[%dma_start3A_67, %dma_start3A_68] : memref<10240x48xf32, #tpu.memory_space<vmem_shared>> -> memref<10240x48xf32, #tpu.memory_space<vmem_shared>>
        tpu.enqueue_indirect_dma source(%dma_start3A_63 : memref<128x48xf32, #tpu.memory_space<vmem>>) target(%dma_start3A_69 : memref<10240x48xf32, #tpu.memory_space<vmem_shared>>) offsets(%dma_start3A_66 : memref<128xi32, #tpu.memory_space<vmem>>) semaphore(%run_scoped3A : memref<!tpu.dma_semaphore, #tpu.memory_space<semaphore_mem>>) {add = true}
        %dma_wait3A = arith.constant 1024 : i32
        %dma_wait3A_70 = arith.constant 0 : i32
        %dma_wait3A_71 = tpu.memref_slice %arg8[%dma_wait3A, %dma_wait3A_70] : memref<1280x48xf32, #tpu.memory_space<vmem>> -> memref<128x48xf32, #tpu.memory_space<vmem>>
        %dma_wait3A_72 = arith.constant 0 : i32
        %dma_wait3A_73 = tpu.memref_slice %arg7[%add3A_57, %dma_wait3A_72] : memref<40x128xi32, #tpu.memory_space<vmem>> -> memref<1x128xi32, #tpu.memory_space<vmem>>
        %dma_wait3A_74 = tpu.memref_squeeze %dma_wait3A_73 : memref<1x128xi32, #tpu.memory_space<vmem>> -> memref<128xi32, #tpu.memory_space<vmem>>
        %dma_wait3A_75 = arith.constant 0 : i32
        %dma_wait3A_76 = arith.constant 0 : i32
        %dma_wait3A_77 = tpu.memref_slice %arg6[%dma_wait3A_75, %dma_wait3A_76] : memref<10240x48xf32, #tpu.memory_space<vmem_shared>> -> memref<10240x48xf32, #tpu.memory_space<vmem_shared>>
        tpu.wait_indirect_dma semaphore(%run_scoped3A : memref<!tpu.dma_semaphore, #tpu.memory_space<semaphore_mem>>) src(%dma_wait3A_71 : memref<128x48xf32, #tpu.memory_space<vmem>>) dst(%dma_wait3A_77 : memref<10240x48xf32, #tpu.memory_space<vmem_shared>>)
        tpu.yield
      }) : () -> ()
      %mul3A_58 = arith.constant 10 : i32
      %mul3A_59 = arith.muli %scan3A_16, %mul3A_58 : i32
      %add3A_60 = arith.constant 9 : i32
      %add3A_61 = arith.addi %mul3A_59, %add3A_60 : i32
      "tpu.region"() ({
        %run_scoped3A = tpu.sem_alloc : memref<!tpu.dma_semaphore, #tpu.memory_space<semaphore_mem>>
        %dma_start3A = arith.constant 1152 : i32
        %dma_start3A_62 = arith.constant 0 : i32
        %dma_start3A_63 = tpu.memref_slice %arg8[%dma_start3A, %dma_start3A_62] : memref<1280x48xf32, #tpu.memory_space<vmem>> -> memref<128x48xf32, #tpu.memory_space<vmem>>
        %dma_start3A_64 = arith.constant 0 : i32
        %dma_start3A_65 = tpu.memref_slice %arg7[%add3A_61, %dma_start3A_64] : memref<40x128xi32, #tpu.memory_space<vmem>> -> memref<1x128xi32, #tpu.memory_space<vmem>>
        %dma_start3A_66 = tpu.memref_squeeze %dma_start3A_65 : memref<1x128xi32, #tpu.memory_space<vmem>> -> memref<128xi32, #tpu.memory_space<vmem>>
        %dma_start3A_67 = arith.constant 0 : i32
        %dma_start3A_68 = arith.constant 0 : i32
        %dma_start3A_69 = tpu.memref_slice %arg6[%dma_start3A_67, %dma_start3A_68] : memref<10240x48xf32, #tpu.memory_space<vmem_shared>> -> memref<10240x48xf32, #tpu.memory_space<vmem_shared>>
        tpu.enqueue_indirect_dma source(%dma_start3A_63 : memref<128x48xf32, #tpu.memory_space<vmem>>) target(%dma_start3A_69 : memref<10240x48xf32, #tpu.memory_space<vmem_shared>>) offsets(%dma_start3A_66 : memref<128xi32, #tpu.memory_space<vmem>>) semaphore(%run_scoped3A : memref<!tpu.dma_semaphore, #tpu.memory_space<semaphore_mem>>) {add = true}
        %dma_wait3A = arith.constant 1152 : i32
        %dma_wait3A_70 = arith.constant 0 : i32
        %dma_wait3A_71 = tpu.memref_slice %arg8[%dma_wait3A, %dma_wait3A_70] : memref<1280x48xf32, #tpu.memory_space<vmem>> -> memref<128x48xf32, #tpu.memory_space<vmem>>
        %dma_wait3A_72 = arith.constant 0 : i32
        %dma_wait3A_73 = tpu.memref_slice %arg7[%add3A_61, %dma_wait3A_72] : memref<40x128xi32, #tpu.memory_space<vmem>> -> memref<1x128xi32, #tpu.memory_space<vmem>>
        %dma_wait3A_74 = tpu.memref_squeeze %dma_wait3A_73 : memref<1x128xi32, #tpu.memory_space<vmem>> -> memref<128xi32, #tpu.memory_space<vmem>>
        %dma_wait3A_75 = arith.constant 0 : i32
        %dma_wait3A_76 = arith.constant 0 : i32
        %dma_wait3A_77 = tpu.memref_slice %arg6[%dma_wait3A_75, %dma_wait3A_76] : memref<10240x48xf32, #tpu.memory_space<vmem_shared>> -> memref<10240x48xf32, #tpu.memory_space<vmem_shared>>
        tpu.wait_indirect_dma semaphore(%run_scoped3A : memref<!tpu.dma_semaphore, #tpu.memory_space<semaphore_mem>>) src(%dma_wait3A_71 : memref<128x48xf32, #tpu.memory_space<vmem>>) dst(%dma_wait3A_77 : memref<10240x48xf32, #tpu.memory_space<vmem_shared>>)
        tpu.yield
      }) : () -> ()
    }
    %scan3A_10 = arith.constant 4 : i32
    %barrier3A_11 = arith.constant 0 : index
    tpu.barrier barrier_id(%barrier3A_11)
    %mul3A_12 = arith.constant 640 : i32
    %mul3A_13 = arith.muli %arg1, %mul3A_12 : i32
    %mul3A_14 = arith.constant 640 : i32
    %mul3A_15 = arith.muli %arg1, %mul3A_14 : i32
    "tpu.region"() ({
      %run_scoped3A = tpu.sem_alloc : memref<!tpu.dma_semaphore, #tpu.memory_space<semaphore_mem>>
      %dma_start3A = arith.constant 0 : i32
      %dma_start3A_16 = tpu.memref_slice %arg5[%arg0, %mul3A_15, %dma_start3A] : memref<2x10240x48xf32, #tpu.memory_space<hbm>> -> memref<1x640x48xf32, #tpu.memory_space<hbm>>
      %dma_start3A_17 = tpu.memref_squeeze %dma_start3A_16 : memref<1x640x48xf32, #tpu.memory_space<hbm>> -> memref<640x48xf32, #tpu.memory_space<hbm>>
      %dma_start3A_18 = arith.constant 0 : i32
      %dma_start3A_19 = tpu.memref_slice %arg6[%mul3A_13, %dma_start3A_18] : memref<10240x48xf32, #tpu.memory_space<vmem_shared>> -> memref<640x48xf32, #tpu.memory_space<vmem_shared>>
      tpu.enqueue_dma source(%dma_start3A_19 : memref<640x48xf32, #tpu.memory_space<vmem_shared>>) target(%dma_start3A_17 : memref<640x48xf32, #tpu.memory_space<hbm>>) target_semaphore(%run_scoped3A : memref<!tpu.dma_semaphore, #tpu.memory_space<semaphore_mem>>)
      %dma_wait3A = arith.constant 0 : i32
      %dma_wait3A_20 = tpu.memref_slice %arg5[%arg0, %mul3A_15, %dma_wait3A] : memref<2x10240x48xf32, #tpu.memory_space<hbm>> -> memref<1x640x48xf32, #tpu.memory_space<hbm>>
      %dma_wait3A_21 = tpu.memref_squeeze %dma_wait3A_20 : memref<1x640x48xf32, #tpu.memory_space<hbm>> -> memref<640x48xf32, #tpu.memory_space<hbm>>
      %dma_wait3A_22 = arith.constant 0 : i32
      %dma_wait3A_23 = tpu.memref_slice %arg6[%mul3A_13, %dma_wait3A_22] : memref<10240x48xf32, #tpu.memory_space<vmem_shared>> -> memref<640x48xf32, #tpu.memory_space<vmem_shared>>
      tpu.wait_dma2 semaphore(%run_scoped3A : memref<!tpu.dma_semaphore, #tpu.memory_space<semaphore_mem>>) src(%dma_wait3A_23 : memref<640x48xf32, #tpu.memory_space<vmem_shared>>) dst(%dma_wait3A_21 : memref<640x48xf32, #tpu.memory_space<hbm>>)
      tpu.yield
    }) : () -> ()
    return
  }
}

module attributes {stable_mosaic.version = 14 : i64} {
  func.func @_embed_body(%arg0: memref<10240x1xi32, #tpu.memory_space<vmem>>, %arg1: memref<100x16xf32, #tpu.memory_space<vmem>>, %arg2: memref<10240x16xf32, #tpu.memory_space<vmem>>, %arg3: memref<10240x32xf32, #tpu.memory_space<vmem>>) attributes {dimension_semantics = [], scalar_prefetch = 0 : i64, scratch_operands = 0 : i64, tpu.core_type = #tpu.core_type<tc>} {
    %get3A = arith.constant 0 : index
    %get3A_0 = arith.constant 0 : index
    %get3A_1 = vector.load %arg0[%get3A, %get3A_0] : memref<10240x1xi32, #tpu.memory_space<vmem>>, vector<10240x1xi32>
    %iota3A = tpu.iota {dimensions = array<i32: 1>} : vector<10240x100xi32>
    %eq3A = vector.broadcast %get3A_1 : vector<10240x1xi32> to vector<10240x100xi32>
    %eq3A_2 = arith.cmpi eq, %eq3A, %iota3A : vector<10240x100xi32>
    %convert_element_type3A = arith.extui %eq3A_2 : vector<10240x100xi1> to vector<10240x100xi32>
    %convert_element_type3A_3 = arith.sitofp %convert_element_type3A : vector<10240x100xi32> to vector<10240x100xf32>
    %get3A_4 = arith.constant 0 : index
    %get3A_5 = arith.constant 0 : index
    %get3A_6 = vector.load %arg1[%get3A_4, %get3A_5] : memref<100x16xf32, #tpu.memory_space<vmem>>, vector<100x16xf32>
    %dot_general3A = arith.constant dense<0.000000e+00> : vector<10240x16xf32>
    %dot_general3A_7 = tpu.matmul %convert_element_type3A_3, %get3A_6, %dot_general3A {dimension_numbers = #tpu.dot_dimension_numbers<[1], [0], [0], [1], [0, 0, 1, 1], [], []>, transpose_lhs_hint = false} : vector<10240x100xf32>, vector<100x16xf32>, vector<10240x16xf32> -> vector<10240x16xf32>
    %get3A_8 = arith.constant 0 : index
    %get3A_9 = arith.constant 0 : index
    %get3A_10 = vector.load %arg2[%get3A_8, %get3A_9] : memref<10240x16xf32, #tpu.memory_space<vmem>>, vector<10240x16xf32>
    %concatenate3A = tpu.concatenate %get3A_10, %dot_general3A_7 in 1 : vector<10240x16xf32>, vector<10240x16xf32> -> vector<10240x32xf32>
    %swap3A = arith.constant 0 : index
    %swap3A_11 = arith.constant 0 : index
    %swap3A_12 = vector.load %arg3[%swap3A, %swap3A_11] : memref<10240x32xf32, #tpu.memory_space<vmem>>, vector<10240x32xf32>
    tpu.vector_store %arg3[%swap3A, %swap3A_11], %concatenate3A {strides = array<i32>} : memref<10240x32xf32, #tpu.memory_space<vmem>>, vector<10240x32xf32>,
    return
  }
}

module attributes {stable_mosaic.version = 14 : i64} {
  func.func @_edge1_body(%arg0: i32, %arg1: memref<2048x128xf32, #tpu.memory_space<vmem>>, %arg2: memref<16x64xbf16, #tpu.memory_space<vmem>>, %arg3: memref<64x64xbf16, #tpu.memory_space<vmem>>, %arg4: memref<64x32xbf16, #tpu.memory_space<vmem>>, %arg5: memref<512x32xbf16, #tpu.memory_space<vmem>>, %arg6: memref<16x512xbf16, #tpu.memory_space<vmem>>, %arg7: memref<32x512xbf16, #tpu.memory_space<vmem>>, %arg8: memref<8x24xf32, #tpu.memory_space<vmem>>, %arg9: memref<3x24xf32, #tpu.memory_space<vmem>>, %arg10: memref<16x64xbf16, #tpu.memory_space<vmem>>, %arg11: memref<64x64xbf16, #tpu.memory_space<vmem>>, %arg12: memref<64x32xbf16, #tpu.memory_space<vmem>>, %arg13: memref<32x24xbf16, #tpu.memory_space<vmem>>, %arg14: memref<2048x128xf32, #tpu.memory_space<vmem>>, %arg15: memref<2048x32xf32, #tpu.memory_space<vmem>>) attributes {dimension_semantics = [#tpu.dimension_semantics<arbitrary>], iteration_bounds = array<i64: 80>, scalar_prefetch = 0 : i64, scratch_operands = 0 : i64, tpu.core_type = #tpu.core_type<tc>, window_params = [{transform_indices = @transform_0, window_bounds = array<i64: 2048, 128>}, {pipeline_mode = #tpu.pipeline_mode<synchronous>, transform_indices = @transform_1, window_bounds = array<i64: 16, 64>}, {pipeline_mode = #tpu.pipeline_mode<synchronous>, transform_indices = @transform_2, window_bounds = array<i64: 64, 64>}, {pipeline_mode = #tpu.pipeline_mode<synchronous>, transform_indices = @transform_3, window_bounds = array<i64: 64, 32>}, {pipeline_mode = #tpu.pipeline_mode<synchronous>, transform_indices = @transform_4, window_bounds = array<i64: 512, 32>}, {pipeline_mode = #tpu.pipeline_mode<synchronous>, transform_indices = @transform_5, window_bounds = array<i64: 16, 512>}, {pipeline_mode = #tpu.pipeline_mode<synchronous>, transform_indices = @transform_6, window_bounds = array<i64: 32, 512>}, {pipeline_mode = #tpu.pipeline_mode<synchronous>, transform_indices = @transform_7, window_bounds = array<i64: 8, 24>}, {pipeline_mode = #tpu.pipeline_mode<synchronous>, transform_indices = @transform_8, window_bounds = array<i64: 3, 24>}, {pipeline_mode = #tpu.pipeline_mode<synchronous>, transform_indices = @transform_9, window_bounds = array<i64: 16, 64>}, {pipeline_mode = #tpu.pipeline_mode<synchronous>, transform_indices = @transform_10, window_bounds = array<i64: 64, 64>}, {pipeline_mode = #tpu.pipeline_mode<synchronous>, transform_indices = @transform_11, window_bounds = array<i64: 64, 32>}, {pipeline_mode = #tpu.pipeline_mode<synchronous>, transform_indices = @transform_12, window_bounds = array<i64: 32, 24>}, {transform_indices = @transform_13, window_bounds = array<i64: 2048, 128>}, {transform_indices = @transform_14, window_bounds = array<i64: 2048, 32>}]} {
    %get3A = arith.constant 0 : index
    %get3A_0 = arith.constant 0 : index
    %get3A_1 = vector.load %arg1[%get3A, %get3A_0] : memref<2048x128xf32, #tpu.memory_space<vmem>>, vector<2048x3xf32>
    %get3A_2 = arith.constant 0 : index
    %get3A_3 = arith.constant 32 : index
    %get3A_4 = vector.load %arg1[%get3A_2, %get3A_3] : memref<2048x128xf32, #tpu.memory_space<vmem>>, vector<2048x3xf32>
    %sub3A = arith.subf %get3A_1, %get3A_4 : vector<2048x3xf32>
    %get3A_5 = arith.constant 0 : index
    %get3A_6 = arith.constant 16 : index
    %get3A_7 = vector.load %arg1[%get3A_5, %get3A_6] : memref<2048x128xf32, #tpu.memory_space<vmem>>, vector<2048x16xf32>
    %mul3A = arith.mulf %sub3A, %sub3A : vector<2048x3xf32>
    %reduce_sum3A = arith.constant dense<0.000000e+00> : vector<2048xf32>
    %reduce_sum3A_8 = vector.multi_reduction <add>, %mul3A, %reduce_sum3A [1] : vector<2048x3xf32> to vector<2048xf32>
    %broadcast_in_dim3A = vector.shape_cast %reduce_sum3A_8 : vector<2048xf32> to vector<2048x1xf32>
    %add3A = arith.constant 9.99999996E-13 : f32
    %add3A_9 = vector.broadcast %add3A : f32 to vector<2048x1xf32>
    %add3A_10 = arith.addf %broadcast_in_dim3A, %add3A_9 : vector<2048x1xf32>
    %rsqrt3A = math.rsqrt %add3A_10 : vector<2048x1xf32>
    %mul3A_11 = arith.mulf %add3A_10, %rsqrt3A : vector<2048x1xf32>
    %mul3A_12 = arith.constant 0.387298346 : f32
    %mul3A_13 = vector.broadcast %mul3A_12 : f32 to vector<2048x3xf32>
    %mul3A_14 = arith.mulf %mul3A_13, %sub3A : vector<2048x3xf32>
    %mul3A_15 = vector.broadcast %rsqrt3A : vector<2048x1xf32> to vector<2048x3xf32>
    %mul3A_16 = arith.mulf %mul3A_14, %mul3A_15 : vector<2048x3xf32>
    %iota3A = tpu.iota {dimensions = array<i32: 1>} : vector<2048x16xi32>
    %convert_element_type3A = arith.sitofp %iota3A : vector<2048x16xi32> to vector<2048x16xf32>
    %mul3A_17 = arith.constant 0.666666686 : f32
    %mul3A_18 = vector.broadcast %mul3A_17 : f32 to vector<2048x16xf32>
    %mul3A_19 = arith.mulf %convert_element_type3A, %mul3A_18 : vector<2048x16xf32>
    %sub3A_20 = vector.broadcast %mul3A_11 : vector<2048x1xf32> to vector<2048x16xf32>
    %sub3A_21 = arith.subf %sub3A_20, %mul3A_19 : vector<2048x16xf32>
    %mul3A_22 = arith.constant -1.600000e+00 : f32
    %mul3A_23 = vector.broadcast %mul3A_22 : f32 to vector<2048x16xf32>
    %mul3A_24 = arith.mulf %mul3A_23, %sub3A_21 : vector<2048x16xf32>
    %mul3A_25 = arith.mulf %mul3A_24, %sub3A_21 : vector<2048x16xf32>
    %exp3A = math.exp %mul3A_25 : vector<2048x16xf32>
    %convert_element_type3A_26 = arith.truncf %exp3A : vector<2048x16xf32> to vector<2048x16xbf16>
    %get3A_27 = arith.constant 0 : index
    %get3A_28 = arith.constant 0 : index
    %get3A_29 = vector.load %arg2[%get3A_27, %get3A_28] : memref<16x64xbf16, #tpu.memory_space<vmem>>, vector<16x64xbf16>
    %dot_general3A = arith.constant dense<0.000000e+00> : vector<2048x64xf32>
    %dot_general3A_30 = tpu.matmul %convert_element_type3A_26, %get3A_29, %dot_general3A {dimension_numbers = #tpu.dot_dimension_numbers<[1], [0], [0], [1], [0, 0, 1, 1], [], []>, transpose_lhs_hint = false} : vector<2048x16xbf16>, vector<16x64xbf16>, vector<2048x64xf32> -> vector<2048x64xf32>
    %logistic3A = arith.negf %dot_general3A_30 : vector<2048x64xf32>
    %logistic3A_31 = math.exp %logistic3A : vector<2048x64xf32>
    %logistic3A_32 = arith.constant 1.000000e+00 : f32
    %logistic3A_33 = vector.broadcast %logistic3A_32 : f32 to vector<2048x64xf32>
    %logistic3A_34 = arith.addf %logistic3A_33, %logistic3A_31 : vector<2048x64xf32>
    %logistic3A_35 = arith.divf %logistic3A_33, %logistic3A_34 : vector<2048x64xf32>
    %mul3A_36 = arith.mulf %dot_general3A_30, %logistic3A_35 : vector<2048x64xf32>
    %convert_element_type3A_37 = arith.truncf %mul3A_36 : vector<2048x64xf32> to vector<2048x64xbf16>
    %get3A_38 = arith.constant 0 : index
    %get3A_39 = arith.constant 0 : index
    %get3A_40 = vector.load %arg3[%get3A_38, %get3A_39] : memref<64x64xbf16, #tpu.memory_space<vmem>>, vector<64x64xbf16>
    %dot_general3A_41 = arith.constant dense<0.000000e+00> : vector<2048x64xf32>
    %dot_general3A_42 = tpu.matmul %convert_element_type3A_37, %get3A_40, %dot_general3A_41 {dimension_numbers = #tpu.dot_dimension_numbers<[1], [0], [0], [1], [0, 0, 1, 1], [], []>, transpose_lhs_hint = false} : vector<2048x64xbf16>, vector<64x64xbf16>, vector<2048x64xf32> -> vector<2048x64xf32>
    %logistic3A_43 = arith.negf %dot_general3A_42 : vector<2048x64xf32>
    %logistic3A_44 = math.exp %logistic3A_43 : vector<2048x64xf32>
    %logistic3A_45 = arith.constant 1.000000e+00 : f32
    %logistic3A_46 = vector.broadcast %logistic3A_45 : f32 to vector<2048x64xf32>
    %logistic3A_47 = arith.addf %logistic3A_46, %logistic3A_44 : vector<2048x64xf32>
    %logistic3A_48 = arith.divf %logistic3A_46, %logistic3A_47 : vector<2048x64xf32>
    %mul3A_49 = arith.mulf %dot_general3A_42, %logistic3A_48 : vector<2048x64xf32>
    %convert_element_type3A_50 = arith.truncf %mul3A_49 : vector<2048x64xf32> to vector<2048x64xbf16>
    %get3A_51 = arith.constant 0 : index
    %get3A_52 = arith.constant 0 : index
    %get3A_53 = vector.load %arg4[%get3A_51, %get3A_52] : memref<64x32xbf16, #tpu.memory_space<vmem>>, vector<64x32xbf16>
    %dot_general3A_54 = arith.constant dense<0.000000e+00> : vector<2048x32xf32>
    %dot_general3A_55 = tpu.matmul %convert_element_type3A_50, %get3A_53, %dot_general3A_54 {dimension_numbers = #tpu.dot_dimension_numbers<[1], [0], [0], [1], [0, 0, 1, 1], [], []>, transpose_lhs_hint = false} : vector<2048x64xbf16>, vector<64x32xbf16>, vector<2048x32xf32> -> vector<2048x32xf32>
    %logistic3A_56 = arith.negf %dot_general3A_55 : vector<2048x32xf32>
    %logistic3A_57 = math.exp %logistic3A_56 : vector<2048x32xf32>
    %logistic3A_58 = arith.constant 1.000000e+00 : f32
    %logistic3A_59 = vector.broadcast %logistic3A_58 : f32 to vector<2048x32xf32>
    %logistic3A_60 = arith.addf %logistic3A_59, %logistic3A_57 : vector<2048x32xf32>
    %logistic3A_61 = arith.divf %logistic3A_59, %logistic3A_60 : vector<2048x32xf32>
    %mul3A_62 = arith.mulf %dot_general3A_55, %logistic3A_61 : vector<2048x32xf32>
    %convert_element_type3A_63 = arith.truncf %mul3A_62 : vector<2048x32xf32> to vector<2048x32xbf16>
    %convert_element_type3A_64 = arith.truncf %get3A_7 : vector<2048x16xf32> to vector<2048x16xbf16>
    %get3A_65 = arith.constant 0 : index
    %get3A_66 = arith.constant 0 : index
    %get3A_67 = vector.load %arg6[%get3A_65, %get3A_66] : memref<16x512xbf16, #tpu.memory_space<vmem>>, vector<16x512xbf16>
    %dot_general3A_68 = arith.constant dense<0.000000e+00> : vector<2048x512xf32>
    %dot_general3A_69 = tpu.matmul %convert_element_type3A_64, %get3A_67, %dot_general3A_68 {dimension_numbers = #tpu.dot_dimension_numbers<[1], [0], [0], [1], [0, 0, 1, 1], [], []>, transpose_lhs_hint = false} : vector<2048x16xbf16>, vector<16x512xbf16>, vector<2048x512xf32> -> vector<2048x512xf32>
    %get3A_70 = arith.constant 0 : index
    %get3A_71 = arith.constant 0 : index
    %get3A_72 = vector.load %arg7[%get3A_70, %get3A_71] : memref<32x512xbf16, #tpu.memory_space<vmem>>, vector<32x512xbf16>
    %dot_general3A_73 = arith.constant dense<0.000000e+00> : vector<2048x512xf32>
    %dot_general3A_74 = tpu.matmul %convert_element_type3A_63, %get3A_72, %dot_general3A_73 {dimension_numbers = #tpu.dot_dimension_numbers<[1], [0], [0], [1], [0, 0, 1, 1], [], []>, transpose_lhs_hint = false} : vector<2048x32xbf16>, vector<32x512xbf16>, vector<2048x512xf32> -> vector<2048x512xf32>
    %mul3A_75 = arith.mulf %dot_general3A_69, %dot_general3A_74 : vector<2048x512xf32>
    %convert_element_type3A_76 = arith.truncf %mul3A_75 : vector<2048x512xf32> to vector<2048x512xbf16>
    %get3A_77 = arith.constant 0 : index
    %get3A_78 = arith.constant 0 : index
    %get3A_79 = vector.load %arg5[%get3A_77, %get3A_78] : memref<512x32xbf16, #tpu.memory_space<vmem>>, vector<512x32xbf16>
    %dot_general3A_80 = arith.constant dense<0.000000e+00> : vector<2048x32xf32>
    %dot_general3A_81 = tpu.matmul %convert_element_type3A_76, %get3A_79, %dot_general3A_80 {dimension_numbers = #tpu.dot_dimension_numbers<[1], [0], [0], [1], [0, 0, 1, 1], [], []>, transpose_lhs_hint = false} : vector<2048x512xbf16>, vector<512x32xbf16>, vector<2048x32xf32> -> vector<2048x32xf32>
    %slice3A = vector.extract_strided_slice %dot_general3A_81 {offsets = [0, 0], sizes = [2048, 24], strides = [1, 1]} : vector<2048x32xf32> to vector<2048x24xf32>
    %mul3A_82 = arith.constant 5.590170e-02 : f32
    %mul3A_83 = vector.broadcast %mul3A_82 : f32 to vector<2048x24xf32>
    %mul3A_84 = arith.mulf %slice3A, %mul3A_83 : vector<2048x24xf32>
    %slice3A_85 = vector.extract_strided_slice %dot_general3A_81 {offsets = [0, 24], sizes = [2048, 8], strides = [1, 1]} : vector<2048x32xf32> to vector<2048x8xf32>
    %mul3A_86 = arith.constant 2.500000e-01 : f32
    %mul3A_87 = vector.broadcast %mul3A_86 : f32 to vector<2048x8xf32>
    %mul3A_88 = arith.mulf %slice3A_85, %mul3A_87 : vector<2048x8xf32>
    %get3A_89 = arith.constant 0 : index
    %get3A_90 = arith.constant 0 : index
    %get3A_91 = vector.load %arg8[%get3A_89, %get3A_90] : memref<8x24xf32, #tpu.memory_space<vmem>>, vector<8x24xf32>
    %dot_general3A_92 = arith.constant dense<0.000000e+00> : vector<2048x24xf32>
    %dot_general3A_93 = tpu.matmul %mul3A_88, %get3A_91, %dot_general3A_92 {dimension_numbers = #tpu.dot_dimension_numbers<[1], [0], [0], [1], [0, 0, 1, 1], [], []>, transpose_lhs_hint = false} : vector<2048x8xf32>, vector<8x24xf32>, vector<2048x24xf32> -> vector<2048x24xf32>
    %get3A_94 = arith.constant 0 : index
    %get3A_95 = arith.constant 0 : index
    %get3A_96 = vector.load %arg9[%get3A_94, %get3A_95] : memref<3x24xf32, #tpu.memory_space<vmem>>, vector<3x24xf32>
    %dot_general3A_97 = arith.constant dense<0.000000e+00> : vector<2048x24xf32>
    %dot_general3A_98 = tpu.matmul %mul3A_16, %get3A_96, %dot_general3A_97 {dimension_numbers = #tpu.dot_dimension_numbers<[1], [0], [0], [1], [0, 0, 1, 1], [], []>, transpose_lhs_hint = false} : vector<2048x3xf32>, vector<3x24xf32>, vector<2048x24xf32> -> vector<2048x24xf32>
    %mul3A_99 = arith.mulf %dot_general3A_93, %dot_general3A_98 : vector<2048x24xf32>
    %concatenate3A = tpu.concatenate %mul3A_84, %mul3A_99 in 1 : vector<2048x24xf32>, vector<2048x24xf32> -> vector<2048x48xf32>
    %mul3A_100 = arith.constant 2048 : i32
    %mul3A_101 = arith.muli %arg0, %mul3A_100 : i32
    %iota3A_102 = tpu.iota {dimensions = array<i32: 0>} : vector<2048x1xi32>
    %add3A_103 = vector.broadcast %mul3A_101 : i32 to vector<2048x1xi32>
    %add3A_104 = arith.addi %add3A_103, %iota3A_102 : vector<2048x1xi32>
    %lt3A = arith.constant 160000 : i32
    %lt3A_105 = vector.broadcast %lt3A : i32 to vector<2048x1xi32>
    %lt3A_106 = arith.cmpi slt, %add3A_104, %lt3A_105 : vector<2048x1xi32>
    %jit3A = arith.constant 0.000000e+00 : f32
    %broadcast_in_dim3A_107 = vector.shape_cast %lt3A_106 : vector<2048x1xi1> to vector<2048x1xi1>
    %broadcast_in_dim3A_108 = vector.broadcast %broadcast_in_dim3A_107 : vector<2048x1xi1> to vector<2048x48xi1>
    %broadcast_in_dim3A_109 = vector.broadcast %jit3A : f32 to vector<2048x48xf32>
    %select_n3A = arith.select %broadcast_in_dim3A_108, %concatenate3A, %broadcast_in_dim3A_109 : vector<2048x48xi1>, vector<2048x48xf32>
    %swap3A = arith.constant 0 : index
    %swap3A_110 = arith.constant 0 : index
    %swap3A_111 = vector.load %arg14[%swap3A, %swap3A_110] : memref<2048x128xf32, #tpu.memory_space<vmem>>, vector<2048x48xf32>
    tpu.vector_store %arg14[%swap3A, %swap3A_110], %select_n3A {strides = array<i32>} : memref<2048x128xf32, #tpu.memory_space<vmem>>, vector<2048x48xf32>,
    %get3A_112 = arith.constant 0 : index
    %get3A_113 = arith.constant 0 : index
    %get3A_114 = vector.load %arg10[%get3A_112, %get3A_113] : memref<16x64xbf16, #tpu.memory_space<vmem>>, vector<16x64xbf16>
    %dot_general3A_115 = arith.constant dense<0.000000e+00> : vector<2048x64xf32>
    %dot_general3A_116 = tpu.matmul %convert_element_type3A_26, %get3A_114, %dot_general3A_115 {dimension_numbers = #tpu.dot_dimension_numbers<[1], [0], [0], [1], [0, 0, 1, 1], [], []>, transpose_lhs_hint = false} : vector<2048x16xbf16>, vector<16x64xbf16>, vector<2048x64xf32> -> vector<2048x64xf32>
    %logistic3A_117 = arith.negf %dot_general3A_116 : vector<2048x64xf32>
    %logistic3A_118 = math.exp %logistic3A_117 : vector<2048x64xf32>
    %logistic3A_119 = arith.constant 1.000000e+00 : f32
    %logistic3A_120 = vector.broadcast %logistic3A_119 : f32 to vector<2048x64xf32>
    %logistic3A_121 = arith.addf %logistic3A_120, %logistic3A_118 : vector<2048x64xf32>
    %logistic3A_122 = arith.divf %logistic3A_120, %logistic3A_121 : vector<2048x64xf32>
    %mul3A_123 = arith.mulf %dot_general3A_116, %logistic3A_122 : vector<2048x64xf32>
    %convert_element_type3A_124 = arith.truncf %mul3A_123 : vector<2048x64xf32> to vector<2048x64xbf16>
    %get3A_125 = arith.constant 0 : index
    %get3A_126 = arith.constant 0 : index
    %get3A_127 = vector.load %arg11[%get3A_125, %get3A_126] : memref<64x64xbf16, #tpu.memory_space<vmem>>, vector<64x64xbf16>
    %dot_general3A_128 = arith.constant dense<0.000000e+00> : vector<2048x64xf32>
    %dot_general3A_129 = tpu.matmul %convert_element_type3A_124, %get3A_127, %dot_general3A_128 {dimension_numbers = #tpu.dot_dimension_numbers<[1], [0], [0], [1], [0, 0, 1, 1], [], []>, transpose_lhs_hint = false} : vector<2048x64xbf16>, vector<64x64xbf16>, vector<2048x64xf32> -> vector<2048x64xf32>
    %logistic3A_130 = arith.negf %dot_general3A_129 : vector<2048x64xf32>
    %logistic3A_131 = math.exp %logistic3A_130 : vector<2048x64xf32>
    %logistic3A_132 = arith.constant 1.000000e+00 : f32
    %logistic3A_133 = vector.broadcast %logistic3A_132 : f32 to vector<2048x64xf32>
    %logistic3A_134 = arith.addf %logistic3A_133, %logistic3A_131 : vector<2048x64xf32>
    %logistic3A_135 = arith.divf %logistic3A_133, %logistic3A_134 : vector<2048x64xf32>
    %mul3A_136 = arith.mulf %dot_general3A_129, %logistic3A_135 : vector<2048x64xf32>
    %convert_element_type3A_137 = arith.truncf %mul3A_136 : vector<2048x64xf32> to vector<2048x64xbf16>
    %get3A_138 = arith.constant 0 : index
    %get3A_139 = arith.constant 0 : index
    %get3A_140 = vector.load %arg12[%get3A_138, %get3A_139] : memref<64x32xbf16, #tpu.memory_space<vmem>>, vector<64x32xbf16>
    %dot_general3A_141 = arith.constant dense<0.000000e+00> : vector<2048x32xf32>
    %dot_general3A_142 = tpu.matmul %convert_element_type3A_137, %get3A_140, %dot_general3A_141 {dimension_numbers = #tpu.dot_dimension_numbers<[1], [0], [0], [1], [0, 0, 1, 1], [], []>, transpose_lhs_hint = false} : vector<2048x64xbf16>, vector<64x32xbf16>, vector<2048x32xf32> -> vector<2048x32xf32>
    %logistic3A_143 = arith.negf %dot_general3A_142 : vector<2048x32xf32>
    %logistic3A_144 = math.exp %logistic3A_143 : vector<2048x32xf32>
    %logistic3A_145 = arith.constant 1.000000e+00 : f32
    %logistic3A_146 = vector.broadcast %logistic3A_145 : f32 to vector<2048x32xf32>
    %logistic3A_147 = arith.addf %logistic3A_146, %logistic3A_144 : vector<2048x32xf32>
    %logistic3A_148 = arith.divf %logistic3A_146, %logistic3A_147 : vector<2048x32xf32>
    %mul3A_149 = arith.mulf %dot_general3A_142, %logistic3A_148 : vector<2048x32xf32>
    %convert_element_type3A_150 = arith.truncf %mul3A_149 : vector<2048x32xf32> to vector<2048x32xbf16>
    %get3A_151 = arith.constant 0 : index
    %get3A_152 = arith.constant 0 : index
    %get3A_153 = vector.load %arg13[%get3A_151, %get3A_152] : memref<32x24xbf16, #tpu.memory_space<vmem>>, vector<32x24xbf16>
    %dot_general3A_154 = arith.constant dense<0.000000e+00> : vector<2048x24xf32>
    %dot_general3A_155 = tpu.matmul %convert_element_type3A_150, %get3A_153, %dot_general3A_154 {dimension_numbers = #tpu.dot_dimension_numbers<[1], [0], [0], [1], [0, 0, 1, 1], [], []>, transpose_lhs_hint = false} : vector<2048x32xbf16>, vector<32x24xbf16>, vector<2048x24xf32> -> vector<2048x24xf32>
    %broadcast_in_dim3A_156 = arith.constant 0.000000e+00 : f32
    %broadcast_in_dim3A_157 = vector.broadcast %broadcast_in_dim3A_156 : f32 to vector<2048x5xf32>
    %concatenate3A_158 = tpu.concatenate %dot_general3A_155, %mul3A_16, %broadcast_in_dim3A_157 in 1 : vector<2048x24xf32>, vector<2048x3xf32>, vector<2048x5xf32> -> vector<2048x32xf32>
    %swap3A_159 = arith.constant 0 : index
    %swap3A_160 = arith.constant 0 : index
    %swap3A_161 = vector.load %arg15[%swap3A_159, %swap3A_160] : memref<2048x32xf32, #tpu.memory_space<vmem>>, vector<2048x32xf32>
    tpu.vector_store %arg15[%swap3A_159, %swap3A_160], %concatenate3A_158 {strides = array<i32>} : memref<2048x32xf32, #tpu.memory_space<vmem>>, vector<2048x32xf32>,
    return
  }
  func.func @transform_0(%arg0: i32) -> (i32, i32) {
    %c0_i32 = arith.constant 0 : i32
    %c0_i32_0 = arith.constant 0 : i32
    return %arg0, %c0_i32 : i32, i32
  }
  func.func @transform_1(%arg0: i32) -> (i32, i32) {
    %c0_i32 = arith.constant 0 : i32
    %c0_i32_0 = arith.constant 0 : i32
    %c0_i32_1 = arith.constant 0 : i32
    return %c0_i32, %c0_i32_0 : i32, i32
  }
  func.func @transform_2(%arg0: i32) -> (i32, i32) {
    %c0_i32 = arith.constant 0 : i32
    %c0_i32_0 = arith.constant 0 : i32
    %c0_i32_1 = arith.constant 0 : i32
    return %c0_i32, %c0_i32_0 : i32, i32
  }
  func.func @transform_3(%arg0: i32) -> (i32, i32) {
    %c0_i32 = arith.constant 0 : i32
    %c0_i32_0 = arith.constant 0 : i32
    %c0_i32_1 = arith.constant 0 : i32
    return %c0_i32, %c0_i32_0 : i32, i32
  }
  func.func @transform_4(%arg0: i32) -> (i32, i32) {
    %c0_i32 = arith.constant 0 : i32
    %c0_i32_0 = arith.constant 0 : i32
    %c0_i32_1 = arith.constant 0 : i32
    return %c0_i32, %c0_i32_0 : i32, i32
  }
  func.func @transform_5(%arg0: i32) -> (i32, i32) {
    %c0_i32 = arith.constant 0 : i32
    %c0_i32_0 = arith.constant 0 : i32
    %c0_i32_1 = arith.constant 0 : i32
    return %c0_i32, %c0_i32_0 : i32, i32
  }
  func.func @transform_6(%arg0: i32) -> (i32, i32) {
    %c0_i32 = arith.constant 0 : i32
    %c0_i32_0 = arith.constant 0 : i32
    %c0_i32_1 = arith.constant 0 : i32
    return %c0_i32, %c0_i32_0 : i32, i32
  }
  func.func @transform_7(%arg0: i32) -> (i32, i32) {
    %c0_i32 = arith.constant 0 : i32
    %c0_i32_0 = arith.constant 0 : i32
    %c0_i32_1 = arith.constant 0 : i32
    return %c0_i32, %c0_i32_0 : i32, i32
  }
  func.func @transform_8(%arg0: i32) -> (i32, i32) {
    %c0_i32 = arith.constant 0 : i32
    %c0_i32_0 = arith.constant 0 : i32
    %c0_i32_1 = arith.constant 0 : i32
    return %c0_i32, %c0_i32_0 : i32, i32
  }
  func.func @transform_9(%arg0: i32) -> (i32, i32) {
    %c0_i32 = arith.constant 0 : i32
    %c0_i32_0 = arith.constant 0 : i32
    %c0_i32_1 = arith.constant 0 : i32
    return %c0_i32, %c0_i32_0 : i32, i32
  }
  func.func @transform_10(%arg0: i32) -> (i32, i32) {
    %c0_i32 = arith.constant 0 : i32
    %c0_i32_0 = arith.constant 0 : i32
    %c0_i32_1 = arith.constant 0 : i32
    return %c0_i32, %c0_i32_0 : i32, i32
  }
  func.func @transform_11(%arg0: i32) -> (i32, i32) {
    %c0_i32 = arith.constant 0 : i32
    %c0_i32_0 = arith.constant 0 : i32
    %c0_i32_1 = arith.constant 0 : i32
    return %c0_i32, %c0_i32_0 : i32, i32
  }
  func.func @transform_12(%arg0: i32) -> (i32, i32) {
    %c0_i32 = arith.constant 0 : i32
    %c0_i32_0 = arith.constant 0 : i32
    %c0_i32_1 = arith.constant 0 : i32
    return %c0_i32, %c0_i32_0 : i32, i32
  }
  func.func @transform_13(%arg0: i32) -> (i32, i32) {
    %c0_i32 = arith.constant 0 : i32
    %c0_i32_0 = arith.constant 0 : i32
    return %arg0, %c0_i32 : i32, i32
  }
  func.func @transform_14(%arg0: i32) -> (i32, i32) {
    %c0_i32 = arith.constant 0 : i32
    %c0_i32_0 = arith.constant 0 : i32
    return %arg0, %c0_i32 : i32, i32
  }
}

module attributes {stable_mosaic.version = 14 : i64} {
  func.func @_node_body(%arg0: i32, %arg1: memref<1024x32xf32, #tpu.memory_space<vmem>>, %arg2: memref<2x1024x48xf32, #tpu.memory_space<vmem>>, %arg3: memref<16x24xf32, #tpu.memory_space<vmem>>, %arg4: memref<16x1xf32, #tpu.memory_space<vmem>>, %arg5: memref<8x24xf32, #tpu.memory_space<vmem>>, %arg6: memref<1024x48xf32, #tpu.memory_space<vmem>>, %arg7: memref<1x1xf32, #tpu.memory_space<vmem>>) attributes {dimension_semantics = [#tpu.dimension_semantics<arbitrary>], iteration_bounds = array<i64: 10>, scalar_prefetch = 0 : i64, scratch_operands = 0 : i64, tpu.core_type = #tpu.core_type<tc>, window_params = [{transform_indices = @transform_0, window_bounds = array<i64: 1024, 32>}, {transform_indices = @transform_1, window_bounds = array<i64: 2, 1024, 48>}, {pipeline_mode = #tpu.pipeline_mode<synchronous>, transform_indices = @transform_2, window_bounds = array<i64: 16, 24>}, {pipeline_mode = #tpu.pipeline_mode<synchronous>, transform_indices = @transform_3, window_bounds = array<i64: 16, 1>}, {pipeline_mode = #tpu.pipeline_mode<synchronous>, transform_indices = @transform_4, window_bounds = array<i64: 8, 24>}, {transform_indices = @transform_5, window_bounds = array<i64: 1024, 48>}, {pipeline_mode = #tpu.pipeline_mode<synchronous>, transform_indices = @transform_6, window_bounds = array<i64: 1, 1>}]} {
    %get3A = arith.constant 0 : index
    %get3A_0 = arith.constant 0 : index
    %get3A_1 = vector.load %arg1[%get3A, %get3A_0] : memref<1024x32xf32, #tpu.memory_space<vmem>>, vector<1024x32xf32>
    %slice3A = vector.extract_strided_slice %get3A_1 {offsets = [0, 16], sizes = [1024, 16], strides = [1, 1]} : vector<1024x32xf32> to vector<1024x16xf32>
    %get3A_2 = arith.constant 0 : index
    %get3A_3 = arith.constant 0 : index
    %get3A_4 = arith.constant 0 : index
    %get3A_5 = vector.load %arg2[%get3A_2, %get3A_3, %get3A_4] : memref<2x1024x48xf32, #tpu.memory_space<vmem>>, vector<1x1024x48xf32>
    %get3A_6 = vector.shape_cast %get3A_5 : vector<1x1024x48xf32> to vector<1024x48xf32>
    %get3A_7 = arith.constant 1 : index
    %get3A_8 = arith.constant 0 : index
    %get3A_9 = arith.constant 0 : index
    %get3A_10 = vector.load %arg2[%get3A_7, %get3A_8, %get3A_9] : memref<2x1024x48xf32, #tpu.memory_space<vmem>>, vector<1x1024x48xf32>
    %get3A_11 = vector.shape_cast %get3A_10 : vector<1x1024x48xf32> to vector<1024x48xf32>
    %add3A = arith.addf %get3A_6, %get3A_11 : vector<1024x48xf32>
    %get3A_12 = arith.constant 0 : index
    %get3A_13 = arith.constant 0 : index
    %get3A_14 = vector.load %arg3[%get3A_12, %get3A_13] : memref<16x24xf32, #tpu.memory_space<vmem>>, vector<16x24xf32>
    %dot_general3A = arith.constant dense<0.000000e+00> : vector<1024x24xf32>
    %dot_general3A_15 = tpu.matmul %slice3A, %get3A_14, %dot_general3A {dimension_numbers = #tpu.dot_dimension_numbers<[1], [0], [0], [1], [0, 0, 1, 1], [], []>, transpose_lhs_hint = false} : vector<1024x16xf32>, vector<16x24xf32>, vector<1024x24xf32> -> vector<1024x24xf32>
    %slice3A_16 = vector.extract_strided_slice %add3A {offsets = [0, 0], sizes = [1024, 24], strides = [1, 1]} : vector<1024x48xf32> to vector<1024x24xf32>
    %add3A_17 = arith.addf %dot_general3A_15, %slice3A_16 : vector<1024x24xf32>
    %mul3A = arith.constant 0.707106769 : f32
    %mul3A_18 = vector.broadcast %mul3A : f32 to vector<1024x24xf32>
    %mul3A_19 = arith.mulf %mul3A_18, %add3A_17 : vector<1024x24xf32>
    %slice3A_20 = vector.extract_strided_slice %mul3A_19 {offsets = [0, 0], sizes = [1024, 16], strides = [1, 1]} : vector<1024x24xf32> to vector<1024x16xf32>
    %logistic3A = arith.negf %slice3A_20 : vector<1024x16xf32>
    %logistic3A_21 = math.exp %logistic3A : vector<1024x16xf32>
    %logistic3A_22 = arith.constant 1.000000e+00 : f32
    %logistic3A_23 = vector.broadcast %logistic3A_22 : f32 to vector<1024x16xf32>
    %logistic3A_24 = arith.addf %logistic3A_23, %logistic3A_21 : vector<1024x16xf32>
    %logistic3A_25 = arith.divf %logistic3A_23, %logistic3A_24 : vector<1024x16xf32>
    %mul3A_26 = arith.mulf %slice3A_20, %logistic3A_25 : vector<1024x16xf32>
    %slice3A_27 = vector.extract_strided_slice %mul3A_19 {offsets = [0, 16], sizes = [1024, 8], strides = [1, 1]} : vector<1024x24xf32> to vector<1024x8xf32>
    %logistic3A_28 = arith.negf %slice3A_27 : vector<1024x8xf32>
    %logistic3A_29 = math.exp %logistic3A_28 : vector<1024x8xf32>
    %logistic3A_30 = arith.constant 1.000000e+00 : f32
    %logistic3A_31 = vector.broadcast %logistic3A_30 : f32 to vector<1024x8xf32>
    %logistic3A_32 = arith.addf %logistic3A_31, %logistic3A_29 : vector<1024x8xf32>
    %logistic3A_33 = arith.divf %logistic3A_31, %logistic3A_32 : vector<1024x8xf32>
    %slice3A_34 = vector.extract_strided_slice %add3A {offsets = [0, 24], sizes = [1024, 24], strides = [1, 1]} : vector<1024x48xf32> to vector<1024x24xf32>
    %get3A_35 = arith.constant 0 : index
    %get3A_36 = arith.constant 0 : index
    %get3A_37 = vector.load %arg5[%get3A_35, %get3A_36] : memref<8x24xf32, #tpu.memory_space<vmem>>, vector<8x24xf32>
    %dot_general3A_38 = arith.constant dense<0.000000e+00> : vector<1024x24xf32>
    %dot_general3A_39 = tpu.matmul %logistic3A_33, %get3A_37, %dot_general3A_38 {dimension_numbers = #tpu.dot_dimension_numbers<[1], [0], [0], [1], [0, 0, 1, 1], [], []>, transpose_lhs_hint = false} : vector<1024x8xf32>, vector<8x24xf32>, vector<1024x24xf32> -> vector<1024x24xf32>
    %mul3A_40 = arith.mulf %slice3A_34, %dot_general3A_39 : vector<1024x24xf32>
    %broadcast_in_dim3A = arith.constant 0.000000e+00 : f32
    %broadcast_in_dim3A_41 = vector.broadcast %broadcast_in_dim3A : f32 to vector<1024x8xf32>
    %concatenate3A = tpu.concatenate %mul3A_26, %mul3A_40, %broadcast_in_dim3A_41 in 1 : vector<1024x16xf32>, vector<1024x24xf32>, vector<1024x8xf32> -> vector<1024x48xf32>
    %swap3A = arith.constant 0 : index
    %swap3A_42 = arith.constant 0 : index
    %swap3A_43 = vector.load %arg6[%swap3A, %swap3A_42] : memref<1024x48xf32, #tpu.memory_space<vmem>>, vector<1024x48xf32>
    tpu.vector_store %arg6[%swap3A, %swap3A_42], %concatenate3A {strides = array<i32>} : memref<1024x48xf32, #tpu.memory_space<vmem>>, vector<1024x48xf32>,
    %get3A_44 = arith.constant 0 : index
    %get3A_45 = arith.constant 0 : index
    %get3A_46 = vector.load %arg4[%get3A_44, %get3A_45] : memref<16x1xf32, #tpu.memory_space<vmem>>, vector<16x1xf32>
    %dot_general3A_47 = arith.constant dense<0.000000e+00> : vector<1024x1xf32>
    %dot_general3A_48 = tpu.matmul %mul3A_26, %get3A_46, %dot_general3A_47 {dimension_numbers = #tpu.dot_dimension_numbers<[1], [0], [0], [1], [0, 0, 1, 1], [], []>, transpose_lhs_hint = false} : vector<1024x16xf32>, vector<16x1xf32>, vector<1024x1xf32> -> vector<1024x1xf32>
    %eq3A = arith.constant 0 : i32
    %eq3A_49 = arith.cmpi eq, %arg0, %eq3A : i32
    %convert_element_type3A = arith.extui %eq3A_49 : i1 to i32
    %cond3A = arith.constant 0 : i32
    %cond3A_50 = arith.cmpi ne, %convert_element_type3A, %cond3A : i32
    scf.if %cond3A_50 {
      %broadcast_in_dim3A_62 = arith.constant 0.000000e+00 : f32
      %broadcast_in_dim3A_63 = vector.broadcast %broadcast_in_dim3A_62 : f32 to vector<1x1xf32>
      %swap3A_64 = arith.constant 0 : index
      %swap3A_65 = arith.constant 0 : index
      %swap3A_66 = vector.load %arg7[%swap3A_64, %swap3A_65] : memref<1x1xf32, #tpu.memory_space<vmem>>, vector<1x1xf32>
      tpu.vector_store %arg7[%swap3A_64, %swap3A_65], %broadcast_in_dim3A_63 {strides = array<i32>} : memref<1x1xf32, #tpu.memory_space<vmem>>, vector<1x1xf32>,
    } else {
    }
    %get3A_51 = arith.constant 0 : index
    %get3A_52 = arith.constant 0 : index
    %get3A_53 = vector.load %arg7[%get3A_51, %get3A_52] : memref<1x1xf32, #tpu.memory_space<vmem>>, vector<1x1xf32>
    %reduce_sum3A = vector.shape_cast %dot_general3A_48 : vector<1024x1xf32> to vector<1x1024x1xf32>
    %reduce_sum3A_54 = arith.constant dense<0.000000e+00> : vector<1xf32>
    %reduce_sum3A_55 = vector.multi_reduction <add>, %reduce_sum3A, %reduce_sum3A_54 [1, 2] : vector<1x1024x1xf32> to vector<1xf32>
    %reduce_sum3A_56 = vector.shape_cast %reduce_sum3A_55 : vector<1xf32> to vector<1x1x1xf32>
    %reduce_sum3A_57 = vector.extract %reduce_sum3A_56[0, 0, 0] : f32 from vector<1x1x1xf32>
    %reshape3A = vector.broadcast %reduce_sum3A_57 : f32 to vector<1x1xf32>
    %add3A_58 = arith.addf %get3A_53, %reshape3A : vector<1x1xf32>
    %swap3A_59 = arith.constant 0 : index
    %swap3A_60 = arith.constant 0 : index
    %swap3A_61 = vector.load %arg7[%swap3A_59, %swap3A_60] : memref<1x1xf32, #tpu.memory_space<vmem>>, vector<1x1xf32>
    tpu.vector_store %arg7[%swap3A_59, %swap3A_60], %add3A_58 {strides = array<i32>} : memref<1x1xf32, #tpu.memory_space<vmem>>, vector<1x1xf32>,
    return
  }
  func.func @transform_0(%arg0: i32) -> (i32, i32) {
    %c0_i32 = arith.constant 0 : i32
    %c0_i32_0 = arith.constant 0 : i32
    return %arg0, %c0_i32 : i32, i32
  }
  func.func @transform_1(%arg0: i32) -> (i32, i32, i32) {
    %c0_i32 = arith.constant 0 : i32
    %c0_i32_0 = arith.constant 0 : i32
    %c0_i32_1 = arith.constant 0 : i32
    return %c0_i32, %arg0, %c0_i32_0 : i32, i32, i32
  }
  func.func @transform_2(%arg0: i32) -> (i32, i32) {
    %c0_i32 = arith.constant 0 : i32
    %c0_i32_0 = arith.constant 0 : i32
    %c0_i32_1 = arith.constant 0 : i32
    return %c0_i32, %c0_i32_0 : i32, i32
  }
  func.func @transform_3(%arg0: i32) -> (i32, i32) {
    %c0_i32 = arith.constant 0 : i32
    %c0_i32_0 = arith.constant 0 : i32
    %c0_i32_1 = arith.constant 0 : i32
    return %c0_i32, %c0_i32_0 : i32, i32
  }
  func.func @transform_4(%arg0: i32) -> (i32, i32) {
    %c0_i32 = arith.constant 0 : i32
    %c0_i32_0 = arith.constant 0 : i32
    %c0_i32_1 = arith.constant 0 : i32
    return %c0_i32, %c0_i32_0 : i32, i32
  }
  func.func @transform_5(%arg0: i32) -> (i32, i32) {
    %c0_i32 = arith.constant 0 : i32
    %c0_i32_0 = arith.constant 0 : i32
    return %arg0, %c0_i32 : i32, i32
  }
  func.func @transform_6(%arg0: i32) -> (i32, i32) {
    %c0_i32 = arith.constant 0 : i32
    %c0_i32_0 = arith.constant 0 : i32
    %c0_i32_1 = arith.constant 0 : i32
    return %c0_i32, %c0_i32_0 : i32, i32
  }
}

module attributes {stable_mosaic.version = 14 : i64} {
  func.func @_edge2_body(%arg0: i32, %arg1: memref<2048x32xf32, #tpu.memory_space<vmem>>, %arg2: memref<2048x128xf32, #tpu.memory_space<vmem>>, %arg3: memref<3x48xf32, #tpu.memory_space<vmem>>, %arg4: memref<48x8xf32, #tpu.memory_space<vmem>>, %arg5: memref<24x1xf32, #tpu.memory_space<vmem>>, %arg6: memref<1x1xf32, #tpu.memory_space<vmem>>) attributes {dimension_semantics = [#tpu.dimension_semantics<arbitrary>], iteration_bounds = array<i64: 80>, scalar_prefetch = 0 : i64, scratch_operands = 0 : i64, tpu.core_type = #tpu.core_type<tc>, window_params = [{transform_indices = @transform_0, window_bounds = array<i64: 2048, 32>}, {transform_indices = @transform_1, window_bounds = array<i64: 2048, 128>}, {pipeline_mode = #tpu.pipeline_mode<synchronous>, transform_indices = @transform_2, window_bounds = array<i64: 3, 48>}, {pipeline_mode = #tpu.pipeline_mode<synchronous>, transform_indices = @transform_3, window_bounds = array<i64: 48, 8>}, {pipeline_mode = #tpu.pipeline_mode<synchronous>, transform_indices = @transform_4, window_bounds = array<i64: 24, 1>}, {pipeline_mode = #tpu.pipeline_mode<synchronous>, transform_indices = @transform_5, window_bounds = array<i64: 1, 1>}]} {
    %get3A = arith.constant 0 : index
    %get3A_0 = arith.constant 0 : index
    %get3A_1 = vector.load %arg1[%get3A, %get3A_0] : memref<2048x32xf32, #tpu.memory_space<vmem>>, vector<2048x32xf32>
    %slice3A = vector.extract_strided_slice %get3A_1 {offsets = [0, 0], sizes = [2048, 24], strides = [1, 1]} : vector<2048x32xf32> to vector<2048x24xf32>
    %slice3A_2 = vector.extract_strided_slice %get3A_1 {offsets = [0, 24], sizes = [2048, 3], strides = [1, 1]} : vector<2048x32xf32> to vector<2048x3xf32>
    %get3A_3 = arith.constant 0 : index
    %get3A_4 = arith.constant 0 : index
    %get3A_5 = vector.load %arg2[%get3A_3, %get3A_4] : memref<2048x128xf32, #tpu.memory_space<vmem>>, vector<2048x48xf32>
    %slice3A_6 = vector.extract_strided_slice %get3A_5 {offsets = [0, 0], sizes = [2048, 16], strides = [1, 1]} : vector<2048x48xf32> to vector<2048x16xf32>
    %get3A_7 = arith.constant 0 : index
    %get3A_8 = arith.constant 0 : index
    %get3A_9 = vector.load %arg3[%get3A_7, %get3A_8] : memref<3x48xf32, #tpu.memory_space<vmem>>, vector<3x48xf32>
    %dot_general3A = arith.constant dense<0.000000e+00> : vector<2048x48xf32>
    %dot_general3A_10 = tpu.matmul %slice3A_2, %get3A_9, %dot_general3A {dimension_numbers = #tpu.dot_dimension_numbers<[1], [0], [0], [1], [0, 0, 1, 1], [], []>, transpose_lhs_hint = false} : vector<2048x3xf32>, vector<3x48xf32>, vector<2048x48xf32> -> vector<2048x48xf32>
    %mul3A = arith.mulf %get3A_5, %dot_general3A_10 : vector<2048x48xf32>
    %get3A_11 = arith.constant 0 : index
    %get3A_12 = arith.constant 0 : index
    %get3A_13 = vector.load %arg4[%get3A_11, %get3A_12] : memref<48x8xf32, #tpu.memory_space<vmem>>, vector<48x8xf32>
    %dot_general3A_14 = arith.constant dense<0.000000e+00> : vector<2048x8xf32>
    %dot_general3A_15 = tpu.matmul %mul3A, %get3A_13, %dot_general3A_14 {dimension_numbers = #tpu.dot_dimension_numbers<[1], [0], [0], [1], [0, 0, 1, 1], [], []>, transpose_lhs_hint = false} : vector<2048x48xf32>, vector<48x8xf32>, vector<2048x8xf32> -> vector<2048x8xf32>
    %mul3A_16 = arith.constant 0.223606795 : f32
    %mul3A_17 = vector.broadcast %mul3A_16 : f32 to vector<2048x16xf32>
    %mul3A_18 = arith.mulf %slice3A_6, %mul3A_17 : vector<2048x16xf32>
    %mul3A_19 = arith.constant 0.577350259 : f32
    %mul3A_20 = vector.broadcast %mul3A_19 : f32 to vector<2048x8xf32>
    %mul3A_21 = arith.mulf %dot_general3A_15, %mul3A_20 : vector<2048x8xf32>
    %concatenate3A = tpu.concatenate %mul3A_18, %mul3A_21 in 1 : vector<2048x16xf32>, vector<2048x8xf32> -> vector<2048x24xf32>
    %mul3A_22 = arith.mulf %slice3A, %concatenate3A : vector<2048x24xf32>
    %get3A_23 = arith.constant 0 : index
    %get3A_24 = arith.constant 0 : index
    %get3A_25 = vector.load %arg5[%get3A_23, %get3A_24] : memref<24x1xf32, #tpu.memory_space<vmem>>, vector<24x1xf32>
    %dot_general3A_26 = arith.constant dense<0.000000e+00> : vector<2048x1xf32>
    %dot_general3A_27 = tpu.matmul %mul3A_22, %get3A_25, %dot_general3A_26 {dimension_numbers = #tpu.dot_dimension_numbers<[1], [0], [0], [1], [0, 0, 1, 1], [], []>, transpose_lhs_hint = false} : vector<2048x24xf32>, vector<24x1xf32>, vector<2048x1xf32> -> vector<2048x1xf32>
    %mul3A_28 = arith.constant 0.204124153 : f32
    %mul3A_29 = vector.broadcast %mul3A_28 : f32 to vector<2048x1xf32>
    %mul3A_30 = arith.mulf %dot_general3A_27, %mul3A_29 : vector<2048x1xf32>
    %mul3A_31 = arith.constant 2048 : i32
    %mul3A_32 = arith.muli %arg0, %mul3A_31 : i32
    %iota3A = tpu.iota {dimensions = array<i32: 0>} : vector<2048x1xi32>
    %add3A = vector.broadcast %mul3A_32 : i32 to vector<2048x1xi32>
    %add3A_33 = arith.addi %add3A, %iota3A : vector<2048x1xi32>
    %lt3A = arith.constant 160000 : i32
    %lt3A_34 = vector.broadcast %lt3A : i32 to vector<2048x1xi32>
    %lt3A_35 = arith.cmpi slt, %add3A_33, %lt3A_34 : vector<2048x1xi32>
    %jit3A = arith.constant 0.000000e+00 : f32
    %broadcast_in_dim3A = vector.broadcast %jit3A : f32 to vector<2048x1xf32>
    %select_n3A = arith.select %lt3A_35, %mul3A_30, %broadcast_in_dim3A : vector<2048x1xi1>, vector<2048x1xf32>
    %eq3A = arith.constant 0 : i32
    %eq3A_36 = arith.cmpi eq, %arg0, %eq3A : i32
    %convert_element_type3A = arith.extui %eq3A_36 : i1 to i32
    %cond3A = arith.constant 0 : i32
    %cond3A_37 = arith.cmpi ne, %convert_element_type3A, %cond3A : i32
    scf.if %cond3A_37 {
      %broadcast_in_dim3A_48 = arith.constant 0.000000e+00 : f32
      %broadcast_in_dim3A_49 = vector.broadcast %broadcast_in_dim3A_48 : f32 to vector<1x1xf32>
      %swap3A_50 = arith.constant 0 : index
      %swap3A_51 = arith.constant 0 : index
      %swap3A_52 = vector.load %arg6[%swap3A_50, %swap3A_51] : memref<1x1xf32, #tpu.memory_space<vmem>>, vector<1x1xf32>
      tpu.vector_store %arg6[%swap3A_50, %swap3A_51], %broadcast_in_dim3A_49 {strides = array<i32>} : memref<1x1xf32, #tpu.memory_space<vmem>>, vector<1x1xf32>,
    } else {
    }
    %get3A_38 = arith.constant 0 : index
    %get3A_39 = arith.constant 0 : index
    %get3A_40 = vector.load %arg6[%get3A_38, %get3A_39] : memref<1x1xf32, #tpu.memory_space<vmem>>, vector<1x1xf32>
    %reduce_sum3A = vector.shape_cast %select_n3A : vector<2048x1xf32> to vector<1x2048x1xf32>
    %reduce_sum3A_41 = arith.constant dense<0.000000e+00> : vector<1xf32>
    %reduce_sum3A_42 = vector.multi_reduction <add>, %reduce_sum3A, %reduce_sum3A_41 [1, 2] : vector<1x2048x1xf32> to vector<1xf32>
    %reduce_sum3A_43 = vector.shape_cast %reduce_sum3A_42 : vector<1xf32> to vector<1x1x1xf32>
    %reduce_sum3A_44 = vector.extract %reduce_sum3A_43[0, 0, 0] : f32 from vector<1x1x1xf32>
    %reshape3A = vector.broadcast %reduce_sum3A_44 : f32 to vector<1x1xf32>
    %add3A_45 = arith.addf %get3A_40, %reshape3A : vector<1x1xf32>
    %swap3A = arith.constant 0 : index
    %swap3A_46 = arith.constant 0 : index
    %swap3A_47 = vector.load %arg6[%swap3A, %swap3A_46] : memref<1x1xf32, #tpu.memory_space<vmem>>, vector<1x1xf32>
    tpu.vector_store %arg6[%swap3A, %swap3A_46], %add3A_45 {strides = array<i32>} : memref<1x1xf32, #tpu.memory_space<vmem>>, vector<1x1xf32>,
    return
  }
  func.func @transform_0(%arg0: i32) -> (i32, i32) {
    %c0_i32 = arith.constant 0 : i32
    %c0_i32_0 = arith.constant 0 : i32
    return %arg0, %c0_i32 : i32, i32
  }
  func.func @transform_1(%arg0: i32) -> (i32, i32) {
    %c0_i32 = arith.constant 0 : i32
    %c0_i32_0 = arith.constant 0 : i32
    return %arg0, %c0_i32 : i32, i32
  }
  func.func @transform_2(%arg0: i32) -> (i32, i32) {
    %c0_i32 = arith.constant 0 : i32
    %c0_i32_0 = arith.constant 0 : i32
    %c0_i32_1 = arith.constant 0 : i32
    return %c0_i32, %c0_i32_0 : i32, i32
  }
  func.func @transform_3(%arg0: i32) -> (i32, i32) {
    %c0_i32 = arith.constant 0 : i32
    %c0_i32_0 = arith.constant 0 : i32
    %c0_i32_1 = arith.constant 0 : i32
    return %c0_i32, %c0_i32_0 : i32, i32
  }
  func.func @transform_4(%arg0: i32) -> (i32, i32) {
    %c0_i32 = arith.constant 0 : i32
    %c0_i32_0 = arith.constant 0 : i32
    %c0_i32_1 = arith.constant 0 : i32
    return %c0_i32, %c0_i32_0 : i32, i32
  }
  func.func @transform_5(%arg0: i32) -> (i32, i32) {
    %c0_i32 = arith.constant 0 : i32
    %c0_i32_0 = arith.constant 0 : i32
    %c0_i32_1 = arith.constant 0 : i32
    return %c0_i32, %c0_i32_0 : i32, i32
  }
}

</mosaic_0001>

<sc_bundles>
// kernel: kernel.12.cloned.1.call-start
scs
__scs_entry_jumppad:
0x0: {  	(pc) =	sbr.rel $0x88, $3  }
0x1: {  	(tag) =	ssettag $0x0;
	lr =	simm.s32 $0x1  }
0x2: {  	[smem:$0x3F93] =	sst lr;
	_ =	strace $0xD0000000  }
0x3: {  	_ = 	snop  }
0x4: {  	_ = 	snop  }
0x5: {  	_ = 	snop  }
0x6: {  	_ = 	snop  }
0x7: {  	_ = 	snop  }
__scs_overlays_trampoline_lowered:
0x8: {  	[smem:$0x3FA2] =	sst s0  }
0x9: {  	[smem:$0x3FA3] =	sst s1  }
0xa: {  	[smem:$0x3FA4] =	sst s2  }
0xb: {  	[smem:$0x3FA5] =	sst s3  }
0xc: {  	[smem:$0x3FA6] =	sst s4  }
0xd: {  	[smem:$0x3FA7] =	sst s5  }
0xe: {  	[smem:$0x3FA8] =	sst s6  }
0xf: {  	[smem:$0x3FA9] =	sst s7  }
0x10: {  	[smem:$0x3FAA] =	sst s8  }
0x11: {  	[smem:$0x3FAB] =	sst s9;
	s0 =	simm.s32 @!p0 $0x0  }
0x12: {  	s1 =	sld [smem:$0x3F91];
	s0 =	simm.s32 @p0 $0x1  }
0x13: {  	[smem:$0x3FAC] =	sst s0;
	s0 =	simm.s32 @!p1 $0x0  }
0x14: {  	s2 =	sld [smem:$0x3F90];
	s0 =	simm.s32 @p1 $0x1  }
0x15: {  	[smem:$0x3FAD] =	sst s0;
	s0 =	simm.s32 @!p2 $0x0  }
0x16: {  	s3 =	sld [smem:$0x3FDB];
	s0 =	simm.s32 @p2 $0x1  }
0x17: {  	s4 =	simm.s32 $0x1BF5;
	[smem:$0x3FAF] =	sst s0  }
0x18: {  	s0 =	sld [smem:$0x3F92];
	_ =	swait.ge [sflag:s4], $0x0  }
0x19: {  	s7 =	sld [smem:$0x3F93]  }
0x1a: {  	s8 =	sadd.s32 $0xFFFFE003, lr  }
0x1b: {  	s9 =	sadd.s32 $0xFFFFFEF7, lr;
	s5 =	simm.s32 $0xFFFFFFFF;
	p2 =	slt.u32 s8, $0xFFFFF086  }
0x1c: {  	p1 =	slt.u32 s9, $0xF7A;
	s5 =	simm.s32 @!p2 $0x0  }
0x1d: {  	s5 =	simm.s32 @p1 $0x1;
	p0 =	seq.s32 s7, s2  }
0x1e: {  	s7 =	smul.u32 @!p0 $0xF7A, s2;
	p2 =	seq.s32 @!p0 s5, $0x0  }
0x1f: {  	s9 =	smul.u32 $0xF7A, s1;
	s8 =	simm.s32 @!p0 $0x1BF5;
	p2 =	por !p2, p0  }
0x20: {  	[sflag:s8] =	ssyncset.s32 @!p0 $0xFFFFF086;
	s6 =	sadd.s32 @!p0 s3, s7;
	s7 =	simm.s32 @!p0 $0x108  }
0x21: {  	s3 =	sadd.s32 s3, s9;
	s6 =	sadd.s32 @!p0 $0x88, s6;
	s7 =	simm.s32 @p2 $0x1082  }
0x22: {  	[simem:s7], [sflag:s8] =	dma.local @!p0 [hbm:s6], $0xF7A  }
0x23: {  	s9 =	sor.u32 $0xD0000000, s2;
	s6 =	simm.s32 $0x108;
	_ =	swait.ge @!p0 [sflag:s8], $0x0  }
0x24: {  	s3 =	sadd.s32 $0x88, s3;
	s6 =	simm.s32 @!p1 $0x1082;
	[sflag:s4] =	ssyncset.s32 $0xFFFFF086  }
0x25: {  	[simem:s6], [sflag:s4] =	dma.local [hbm:s3], $0xF7A  }
0x26: {  	[smem:$0x3F93] =	sst s1;
	(tag) =	ssettag s2;
	_ =	strace s9  }
0x27: {  	s1 =	sld [smem:$0x3FA3]  }
0x28: {  	s2 =	sld [smem:$0x3FA4]  }
0x29: {  	s4 =	sld [smem:$0x3FA6]  }
0x2a: {  	p0 =	seq.s32 s5, $0x0;
	s5 =	sld [smem:$0x3FA7]  }
0x2b: {  	s6 =	sld [smem:$0x3FA8]  }
0x2c: {  	s7 =	sld [smem:$0x3FA9]  }
0x2d: {  	s3 =	simm.s32 $0x108;
	s8 =	sld [smem:$0x3FAA]  }
0x2e: {  	s3 =	simm.s32 @!p0 $0x1082;
	s9 =	sld [smem:$0x3FAB]  }
0x2f: {  	lr =	sadd.s32 s0, s3;
	s0 =	sld [smem:$0x3FA2]  }
0x30: {  	s3 =	sld [smem:$0x3FA5]  }
0x31: {  	[smem:$0x3FAE] =	sst s10  }
0x32: {  	s10 =	sld [smem:$0x3FAC];
	_ =	sdelay $0x3  }
0x33: {  	p0 =	seq.s32 s10, $0x1;
	s10 =	sld [smem:$0x3FAE];
	_ =	sdelay $0x3  }
0x34: {  	[smem:$0x3FAE] =	sst s10  }
0x35: {  	s10 =	sld [smem:$0x3FAD];
	_ =	sdelay $0x3  }
0x36: {  	p1 =	seq.s32 s10, $0x1;
	s10 =	sld [smem:$0x3FAE];
	_ =	sdelay $0x3  }
0x37: {  	[smem:$0x3FAE] =	sst s10  }
0x38: {  	s10 =	sld [smem:$0x3FAF]  }
0x39: {  	_ = 	snop;
	(pc) =	sbr.ind lr, $3  }
0x3a: {  	_ = 	snop  }
0x3b: {  	_ = 	snop  }
0x3c: {  	p2 =	seq.s32 s10, $0x1;
	s10 =	sld [smem:$0x3FAE]  }
0x3d: {  	_ =	shalt  }
0x3e: {  	_ =	shalt  }
0x3f: {  	_ =	shalt  }
0x40: {  	_ =	shalt  }
0x41: {  	_ =	shalt  }
0x42: {  	_ =	shalt  }
0x43: {  	_ =	shalt  }
0x44: {  	_ =	shalt  }
0x45: {  	_ =	shalt  }
0x46: {  	_ =	shalt  }
0x47: {  	_ =	shalt  }
0x48: {  	_ =	shalt  }
0x49: {  	_ =	shalt  }
0x4a: {  	_ =	shalt  }
0x4b: {  	_ =	shalt  }
0x4c: {  	_ =	shalt  }
0x4d: {  	_ =	shalt  }
0x4e: {  	_ =	shalt  }
0x4f: {  	_ =	shalt  }
0x50: {  	_ =	shalt  }
0x51: {  	_ =	shalt  }
0x52: {  	_ =	shalt  }
0x53: {  	_ =	shalt  }
0x54: {  	_ =	shalt  }
0x55: {  	_ =	shalt  }
0x56: {  	_ =	shalt  }
0x57: {  	_ =	shalt  }
0x58: {  	_ =	shalt  }
0x59: {  	_ =	shalt  }
0x5a: {  	_ =	shalt  }
0x5b: {  	_ =	shalt  }
0x5c: {  	_ =	shalt  }
0x5d: {  	_ =	shalt  }
0x5e: {  	_ =	shalt  }
0x5f: {  	_ =	shalt  }
0x60: {  	_ =	shalt  }
0x61: {  	_ =	shalt  }
0x62: {  	_ =	shalt  }
0x63: {  	_ =	shalt  }
0x64: {  	_ =	shalt  }
0x65: {  	_ =	shalt  }
0x66: {  	_ =	shalt  }
0x67: {  	_ =	shalt  }
0x68: {  	_ =	shalt  }
0x69: {  	_ =	shalt  }
0x6a: {  	_ =	shalt  }
0x6b: {  	_ =	shalt  }
0x6c: {  	_ =	shalt  }
0x6d: {  	_ =	shalt  }
0x6e: {  	_ =	shalt  }
0x6f: {  	_ =	shalt  }
0x70: {  	_ =	shalt  }
0x71: {  	_ =	shalt  }
0x72: {  	_ =	shalt  }
0x73: {  	_ =	shalt  }
0x74: {  	_ =	shalt  }
0x75: {  	_ =	shalt  }
0x76: {  	_ =	shalt  }
0x77: {  	_ =	shalt  }
0x78: {  	_ =	shalt  }
0x79: {  	_ =	shalt  }
0x7a: {  	_ =	shalt  }
0x7b: {  	_ =	shalt  }
0x7c: {  	_ =	shalt  }
0x7d: {  	_ =	shalt  }
0x7e: {  	_ =	shalt  }
0x7f: {  	_ =	shalt  }
0x80: {  	_ =	shalt  }
0x81: {  	_ =	shalt  }
0x82: {  	_ =	shalt  }
0x83: {  	_ =	shalt  }
0x84: {  	_ =	shalt  }
0x85: {  	_ =	shalt  }
0x86: {  	_ =	shalt  }
0x87: {  	_ =	shalt  }
.Lfunc_end0:
.L_simem_size_0:
called_computation.1_lowered:
.L_overlay_start_0:
0x88: {  	s2 =	sld [smem:$0x3FD9]  }
0x89: {  	s3 =	sld [smem:$0x3FFE];
	_ =	sdelay $0x1  }
0x8a: {  	s1 =	srdreg.scid  }
0x8b: {  	s0 =	sand.u32 $0x1, s1  }
0x8c: {  	s16 =	sshll.u32 s0, $0xA;
	s2 =	sadd.s32 s3, s2  }
0x8d: {  	s2 =	sadd.s32 s2, s16  }
0x8e: {  	[smem:$0x3FBA] =	sst s2  }
0x8f: {  	_ = 	snop  }
0x90: {  	(tm) =	ssettm $0x1  }
0x91: {  	s17 =	sld [smem:$0x3FFB];
	_ =	sdelay $0x3  }
0x92: {  	_ =	strace s17  }
0x93: {  	s2 =	sld [smem:$0x3FFC];
	_ =	sdelay $0x3  }
0x94: {  	_ =	strace s2  }
0x95: {  	s2 =	sld [smem:$0x3FFD];
	_ =	sdelay $0x3  }
0x96: {  	_ =	strace s2  }
0x97: {  	_ =	strace $0x8FFFFFFF  }
0x98: {  	s18 =	sld [smem:$0x3FDB];
	_ =	sdelay $0x1  }
0x99: {  	s19 =	simm.s32 $_scs_section_size  }
0x9a: {  	s4 =	simm.s32 $_size__tile_overlayer_lowered;
	s5 =	simm.s32 $_tile_overlayer_lowered  }
0x9b: {  	s22 =	simm.s32 $0x1BFF;
	s21 =	sshll.u32 s5, $0x1;
	s2 =	sadd.s32 s19, s18  }
0x9c: {  	s6 =	simm.s32 $0x0;
	s20 =	sshll.u32 s4, $0x1;
	s4 =	sadd.s32 s21, s2  }
0x9d: {  	[timem:s6], [sflag:s22] =	dma.local [hbm:s4], s20  }
0x9e: {  	_ =	swait.ge [sflag:s22], s20  }
0x9f: {  	s3 =	ssub.s32 $0x0, s20;
	[sflag:s22] =	ssyncset.done $0x0  }
0xa0: {  	[sflag:s22] =	ssyncadd.s32 s3;
	_ =	sdelay $0x1  }
0xa1: {  	s23 =	simm.s32 $0x1B8B  }
0xa2: {  	_ =	swait.ge [sflag:s23], $0x1  }
0xa3: {  	[sflag:s23] =	ssyncset.done $0x0  }
0xa4: {  	s25 =	simm.s32 $0x1B8E;
	s24 =	sld [smem:$0x3FFE];
	[sflag:s23] =	ssyncadd.s32 $0xFFFFFFFF  }
0xa5: {  	s26 =	simm.s32 $execute0_lowered;
	[smem:$0x3FD2] =	sst s25  }
0xa6: {  	s4 =	sshll.u32 s26, $0x1;
	_ =	strace $0x80000049;
	[dreg:$0x1] =	wrdreg $0xFFFFFFFF  }
0xa7: {  	s28 =	simm.s32 $_size_execute0_lowered;
	s2 =	sadd.s32 s2, s4;
	[dreg:$0x0] =	wrdreg $0x0  }
0xa8: {  	s4 =	sshll.u32 s28, $0x1;
	[dreg:$0x2] =	wrdreg s2  }
0xa9: {  	[dreg:$0x3] =	wrdreg s4  }
0xaa: {  	[dreg:$0x4] =	wrdreg $0xC0  }
0xab: {  	_ =	task [dreg:s6], $0x5FFFF  }
0xac: {  	[dreg:$0x1] =	wrdreg $0xFFFFFFFF  }
0xad: {  	[dreg:$0x0] =	wrdreg $0x60  }
0xae: {  	[dreg:$0x2] =	wrdreg s24  }
0xaf: {  	[dreg:$0x3] =	wrdreg $0x0  }
0xb0: {  	[dreg:$0x4] =	wrdreg $0x9  }
0xb1: {  	_ =	task.clear_ibuf [dreg:s6], $0x5FFFF;
	_ =	strace $0x90000049  }
0xb2: {  	s29 =	simm.s32 $0x9;
	_ =	strace $0x8000004B  }
0xb3: {  	_ =	swait.ge [sflag:s29], $0x1  }
0xb4: {  	[sflag:s29] =	ssyncadd.s32 $0xFFFFFFFF  }
0xb5: {  	_ =	strace $0x9000004B  }
0xb6: {  	_ =	sfence  }
0xb7: {  	s30 =	sld [smem:$0x0];
	_ =	sdelay $0x2  }
0xb8: {  	s31 =	sshll.u32 s1, $0xD;
	s1 =	sshrl.u32 s1, $0x2  }
0xb9: {  	s3 =	sand.u32 $0x4000, s31;
	s1 =	sadd.s32 s1, s30  }
0xba: {  	s0 =	sor.u32 s3, s0;
	s1 =	sshll.u32 s1, $0x11  }
0xbb: {  	s0 =	sor.u32 s1, s0  }
0xbc: {  	s0 =	sadd.s32 $0x8F2B, s0  }
0xbd: {  	[sflag:s0] =	ssyncadd.remote.s32 $0x1  }
0xbe: {  	_ =	sfence.sel $0xFFFF  }
0xbf: {  	[dreg:$0x0] =	wrdreg $0xFFFFFFFF;
	(pc) =	sbr.abs _section_cstart, $3  }
0xc0: {  	[dreg:$0x1] =	wrdreg $0xFFFFFFFF  }
0xc1: {  	_ =	task.clear_ibuf [dreg:s6], $0x2FFFF;
	_ =	strace $0x9FFFFFFF  }
0xc2: {  	(tm) =	ssettm $0x7FFFFFFF  }
0xc3: {  	_ =	shalt  }
tec
execute0_lowered:
.L_overlay_start_1:
0x0: {  	(tag) =	ssettag $0x1  }
0x1: {  	s6 =	rddreg [dreg:$0x0]  }
0x2: {  	s2 =	rddreg [dreg:$0x1]  }
0x3: {  	s0 =	srdreg.scid;
	s1 =	rddreg [dreg:$0x2]  }
0x4: {  	s3 =	simm.s32 $0x0;
	s15 =	simm.s32 $0x8C00;
	s16 =	simm.s32 $0xA400  }
0x5: {  	s17 =	simm.s32 $0xBC00;
	s18 =	simm.s32 $0xD400;
	s4 =	sand.u32 $0x1, s0  }
0x6: {  	s19 =	simm.s32 $0xEC00;
	s0 =	stileid.u32;
	s5 =	smul.u32 $0x280, s4  }
0x7: {  	s20 =	simm.s32 $0x10400;
	s21 =	simm.s32 $0x11C00;
	s7 =	smul.u32 $0x28, s0  }
0x8: {  	s22 =	simm.s32 $0x13400;
	s23 =	simm.s32 $0x14C00;
	s8 =	smul.u32 $0x140000, s4  }
0x9: {  	s24 =	simm.s32 $0x16400;
	[smem:$0x7FF] =	sst s3;
	s9 =	smul.u32 $0x7800, s0  }
0xa: {  	s25 =	smul.u32 $0x78000, s4;
	_ =	strace $0x8000004A;
	s4 =	ssub.s32 $0x2, s4  }
0xb: {  	s30 =	sshll.u32 s0, $0x6;
	s13 =	smul.u32 $0x14000, s0;
	s29 =	sshrl.u32 s4, $0x1  }
0xc: {  	s5 =	sadd.s32 s7, s5;
	s8 =	sadd.s32 s8, s6;
	s26 =	sadd.s32 s9, s25  }
0xd: {  	s28 =	sshrl.u32 s9, $0x3;
	s12 =	ssub.s32 s4, s29;
	s14 =	sadd.s32 s9, s2  }
0xe: {  	s25 =	simm.s32 $0x0;
	s5 =	sshll.u32 s5, $0x4;
	s7 =	sadd.s32 s28, s6  }
0xf: {  	s31 =	sadd.s32 s13, s8;
	s8 =	smax.u32 s12, $0x1;
	s12 =	simm.s32 $0x7800  }
0x10: {  	s13 =	simm.s32 $0x30;
	s10 =	sadd.s32 s5, s6;
	s5 =	sshrl.u32 s26, $0x3  }
0x11: {  	s4 =	sadd.s32 $0x45000, s7;
	s9 =	sadd.s32 $0x2C5000, s31;
	s11 =	sadd.s32 s5, s6  }
0x12: {  	s5 =	sor.u32 $0x1C01, s30;
	s6 =	sadd.s32 $0x40000, s10;
	s10 =	sshrl.u32 s14, $0x3  }
0x13: {  	s14 =	simm.s32 $0x80;
	s7 =	sadd.s32 $0x54000, s11;
	s11 =	simm.s32 $0x1  }
.LBB2_1:
0x14: {  	[spmem:s10], [sflag:s5] =	dma.local [hbm:s4], $0xF00  }
0x15: {  	_ =	swait.ge [sflag:s11], $0xF00  }
0x16: {  	[sflag:s11] =	ssyncset.done $0x0  }
0x17: {  	[sflag:s11] =	ssyncadd.s32 $0xFFFFF100  }
0x18: {  	[tilespmem:s12], [sflag:$0x1] =	stream.linear.gather [hbm4b:s6+s3], $0x1400, $0x38;
	[tilespmem:$0x17C00] =	vst v63  }
0x19: {  	_ =	swait.ge [sflag:s11], $0x1400  }
0x1a: {  	[sflag:s11] =	ssyncset.done $0x0  }
0x1b: {  	[sflag:s11] =	ssyncadd.s32 $0xFFFFEC00  }
0x1c: {  	[bflag:$0x0] =	sbarrier.arrive $0xFFFF  }
0x1d: {  	[tilespmem:s15], [sflag:$0x1] =	stream.strided.gather [hbm4b:s9+s13], $0xF000, s14, s13, $0x38;
	[tilespmem:$0x17C00] =	vst v63  }
0x1e: {  	_ =	swait.ge [sflag:s11], $0xF000  }
0x1f: {  	[sflag:s11] =	ssyncset.done $0x0  }
0x20: {  	s26 =	simm.s32 $0x7800;
	[sflag:s11] =	ssyncadd.s32 $0xFFFF1000  }
0x21: {  	[spmem:s2] =	stream.indirect.scatter.add.f32 [tilespmem:s15], [sflag:$0x1], $0x30, s26, s14, $0xb8;
	[tilespmem:$0x17C00] =	vst v63  }
0x22: {  	_ =	swait.ge [sflag:s11], $0x1800  }
0x23: {  	[sflag:s11] =	ssyncset.done $0x0  }
0x24: {  	s29 =	simm.s32 $0x7880;
	[sflag:s11] =	ssyncadd.s32 $0xFFFFE800  }
0x25: {  	[spmem:s2] =	stream.indirect.scatter.add.f32 [tilespmem:s16], [sflag:$0x1], $0x30, s29, s14, $0xb8;
	[tilespmem:$0x17C00] =	vst v63  }
0x26: {  	_ =	swait.ge [sflag:s11], $0x1800  }
0x27: {  	[sflag:s11] =	ssyncset.done $0x0  }
0x28: {  	s30 =	simm.s32 $0x7900;
	[sflag:s11] =	ssyncadd.s32 $0xFFFFE800  }
0x29: {  	[spmem:s2] =	stream.indirect.scatter.add.f32 [tilespmem:s17], [sflag:$0x1], $0x30, s30, s14, $0xb8;
	[tilespmem:$0x17C00] =	vst v63  }
0x2a: {  	_ =	swait.ge [sflag:s11], $0x1800  }
0x2b: {  	[sflag:s11] =	ssyncset.done $0x0  }
0x2c: {  	s31 =	simm.s32 $0x7980;
	[sflag:s11] =	ssyncadd.s32 $0xFFFFE800  }
0x2d: {  	[spmem:s2] =	stream.indirect.scatter.add.f32 [tilespmem:s18], [sflag:$0x1], $0x30, s31, s14, $0xb8;
	[tilespmem:$0x17C00] =	vst v63  }
0x2e: {  	_ =	swait.ge [sflag:s11], $0x1800  }
0x2f: {  	[sflag:s11] =	ssyncset.done $0x0  }
0x30: {  	s29 =	simm.s32 $0x7A00;
	[sflag:s11] =	ssyncadd.s32 $0xFFFFE800  }
0x31: {  	[spmem:s2] =	stream.indirect.scatter.add.f32 [tilespmem:s19], [sflag:$0x1], $0x30, s29, s14, $0xb8;
	[tilespmem:$0x17C00] =	vst v63  }
0x32: {  	_ =	swait.ge [sflag:s11], $0x1800  }
0x33: {  	[sflag:s11] =	ssyncset.done $0x0  }
0x34: {  	s30 =	simm.s32 $0x7A80;
	[sflag:s11] =	ssyncadd.s32 $0xFFFFE800  }
0x35: {  	[spmem:s2] =	stream.indirect.scatter.add.f32 [tilespmem:s20], [sflag:$0x1], $0x30, s30, s14, $0xb8;
	[tilespmem:$0x17C00] =	vst v63  }
0x36: {  	_ =	swait.ge [sflag:s11], $0x1800  }
0x37: {  	[sflag:s11] =	ssyncset.done $0x0  }
0x38: {  	s31 =	simm.s32 $0x7B00;
	[sflag:s11] =	ssyncadd.s32 $0xFFFFE800  }
0x39: {  	[spmem:s2] =	stream.indirect.scatter.add.f32 [tilespmem:s21], [sflag:$0x1], $0x30, s31, s14, $0xb8;
	[tilespmem:$0x17C00] =	vst v63  }
0x3a: {  	_ =	swait.ge [sflag:s11], $0x1800  }
0x3b: {  	[sflag:s11] =	ssyncset.done $0x0  }
0x3c: {  	s29 =	simm.s32 $0x7B80;
	[sflag:s11] =	ssyncadd.s32 $0xFFFFE800  }
0x3d: {  	[spmem:s2] =	stream.indirect.scatter.add.f32 [tilespmem:s22], [sflag:$0x1], $0x30, s29, s14, $0xb8;
	[tilespmem:$0x17C00] =	vst v63  }
0x3e: {  	_ =	swait.ge [sflag:s11], $0x1800  }
0x3f: {  	[sflag:s11] =	ssyncset.done $0x0  }
0x40: {  	s30 =	simm.s32 $0x7C00;
	[sflag:s11] =	ssyncadd.s32 $0xFFFFE800  }
0x41: {  	[spmem:s2] =	stream.indirect.scatter.add.f32 [tilespmem:s23], [sflag:$0x1], $0x30, s30, s14, $0xb8;
	[tilespmem:$0x17C00] =	vst v63  }
0x42: {  	_ =	swait.ge [sflag:s11], $0x1800  }
0x43: {  	[sflag:s11] =	ssyncset.done $0x0  }
0x44: {  	s31 =	simm.s32 $0x7C80;
	[sflag:s11] =	ssyncadd.s32 $0xFFFFE800  }
0x45: {  	[spmem:s2] =	stream.indirect.scatter.add.f32 [tilespmem:s24], [sflag:$0x1], $0x30, s31, s14, $0xb8;
	[tilespmem:$0x17C00] =	vst v63  }
0x46: {  	_ =	swait.ge [sflag:s11], $0x1800  }
0x47: {  	s28 =	smov.u32 s9;
	s26 =	simm.s32 $0x1400;
	[sflag:s11] =	ssyncset.done $0x0  }
.LBB2_2:
0x48: {  	p0 =	sne.s32 s26, $0x3C00;
	[sflag:s11] =	ssyncadd.s32 $0xFFFFE800;
	s28 =	sadd.s32 $0x5000, s28  }
0x49: {  	[tilespmem:s15], [sflag:$0x1] =	stream.strided.gather [hbm4b:s28+s13], $0xF000, s14, s13, $0x38;
	[tilespmem:$0x17C00] =	vst v63  }
0x4a: {  	s29 =	smov.u32 s26;
	s26 =	sadd.s32 $0x1400, s26;
	_ =	swait.ge [sflag:s11], $0xF000  }
0x4b: {  	s29 =	sshra.s32 s29, $0x2;
	[sflag:s11] =	ssyncset.done $0x0  }
0x4c: {  	s30 =	sadd.s32 $0x7800, s29;
	[sflag:s11] =	ssyncadd.s32 $0xFFFF1000  }
0x4d: {  	[spmem:s2] =	stream.indirect.scatter.add.f32 [tilespmem:s15], [sflag:$0x1], $0x30, s30, s14, $0xb8;
	[tilespmem:$0x17C00] =	vst v63  }
0x4e: {  	_ =	swait.ge [sflag:s11], $0x1800  }
0x4f: {  	[sflag:s11] =	ssyncset.done $0x0  }
0x50: {  	s30 =	sadd.s32 $0x7880, s29;
	[sflag:s11] =	ssyncadd.s32 $0xFFFFE800  }
0x51: {  	[spmem:s2] =	stream.indirect.scatter.add.f32 [tilespmem:s16], [sflag:$0x1], $0x30, s30, s14, $0xb8;
	[tilespmem:$0x17C00] =	vst v63  }
0x52: {  	_ =	swait.ge [sflag:s11], $0x1800  }
0x53: {  	[sflag:s11] =	ssyncset.done $0x0  }
0x54: {  	s30 =	sadd.s32 $0x7900, s29;
	[sflag:s11] =	ssyncadd.s32 $0xFFFFE800  }
0x55: {  	[spmem:s2] =	stream.indirect.scatter.add.f32 [tilespmem:s17], [sflag:$0x1], $0x30, s30, s14, $0xb8;
	[tilespmem:$0x17C00] =	vst v63  }
0x56: {  	_ =	swait.ge [sflag:s11], $0x1800  }
0x57: {  	[sflag:s11] =	ssyncset.done $0x0  }
0x58: {  	s30 =	sadd.s32 $0x7980, s29;
	[sflag:s11] =	ssyncadd.s32 $0xFFFFE800  }
0x59: {  	[spmem:s2] =	stream.indirect.scatter.add.f32 [tilespmem:s18], [sflag:$0x1], $0x30, s30, s14, $0xb8;
	[tilespmem:$0x17C00] =	vst v63  }
0x5a: {  	_ =	swait.ge [sflag:s11], $0x1800  }
0x5b: {  	[sflag:s11] =	ssyncset.done $0x0  }
0x5c: {  	s30 =	sadd.s32 $0x7A00, s29;
	[sflag:s11] =	ssyncadd.s32 $0xFFFFE800  }
0x5d: {  	[spmem:s2] =	stream.indirect.scatter.add.f32 [tilespmem:s19], [sflag:$0x1], $0x30, s30, s14, $0xb8;
	[tilespmem:$0x17C00] =	vst v63  }
0x5e: {  	_ =	swait.ge [sflag:s11], $0x1800  }
0x5f: {  	[sflag:s11] =	ssyncset.done $0x0  }
0x60: {  	s30 =	sadd.s32 $0x7A80, s29;
	[sflag:s11] =	ssyncadd.s32 $0xFFFFE800  }
0x61: {  	[spmem:s2] =	stream.indirect.scatter.add.f32 [tilespmem:s20], [sflag:$0x1], $0x30, s30, s14, $0xb8;
	[tilespmem:$0x17C00] =	vst v63  }
0x62: {  	_ =	swait.ge [sflag:s11], $0x1800  }
0x63: {  	[sflag:s11] =	ssyncset.done $0x0  }
0x64: {  	s30 =	sadd.s32 $0x7B00, s29;
	[sflag:s11] =	ssyncadd.s32 $0xFFFFE800  }
0x65: {  	[spmem:s2] =	stream.indirect.scatter.add.f32 [tilespmem:s21], [sflag:$0x1], $0x30, s30, s14, $0xb8;
	[tilespmem:$0x17C00] =	vst v63  }
0x66: {  	_ =	swait.ge [sflag:s11], $0x1800  }
0x67: {  	[sflag:s11] =	ssyncset.done $0x0  }
0x68: {  	s30 =	sadd.s32 $0x7B80, s29;
	[sflag:s11] =	ssyncadd.s32 $0xFFFFE800  }
0x69: {  	[spmem:s2] =	stream.indirect.scatter.add.f32 [tilespmem:s22], [sflag:$0x1], $0x30, s30, s14, $0xb8;
	[tilespmem:$0x17C00] =	vst v63  }
0x6a: {  	_ =	swait.ge [sflag:s11], $0x1800  }
0x6b: {  	[sflag:s11] =	ssyncset.done $0x0  }
0x6c: {  	s30 =	sadd.s32 $0x7C00, s29;
	[sflag:s11] =	ssyncadd.s32 $0xFFFFE800  }
0x6d: {  	[spmem:s2] =	stream.indirect.scatter.add.f32 [tilespmem:s23], [sflag:$0x1], $0x30, s30, s14, $0xb8;
	[tilespmem:$0x17C00] =	vst v63  }
0x6e: {  	_ =	swait.ge [sflag:s11], $0x1800  }
.Ltmp0:
0x6f: {  	[sflag:s11] =	ssyncset.done $0x0;
	(pc) =	sbr.rel @p0 .LBB2_2-.Ltmp0, $4  }
0x70: {  	s29 =	sadd.s32 $0x7C80, s29;
	[sflag:s11] =	ssyncadd.s32 $0xFFFFE800  }
0x71: {  	[spmem:s2] =	stream.indirect.scatter.add.f32 [tilespmem:s24], [sflag:$0x1], $0x30, s29, s14, $0xb8;
	[tilespmem:$0x17C00] =	vst v63  }
0x72: {  	_ =	swait.ge [sflag:s11], $0x1800  }
0x73: {  	[sflag:s11] =	ssyncset.done $0x0  }
0x74: {  	s25 =	sadd.s32 $0x1, s25  }
0x75: {  	[sflag:s11] =	ssyncadd.s32 $0xFFFFE800;
	p0 =	sne.s32 s25, s8  }
.Ltmp1:
0x76: {  	[bflag:$0x0] =	sbarrier.arrive $0xFFFF;
	(pc) =	sbr.rel @p0 .LBB2_1-.Ltmp1, $4  }
0x77: {  	[hbm:s7], [sflag:s5] =	dma.local [spmem:s10], $0xF00  }
0x78: {  	_ =	swait.ge [sflag:s11], $0xF00  }
0x79: {  	[sflag:s11] =	ssyncset.done $0x0  }
0x7a: {  	[sflag:s11] =	ssyncadd.s32 $0xFFFFF100  }
0x7b: {  	_ =	sfence.sel $0x180000  }
0x7c: {  	[bflag:$0x0] =	sbarrier.arrive $0xFFFF  }
0x7d: {  	p0 =	sne.s32 s0, $0x0;
	_ =	strace $0x9000004A  }
0x7e: {  	s0 =	sadd.s32 @!p0 $0x100000, s1;
	[bflag:$0x2] =	sbarrier.arrive $0xFFFF  }
0x7f: {  	[sflag:s0] =	ssyncadd.tile.s32 @!p0 $0x1;
	_ =	shalt  }
.Lfunc_end2:
_tile_overlayer_lowered:
.L_overlay_start_2:
0x80: {  	(tag) =	ssettag $0x2  }
0x81: {  	s0 =	rddreg [dreg:$0x0];
	s2 =	stileid.u32  }
0x82: {  	s1 =	rddreg [dreg:$0x1];
	p0 =	sne.s32 s2, $0x0  }
0x83: {  	s3 =	rddreg [dreg:$0x2];
	[bflag:$0x3] =	sbarrier.arrive $0xFFFF;
	s2 =	simm.s32 @!p0 $0x1C01  }
0x84: {  	[timem:s3], [sflag:s2] =	dma.local @!p0 [hbm:s0], s1  }
0x85: {  	s0 =	simm.s32 @!p0 $0x1  }
0x86: {  	_ =	swait.ge @!p0 [sflag:s0], s1  }
0x87: {  	s1 =	ssub.s32 @!p0 $0x0, s1;
	[sflag:s0] =	ssyncset.done @!p0 $0x0  }
0x88: {  	[sflag:s0] =	ssyncadd.s32 @!p0 s1  }
0x89: {  	[bflag:$0x3] =	sbarrier.arrive $0xFFFF  }
0x8a: {  	_ =	shalt  }

// kernel: kernel.15.cloned.1.call-start
scs
__scs_entry_jumppad:
0x0: {  	(pc) =	sbr.rel $0x88, $3  }
0x1: {  	(tag) =	ssettag $0x0;
	lr =	simm.s32 $0x1  }
0x2: {  	[smem:$0x3F93] =	sst lr;
	_ =	strace $0xD0000000  }
0x3: {  	_ = 	snop  }
0x4: {  	_ = 	snop  }
0x5: {  	_ = 	snop  }
0x6: {  	_ = 	snop  }
0x7: {  	_ = 	snop  }
__scs_overlays_trampoline_lowered:
0x8: {  	[smem:$0x3FA2] =	sst s0  }
0x9: {  	[smem:$0x3FA3] =	sst s1  }
0xa: {  	[smem:$0x3FA4] =	sst s2  }
0xb: {  	[smem:$0x3FA5] =	sst s3  }
0xc: {  	[smem:$0x3FA6] =	sst s4  }
0xd: {  	[smem:$0x3FA7] =	sst s5  }
0xe: {  	[smem:$0x3FA8] =	sst s6  }
0xf: {  	[smem:$0x3FA9] =	sst s7  }
0x10: {  	[smem:$0x3FAA] =	sst s8  }
0x11: {  	[smem:$0x3FAB] =	sst s9;
	s0 =	simm.s32 @!p0 $0x0  }
0x12: {  	s1 =	sld [smem:$0x3F91];
	s0 =	simm.s32 @p0 $0x1  }
0x13: {  	[smem:$0x3FAC] =	sst s0;
	s0 =	simm.s32 @!p1 $0x0  }
0x14: {  	s2 =	sld [smem:$0x3F90];
	s0 =	simm.s32 @p1 $0x1  }
0x15: {  	[smem:$0x3FAD] =	sst s0;
	s0 =	simm.s32 @!p2 $0x0  }
0x16: {  	s3 =	sld [smem:$0x3FDB];
	s0 =	simm.s32 @p2 $0x1  }
0x17: {  	s4 =	simm.s32 $0x1BF5;
	[smem:$0x3FAF] =	sst s0  }
0x18: {  	s0 =	sld [smem:$0x3F92];
	_ =	swait.ge [sflag:s4], $0x0  }
0x19: {  	s7 =	sld [smem:$0x3F93]  }
0x1a: {  	s8 =	sadd.s32 $0xFFFFE003, lr  }
0x1b: {  	s9 =	sadd.s32 $0xFFFFFEF7, lr;
	s5 =	simm.s32 $0xFFFFFFFF;
	p2 =	slt.u32 s8, $0xFFFFF086  }
0x1c: {  	p1 =	slt.u32 s9, $0xF7A;
	s5 =	simm.s32 @!p2 $0x0  }
0x1d: {  	s5 =	simm.s32 @p1 $0x1;
	p0 =	seq.s32 s7, s2  }
0x1e: {  	s7 =	smul.u32 @!p0 $0xF7A, s2;
	p2 =	seq.s32 @!p0 s5, $0x0  }
0x1f: {  	s9 =	smul.u32 $0xF7A, s1;
	s8 =	simm.s32 @!p0 $0x1BF5;
	p2 =	por !p2, p0  }
0x20: {  	[sflag:s8] =	ssyncset.s32 @!p0 $0xFFFFF086;
	s6 =	sadd.s32 @!p0 s3, s7;
	s7 =	simm.s32 @!p0 $0x108  }
0x21: {  	s3 =	sadd.s32 s3, s9;
	s6 =	sadd.s32 @!p0 $0x88, s6;
	s7 =	simm.s32 @p2 $0x1082  }
0x22: {  	[simem:s7], [sflag:s8] =	dma.local @!p0 [hbm:s6], $0xF7A  }
0x23: {  	s9 =	sor.u32 $0xD0000000, s2;
	s6 =	simm.s32 $0x108;
	_ =	swait.ge @!p0 [sflag:s8], $0x0  }
0x24: {  	s3 =	sadd.s32 $0x88, s3;
	s6 =	simm.s32 @!p1 $0x1082;
	[sflag:s4] =	ssyncset.s32 $0xFFFFF086  }
0x25: {  	[simem:s6], [sflag:s4] =	dma.local [hbm:s3], $0xF7A  }
0x26: {  	[smem:$0x3F93] =	sst s1;
	(tag) =	ssettag s2;
	_ =	strace s9  }
0x27: {  	s1 =	sld [smem:$0x3FA3]  }
0x28: {  	s2 =	sld [smem:$0x3FA4]  }
0x29: {  	s4 =	sld [smem:$0x3FA6]  }
0x2a: {  	p0 =	seq.s32 s5, $0x0;
	s5 =	sld [smem:$0x3FA7]  }
0x2b: {  	s6 =	sld [smem:$0x3FA8]  }
0x2c: {  	s7 =	sld [smem:$0x3FA9]  }
0x2d: {  	s3 =	simm.s32 $0x108;
	s8 =	sld [smem:$0x3FAA]  }
0x2e: {  	s3 =	simm.s32 @!p0 $0x1082;
	s9 =	sld [smem:$0x3FAB]  }
0x2f: {  	lr =	sadd.s32 s0, s3;
	s0 =	sld [smem:$0x3FA2]  }
0x30: {  	s3 =	sld [smem:$0x3FA5]  }
0x31: {  	[smem:$0x3FAE] =	sst s10  }
0x32: {  	s10 =	sld [smem:$0x3FAC];
	_ =	sdelay $0x3  }
0x33: {  	p0 =	seq.s32 s10, $0x1;
	s10 =	sld [smem:$0x3FAE];
	_ =	sdelay $0x3  }
0x34: {  	[smem:$0x3FAE] =	sst s10  }
0x35: {  	s10 =	sld [smem:$0x3FAD];
	_ =	sdelay $0x3  }
0x36: {  	p1 =	seq.s32 s10, $0x1;
	s10 =	sld [smem:$0x3FAE];
	_ =	sdelay $0x3  }
0x37: {  	[smem:$0x3FAE] =	sst s10  }
0x38: {  	s10 =	sld [smem:$0x3FAF]  }
0x39: {  	_ = 	snop;
	(pc) =	sbr.ind lr, $3  }
0x3a: {  	_ = 	snop  }
0x3b: {  	_ = 	snop  }
0x3c: {  	p2 =	seq.s32 s10, $0x1;
	s10 =	sld [smem:$0x3FAE]  }
0x3d: {  	_ =	shalt  }
0x3e: {  	_ =	shalt  }
0x3f: {  	_ =	shalt  }
0x40: {  	_ =	shalt  }
0x41: {  	_ =	shalt  }
0x42: {  	_ =	shalt  }
0x43: {  	_ =	shalt  }
0x44: {  	_ =	shalt  }
0x45: {  	_ =	shalt  }
0x46: {  	_ =	shalt  }
0x47: {  	_ =	shalt  }
0x48: {  	_ =	shalt  }
0x49: {  	_ =	shalt  }
0x4a: {  	_ =	shalt  }
0x4b: {  	_ =	shalt  }
0x4c: {  	_ =	shalt  }
0x4d: {  	_ =	shalt  }
0x4e: {  	_ =	shalt  }
0x4f: {  	_ =	shalt  }
0x50: {  	_ =	shalt  }
0x51: {  	_ =	shalt  }
0x52: {  	_ =	shalt  }
0x53: {  	_ =	shalt  }
0x54: {  	_ =	shalt  }
0x55: {  	_ =	shalt  }
0x56: {  	_ =	shalt  }
0x57: {  	_ =	shalt  }
0x58: {  	_ =	shalt  }
0x59: {  	_ =	shalt  }
0x5a: {  	_ =	shalt  }
0x5b: {  	_ =	shalt  }
0x5c: {  	_ =	shalt  }
0x5d: {  	_ =	shalt  }
0x5e: {  	_ =	shalt  }
0x5f: {  	_ =	shalt  }
0x60: {  	_ =	shalt  }
0x61: {  	_ =	shalt  }
0x62: {  	_ =	shalt  }
0x63: {  	_ =	shalt  }
0x64: {  	_ =	shalt  }
0x65: {  	_ =	shalt  }
0x66: {  	_ =	shalt  }
0x67: {  	_ =	shalt  }
0x68: {  	_ =	shalt  }
0x69: {  	_ =	shalt  }
0x6a: {  	_ =	shalt  }
0x6b: {  	_ =	shalt  }
0x6c: {  	_ =	shalt  }
0x6d: {  	_ =	shalt  }
0x6e: {  	_ =	shalt  }
0x6f: {  	_ =	shalt  }
0x70: {  	_ =	shalt  }
0x71: {  	_ =	shalt  }
0x72: {  	_ =	shalt  }
0x73: {  	_ =	shalt  }
0x74: {  	_ =	shalt  }
0x75: {  	_ =	shalt  }
0x76: {  	_ =	shalt  }
0x77: {  	_ =	shalt  }
0x78: {  	_ =	shalt  }
0x79: {  	_ =	shalt  }
0x7a: {  	_ =	shalt  }
0x7b: {  	_ =	shalt  }
0x7c: {  	_ =	shalt  }
0x7d: {  	_ =	shalt  }
0x7e: {  	_ =	shalt  }
0x7f: {  	_ =	shalt  }
0x80: {  	_ =	shalt  }
0x81: {  	_ =	shalt  }
0x82: {  	_ =	shalt  }
0x83: {  	_ =	shalt  }
0x84: {  	_ =	shalt  }
0x85: {  	_ =	shalt  }
0x86: {  	_ =	shalt  }
0x87: {  	_ =	shalt  }
.Lfunc_end0:
.L_simem_size_0:
called_computation.2_lowered:
.L_overlay_start_0:
0x88: {  	s2 =	sld [smem:$0x3FD9]  }
0x89: {  	s3 =	sld [smem:$0x3FFE];
	_ =	sdelay $0x1  }
0x8a: {  	s1 =	srdreg.scid  }
0x8b: {  	s0 =	sand.u32 $0x1, s1  }
0x8c: {  	s16 =	sshll.u32 s0, $0xA;
	s2 =	sadd.s32 s3, s2  }
0x8d: {  	s2 =	sadd.s32 s2, s16  }
0x8e: {  	[smem:$0x3FBA] =	sst s2  }
0x8f: {  	_ = 	snop  }
0x90: {  	(tm) =	ssettm $0x1  }
0x91: {  	s17 =	sld [smem:$0x3FFB];
	_ =	sdelay $0x3  }
0x92: {  	_ =	strace s17  }
0x93: {  	s2 =	sld [smem:$0x3FFC];
	_ =	sdelay $0x3  }
0x94: {  	_ =	strace s2  }
0x95: {  	s2 =	sld [smem:$0x3FFD];
	_ =	sdelay $0x3  }
0x96: {  	_ =	strace s2  }
0x97: {  	_ =	strace $0x8FFFFFFF  }
0x98: {  	s18 =	sld [smem:$0x3FDB];
	_ =	sdelay $0x1  }
0x99: {  	s19 =	simm.s32 $_scs_section_size  }
0x9a: {  	s4 =	simm.s32 $_size__tile_overlayer_lowered;
	s5 =	simm.s32 $_tile_overlayer_lowered  }
0x9b: {  	s22 =	simm.s32 $0x1BFF;
	s21 =	sshll.u32 s5, $0x1;
	s2 =	sadd.s32 s19, s18  }
0x9c: {  	s6 =	simm.s32 $0x0;
	s20 =	sshll.u32 s4, $0x1;
	s4 =	sadd.s32 s21, s2  }
0x9d: {  	[timem:s6], [sflag:s22] =	dma.local [hbm:s4], s20  }
0x9e: {  	_ =	swait.ge [sflag:s22], s20  }
0x9f: {  	s3 =	ssub.s32 $0x0, s20;
	[sflag:s22] =	ssyncset.done $0x0  }
0xa0: {  	[sflag:s22] =	ssyncadd.s32 s3;
	_ =	sdelay $0x1  }
0xa1: {  	s23 =	simm.s32 $0x1B8B  }
0xa2: {  	_ =	swait.ge [sflag:s23], $0x1  }
0xa3: {  	[sflag:s23] =	ssyncset.done $0x0  }
0xa4: {  	s25 =	simm.s32 $0x1B8E;
	s24 =	sld [smem:$0x3FFE];
	[sflag:s23] =	ssyncadd.s32 $0xFFFFFFFF  }
0xa5: {  	s26 =	simm.s32 $execute0_lowered;
	[smem:$0x3FD2] =	sst s25  }
0xa6: {  	s4 =	sshll.u32 s26, $0x1;
	_ =	strace $0x8000004C;
	[dreg:$0x1] =	wrdreg $0xFFFFFFFF  }
0xa7: {  	s28 =	simm.s32 $_size_execute0_lowered;
	s2 =	sadd.s32 s2, s4;
	[dreg:$0x0] =	wrdreg $0x0  }
0xa8: {  	s4 =	sshll.u32 s28, $0x1;
	[dreg:$0x2] =	wrdreg s2  }
0xa9: {  	[dreg:$0x3] =	wrdreg s4  }
0xaa: {  	[dreg:$0x4] =	wrdreg $0xC0  }
0xab: {  	_ =	task [dreg:s6], $0x5FFFF  }
0xac: {  	[dreg:$0x1] =	wrdreg $0xFFFFFFFF  }
0xad: {  	[dreg:$0x0] =	wrdreg $0x60  }
0xae: {  	[dreg:$0x2] =	wrdreg s24  }
0xaf: {  	[dreg:$0x3] =	wrdreg $0x9  }
0xb0: {  	_ =	task.clear_ibuf [dreg:s6], $0x4FFFF;
	_ =	strace $0x9000004C  }
0xb1: {  	s29 =	simm.s32 $0x9;
	_ =	strace $0x8000004E  }
0xb2: {  	_ =	swait.ge [sflag:s29], $0x1  }
0xb3: {  	[sflag:s29] =	ssyncadd.s32 $0xFFFFFFFF  }
0xb4: {  	_ =	strace $0x9000004E  }
0xb5: {  	_ =	sfence  }
0xb6: {  	s30 =	sld [smem:$0x0];
	_ =	sdelay $0x2  }
0xb7: {  	s31 =	sshll.u32 s1, $0xD;
	s1 =	sshrl.u32 s1, $0x2  }
0xb8: {  	s3 =	sand.u32 $0x4000, s31;
	s1 =	sadd.s32 s1, s30  }
0xb9: {  	s0 =	sor.u32 s3, s0;
	s1 =	sshll.u32 s1, $0x11  }
0xba: {  	s0 =	sor.u32 s1, s0  }
0xbb: {  	s0 =	sadd.s32 $0x8F2B, s0  }
0xbc: {  	[sflag:s0] =	ssyncadd.remote.s32 $0x1  }
0xbd: {  	_ =	sfence.sel $0xFFFF  }
0xbe: {  	[dreg:$0x0] =	wrdreg $0xFFFFFFFF;
	(pc) =	sbr.abs _section_cstart, $3  }
0xbf: {  	[dreg:$0x1] =	wrdreg $0xFFFFFFFF  }
0xc0: {  	_ =	task.clear_ibuf [dreg:s6], $0x2FFFF;
	_ =	strace $0x9FFFFFFF  }
0xc1: {  	(tm) =	ssettm $0x7FFFFFFF  }
tec
execute0_lowered:
.L_overlay_start_1:
0x0: {  	(tag) =	ssettag $0x1  }
0x1: {  	s1 =	srdreg.scid;
	s0 =	stileid.u32  }
0x2: {  	s4 =	rddreg [dreg:$0x0];
	s2 =	simm.s32 $0x0;
	s10 =	simm.s32 $0x2C00  }
0x3: {  	s11 =	simm.s32 $0x4400;
	s12 =	simm.s32 $0x5C00;
	s13 =	simm.s32 $0x7400  }
0x4: {  	s14 =	simm.s32 $0x8C00;
	s15 =	simm.s32 $0xA400;
	s16 =	simm.s32 $0xBC00  }
0x5: {  	s17 =	simm.s32 $0xD400;
	s18 =	simm.s32 $0xEC00;
	s19 =	simm.s32 $0x1  }
0x6: {  	s20 =	simm.s32 $0x30;
	s3 =	sand.u32 $0x1, s1;
	s1 =	rddreg [dreg:$0x1]  }
0x7: {  	s21 =	simm.s32 $0x0;
	s31 =	sshll.u32 s0, $0x1;
	[smem:$0x7FF] =	sst s2  }
0x8: {  	s6 =	smul.u32 $0x28000, s0;
	s5 =	sor.u32 s3, s31;
	_ =	strace $0x8000004D  }
0x9: {  	s7 =	ssub.s32 $0x2, s3;
	s8 =	smul.u32 $0x14000, s3;
	s3 =	sadd.s32 $0x4000, s4  }
0xa: {  	s5 =	smul.u32 $0x280, s5;
	s6 =	sadd.s32 s6, s4;
	s9 =	sshrl.u32 s7, $0x1  }
0xb: {  	s7 =	ssub.s32 s7, s9;
	s6 =	sadd.s32 s8, s6;
	s8 =	simm.s32 $0x80  }
0xc: {  	s9 =	simm.s32 $0x1400;
	s5 =	sadd.s32 s5, s4;
	s6 =	sadd.s32 $0x40000, s6  }
0xd: {  	s4 =	sadd.s32 $0x3B000, s5;
	s5 =	smax.u32 s7, $0x1;
	s7 =	simm.s32 $0x2  }
.LBB2_1:
0xe: {  	[tilespmem:s2], [sflag:$0x2] =	stream.linear.gather [hbm4b:s4+s2], $0x1400, $0x38;
	[tilespmem:$0x10400] =	vst v63  }
0xf: {  	_ =	swait.ge [sflag:s7], $0x1400  }
0x10: {  	[sflag:s7] =	ssyncset.done $0x0  }
0x11: {  	s22 =	simm.s32 $0x0;
	[sflag:s7] =	ssyncadd.s32 $0xFFFFEC00  }
0x12: {  	[tilespmem:s9], [sflag:$0x1] =	stream.indirect.gather [hbm4b:s3+s8], $0x30, s22, s8, $0xb8;
	[tilespmem:$0x10400] =	vst v63  }
0x13: {  	s31 =	simm.s32 $0x80  }
0x14: {  	[tilespmem:s10], [sflag:$0x1] =	stream.indirect.gather [hbm4b:s3+s8], $0x30, s31, s8, $0xb8;
	[tilespmem:$0x10400] =	vst v63  }
0x15: {  	s23 =	simm.s32 $0x100  }
0x16: {  	[tilespmem:s11], [sflag:$0x1] =	stream.indirect.gather [hbm4b:s3+s8], $0x30, s23, s8, $0xb8;
	[tilespmem:$0x10400] =	vst v63  }
0x17: {  	s24 =	simm.s32 $0x180  }
0x18: {  	[tilespmem:s12], [sflag:$0x1] =	stream.indirect.gather [hbm4b:s3+s8], $0x30, s24, s8, $0xb8;
	[tilespmem:$0x10400] =	vst v63  }
0x19: {  	s25 =	simm.s32 $0x200  }
0x1a: {  	[tilespmem:s13], [sflag:$0x1] =	stream.indirect.gather [hbm4b:s3+s8], $0x30, s25, s8, $0xb8;
	[tilespmem:$0x10400] =	vst v63  }
0x1b: {  	s26 =	simm.s32 $0x280  }
0x1c: {  	[tilespmem:s14], [sflag:$0x1] =	stream.indirect.gather [hbm4b:s3+s8], $0x30, s26, s8, $0xb8;
	[tilespmem:$0x10400] =	vst v63  }
0x1d: {  	s28 =	simm.s32 $0x300  }
0x1e: {  	[tilespmem:s15], [sflag:$0x1] =	stream.indirect.gather [hbm4b:s3+s8], $0x30, s28, s8, $0xb8;
	[tilespmem:$0x10400] =	vst v63  }
0x1f: {  	s29 =	simm.s32 $0x380  }
0x20: {  	[tilespmem:s16], [sflag:$0x1] =	stream.indirect.gather [hbm4b:s3+s8], $0x30, s29, s8, $0xb8;
	[tilespmem:$0x10400] =	vst v63  }
0x21: {  	s30 =	simm.s32 $0x400  }
0x22: {  	[tilespmem:s17], [sflag:$0x1] =	stream.indirect.gather [hbm4b:s3+s8], $0x30, s30, s8, $0xb8;
	[tilespmem:$0x10400] =	vst v63  }
0x23: {  	s31 =	simm.s32 $0x480  }
0x24: {  	[tilespmem:s18], [sflag:$0x1] =	stream.indirect.gather [hbm4b:s3+s8], $0x30, s31, s8, $0xb8;
	[tilespmem:$0x10400] =	vst v63  }
0x25: {  	_ =	swait.ge [sflag:s19], $0x1800  }
0x26: {  	[sflag:s19] =	ssyncset.done $0x0  }
0x27: {  	[sflag:s19] =	ssyncadd.s32 $0xFFFFE800  }
0x28: {  	_ =	swait.ge [sflag:s19], $0x1800  }
0x29: {  	[sflag:s19] =	ssyncset.done $0x0  }
0x2a: {  	[sflag:s19] =	ssyncadd.s32 $0xFFFFE800  }
0x2b: {  	_ =	swait.ge [sflag:s19], $0x1800  }
0x2c: {  	[sflag:s19] =	ssyncset.done $0x0  }
0x2d: {  	[sflag:s19] =	ssyncadd.s32 $0xFFFFE800  }
0x2e: {  	_ =	swait.ge [sflag:s19], $0x1800  }
0x2f: {  	[sflag:s19] =	ssyncset.done $0x0  }
0x30: {  	[sflag:s19] =	ssyncadd.s32 $0xFFFFE800  }
0x31: {  	_ =	swait.ge [sflag:s19], $0x1800  }
0x32: {  	[sflag:s19] =	ssyncset.done $0x0  }
0x33: {  	[sflag:s19] =	ssyncadd.s32 $0xFFFFE800  }
0x34: {  	_ =	swait.ge [sflag:s19], $0x1800  }
0x35: {  	[sflag:s19] =	ssyncset.done $0x0  }
0x36: {  	[sflag:s19] =	ssyncadd.s32 $0xFFFFE800  }
0x37: {  	_ =	swait.ge [sflag:s19], $0x1800  }
0x38: {  	[sflag:s19] =	ssyncset.done $0x0  }
0x39: {  	[sflag:s19] =	ssyncadd.s32 $0xFFFFE800  }
0x3a: {  	_ =	swait.ge [sflag:s19], $0x1800  }
0x3b: {  	[sflag:s19] =	ssyncset.done $0x0  }
0x3c: {  	[sflag:s19] =	ssyncadd.s32 $0xFFFFE800  }
0x3d: {  	_ =	swait.ge [sflag:s19], $0x1800  }
0x3e: {  	[sflag:s19] =	ssyncset.done $0x0  }
0x3f: {  	[sflag:s19] =	ssyncadd.s32 $0xFFFFE800  }
0x40: {  	_ =	swait.ge [sflag:s19], $0x1800  }
0x41: {  	[sflag:s19] =	ssyncset.done $0x0  }
0x42: {  	[sflag:s19] =	ssyncadd.s32 $0xFFFFE800  }
0x43: {  	[hbm4b:s6+s20] =	stream.strided.scatter [tilespmem:s9], [sflag:$0x2], $0xF000, s8, s20, $0x38;
	[tilespmem:$0x10400] =	vst v63  }
0x44: {  	s22 =	sadd.s32 $0x5000, s6;
	_ =	swait.ge [sflag:s7], $0xF000  }
0x45: {  	s23 =	simm.s32 $0x1400;
	s25 =	simm.s32 $0x2800;
	[sflag:s7] =	ssyncset.done $0x0  }
.LBB2_2:
0x46: {  	s26 =	sshra.s32 s23, $0x2  }
0x47: {  	[sflag:s7] =	ssyncadd.s32 $0xFFFF1000;
	s23 =	smov.u32 s25;
	s24 =	sadd.s32 $0x1400, s25  }
0x48: {  	[tilespmem:s9], [sflag:$0x1] =	stream.indirect.gather [hbm4b:s3+s8], $0x30, s26, s8, $0xb8;
	[tilespmem:$0x10400] =	vst v63  }
0x49: {  	p0 =	sne.s32 s25, $0x3C00;
	s25 =	sadd.s32 $0x80, s26  }
0x4a: {  	[tilespmem:s10], [sflag:$0x1] =	stream.indirect.gather [hbm4b:s3+s8], $0x30, s25, s8, $0xb8;
	[tilespmem:$0x10400] =	vst v63  }
0x4b: {  	s25 =	sadd.s32 $0x100, s26  }
0x4c: {  	[tilespmem:s11], [sflag:$0x1] =	stream.indirect.gather [hbm4b:s3+s8], $0x30, s25, s8, $0xb8;
	[tilespmem:$0x10400] =	vst v63  }
0x4d: {  	s25 =	sadd.s32 $0x180, s26  }
0x4e: {  	[tilespmem:s12], [sflag:$0x1] =	stream.indirect.gather [hbm4b:s3+s8], $0x30, s25, s8, $0xb8;
	[tilespmem:$0x10400] =	vst v63  }
0x4f: {  	s25 =	sadd.s32 $0x200, s26  }
0x50: {  	[tilespmem:s13], [sflag:$0x1] =	stream.indirect.gather [hbm4b:s3+s8], $0x30, s25, s8, $0xb8;
	[tilespmem:$0x10400] =	vst v63  }
0x51: {  	s25 =	sadd.s32 $0x280, s26  }
0x52: {  	[tilespmem:s14], [sflag:$0x1] =	stream.indirect.gather [hbm4b:s3+s8], $0x30, s25, s8, $0xb8;
	[tilespmem:$0x10400] =	vst v63  }
0x53: {  	s25 =	sadd.s32 $0x300, s26  }
0x54: {  	[tilespmem:s15], [sflag:$0x1] =	stream.indirect.gather [hbm4b:s3+s8], $0x30, s25, s8, $0xb8;
	[tilespmem:$0x10400] =	vst v63  }
0x55: {  	s25 =	sadd.s32 $0x380, s26  }
0x56: {  	[tilespmem:s16], [sflag:$0x1] =	stream.indirect.gather [hbm4b:s3+s8], $0x30, s25, s8, $0xb8;
	[tilespmem:$0x10400] =	vst v63  }
0x57: {  	s25 =	sadd.s32 $0x400, s26  }
0x58: {  	[tilespmem:s17], [sflag:$0x1] =	stream.indirect.gather [hbm4b:s3+s8], $0x30, s25, s8, $0xb8;
	[tilespmem:$0x10400] =	vst v63  }
0x59: {  	s25 =	sadd.s32 $0x480, s26  }
0x5a: {  	[tilespmem:s18], [sflag:$0x1] =	stream.indirect.gather [hbm4b:s3+s8], $0x30, s25, s8, $0xb8;
	[tilespmem:$0x10400] =	vst v63  }
0x5b: {  	_ =	swait.ge [sflag:s19], $0x1800  }
0x5c: {  	[sflag:s19] =	ssyncset.done $0x0  }
0x5d: {  	[sflag:s19] =	ssyncadd.s32 $0xFFFFE800  }
0x5e: {  	_ =	swait.ge [sflag:s19], $0x1800  }
0x5f: {  	[sflag:s19] =	ssyncset.done $0x0  }
0x60: {  	[sflag:s19] =	ssyncadd.s32 $0xFFFFE800  }
0x61: {  	_ =	swait.ge [sflag:s19], $0x1800  }
0x62: {  	[sflag:s19] =	ssyncset.done $0x0  }
0x63: {  	[sflag:s19] =	ssyncadd.s32 $0xFFFFE800  }
0x64: {  	_ =	swait.ge [sflag:s19], $0x1800  }
0x65: {  	[sflag:s19] =	ssyncset.done $0x0  }
0x66: {  	[sflag:s19] =	ssyncadd.s32 $0xFFFFE800  }
0x67: {  	_ =	swait.ge [sflag:s19], $0x1800  }
0x68: {  	[sflag:s19] =	ssyncset.done $0x0  }
0x69: {  	[sflag:s19] =	ssyncadd.s32 $0xFFFFE800  }
0x6a: {  	_ =	swait.ge [sflag:s19], $0x1800  }
0x6b: {  	[sflag:s19] =	ssyncset.done $0x0  }
0x6c: {  	[sflag:s19] =	ssyncadd.s32 $0xFFFFE800  }
0x6d: {  	_ =	swait.ge [sflag:s19], $0x1800  }
0x6e: {  	[sflag:s19] =	ssyncset.done $0x0  }
0x6f: {  	[sflag:s19] =	ssyncadd.s32 $0xFFFFE800  }
0x70: {  	_ =	swait.ge [sflag:s19], $0x1800  }
0x71: {  	[sflag:s19] =	ssyncset.done $0x0  }
0x72: {  	[sflag:s19] =	ssyncadd.s32 $0xFFFFE800  }
0x73: {  	_ =	swait.ge [sflag:s19], $0x1800  }
0x74: {  	[sflag:s19] =	ssyncset.done $0x0  }
0x75: {  	[sflag:s19] =	ssyncadd.s32 $0xFFFFE800  }
0x76: {  	_ =	swait.ge [sflag:s19], $0x1800  }
.Ltmp0:
0x77: {  	[sflag:s19] =	ssyncset.done $0x0;
	(pc) =	sbr.rel @p0 .LBB2_2-.Ltmp0, $4  }
0x78: {  	[sflag:s19] =	ssyncadd.s32 $0xFFFFE800  }
0x79: {  	[hbm4b:s22+s20] =	stream.strided.scatter [tilespmem:s9], [sflag:$0x2], $0xF000, s8, s20, $0x38;
	[tilespmem:$0x10400] =	vst v63  }
0x7a: {  	_ =	swait.ge [sflag:s7], $0xF000  }
0x7b: {  	s25 =	smov.u32 s24;
	s22 =	sadd.s32 $0x5000, s22;
	[sflag:s7] =	ssyncset.done $0x0  }
0x7c: {  	s23 =	sshra.s32 s23, $0x2;
	[sflag:s7] =	ssyncadd.s32 $0xFFFF1000  }
0x7d: {  	[tilespmem:s9], [sflag:$0x1] =	stream.indirect.gather [hbm4b:s3+s8], $0x30, s23, s8, $0xb8;
	[tilespmem:$0x10400] =	vst v63  }
0x7e: {  	s24 =	sadd.s32 $0x80, s23  }
0x7f: {  	[tilespmem:s10], [sflag:$0x1] =	stream.indirect.gather [hbm4b:s3+s8], $0x30, s24, s8, $0xb8;
	[tilespmem:$0x10400] =	vst v63  }
0x80: {  	s31 =	sadd.s32 $0x100, s23  }
0x81: {  	[tilespmem:s11], [sflag:$0x1] =	stream.indirect.gather [hbm4b:s3+s8], $0x30, s31, s8, $0xb8;
	[tilespmem:$0x10400] =	vst v63  }
0x82: {  	s25 =	sadd.s32 $0x180, s23  }
0x83: {  	[tilespmem:s12], [sflag:$0x1] =	stream.indirect.gather [hbm4b:s3+s8], $0x30, s25, s8, $0xb8;
	[tilespmem:$0x10400] =	vst v63  }
0x84: {  	s26 =	sadd.s32 $0x200, s23  }
0x85: {  	[tilespmem:s13], [sflag:$0x1] =	stream.indirect.gather [hbm4b:s3+s8], $0x30, s26, s8, $0xb8;
	[tilespmem:$0x10400] =	vst v63  }
0x86: {  	s28 =	sadd.s32 $0x280, s23  }
0x87: {  	[tilespmem:s14], [sflag:$0x1] =	stream.indirect.gather [hbm4b:s3+s8], $0x30, s28, s8, $0xb8;
	[tilespmem:$0x10400] =	vst v63  }
0x88: {  	s29 =	sadd.s32 $0x300, s23  }
0x89: {  	[tilespmem:s15], [sflag:$0x1] =	stream.indirect.gather [hbm4b:s3+s8], $0x30, s29, s8, $0xb8;
	[tilespmem:$0x10400] =	vst v63  }
0x8a: {  	s30 =	sadd.s32 $0x380, s23  }
0x8b: {  	[tilespmem:s16], [sflag:$0x1] =	stream.indirect.gather [hbm4b:s3+s8], $0x30, s30, s8, $0xb8;
	[tilespmem:$0x10400] =	vst v63  }
0x8c: {  	s31 =	sadd.s32 $0x400, s23  }
0x8d: {  	[tilespmem:s17], [sflag:$0x1] =	stream.indirect.gather [hbm4b:s3+s8], $0x30, s31, s8, $0xb8;
	[tilespmem:$0x10400] =	vst v63  }
0x8e: {  	s23 =	sadd.s32 $0x480, s23  }
0x8f: {  	[tilespmem:s18], [sflag:$0x1] =	stream.indirect.gather [hbm4b:s3+s8], $0x30, s23, s8, $0xb8;
	[tilespmem:$0x10400] =	vst v63  }
0x90: {  	_ =	swait.ge [sflag:s19], $0x1800  }
0x91: {  	[sflag:s19] =	ssyncset.done $0x0  }
0x92: {  	[sflag:s19] =	ssyncadd.s32 $0xFFFFE800  }
0x93: {  	_ =	swait.ge [sflag:s19], $0x1800  }
0x94: {  	[sflag:s19] =	ssyncset.done $0x0  }
0x95: {  	[sflag:s19] =	ssyncadd.s32 $0xFFFFE800  }
0x96: {  	_ =	swait.ge [sflag:s19], $0x1800  }
0x97: {  	[sflag:s19] =	ssyncset.done $0x0  }
0x98: {  	[sflag:s19] =	ssyncadd.s32 $0xFFFFE800  }
0x99: {  	_ =	swait.ge [sflag:s19], $0x1800  }
0x9a: {  	[sflag:s19] =	ssyncset.done $0x0  }
0x9b: {  	[sflag:s19] =	ssyncadd.s32 $0xFFFFE800  }
0x9c: {  	_ =	swait.ge [sflag:s19], $0x1800  }
0x9d: {  	[sflag:s19] =	ssyncset.done $0x0  }
0x9e: {  	[sflag:s19] =	ssyncadd.s32 $0xFFFFE800  }
0x9f: {  	_ =	swait.ge [sflag:s19], $0x1800  }
0xa0: {  	[sflag:s19] =	ssyncset.done $0x0  }
0xa1: {  	[sflag:s19] =	ssyncadd.s32 $0xFFFFE800  }
0xa2: {  	_ =	swait.ge [sflag:s19], $0x1800  }
0xa3: {  	[sflag:s19] =	ssyncset.done $0x0  }
0xa4: {  	[sflag:s19] =	ssyncadd.s32 $0xFFFFE800  }
0xa5: {  	_ =	swait.ge [sflag:s19], $0x1800  }
0xa6: {  	[sflag:s19] =	ssyncset.done $0x0  }
0xa7: {  	[sflag:s19] =	ssyncadd.s32 $0xFFFFE800  }
0xa8: {  	_ =	swait.ge [sflag:s19], $0x1800  }
0xa9: {  	[sflag:s19] =	ssyncset.done $0x0  }
0xaa: {  	[sflag:s19] =	ssyncadd.s32 $0xFFFFE800  }
0xab: {  	s21 =	sadd.s32 $0x1, s21;
	_ =	swait.ge [sflag:s19], $0x1800  }
0xac: {  	p0 =	sne.s32 s21, s5;
	[sflag:s19] =	ssyncset.done $0x0  }
.Ltmp1:
0xad: {  	[sflag:s19] =	ssyncadd.s32 $0xFFFFE800;
	(pc) =	sbr.rel @p0 .LBB2_1-.Ltmp1, $4  }
0xae: {  	[hbm4b:s22+s20] =	stream.strided.scatter [tilespmem:s9], [sflag:$0x2], $0xF000, s8, s20, $0x38;
	[tilespmem:$0x10400] =	vst v63  }
0xaf: {  	_ =	swait.ge [sflag:s7], $0xF000  }
0xb0: {  	[sflag:s7] =	ssyncset.done $0x0  }
0xb1: {  	[sflag:s7] =	ssyncadd.s32 $0xFFFF1000  }
0xb2: {  	_ =	sfence.sel $0x180000  }
0xb3: {  	[bflag:$0x0] =	sbarrier.arrive $0xFFFF  }
0xb4: {  	p0 =	sne.s32 s0, $0x0;
	_ =	strace $0x9000004D  }
0xb5: {  	s0 =	sadd.s32 @!p0 $0x100000, s1;
	[bflag:$0x2] =	sbarrier.arrive $0xFFFF  }
0xb6: {  	[sflag:s0] =	ssyncadd.tile.s32 @!p0 $0x1;
	_ =	shalt  }
.Lfunc_end2:
_tile_overlayer_lowered:
.L_overlay_start_2:
0xb7: {  	(tag) =	ssettag $0x2  }
0xb8: {  	s0 =	rddreg [dreg:$0x0];
	s2 =	stileid.u32  }
0xb9: {  	s1 =	rddreg [dreg:$0x1];
	p0 =	sne.s32 s2, $0x0  }
0xba: {  	s3 =	rddreg [dreg:$0x2];
	[bflag:$0x3] =	sbarrier.arrive $0xFFFF;
	s2 =	simm.s32 @!p0 $0x1C02  }
0xbb: {  	[timem:s3], [sflag:s2] =	dma.local @!p0 [hbm:s0], s1  }
0xbc: {  	s0 =	simm.s32 @!p0 $0x2  }
0xbd: {  	_ =	swait.ge @!p0 [sflag:s0], s1  }
0xbe: {  	s1 =	ssub.s32 @!p0 $0x0, s1;
	[sflag:s0] =	ssyncset.done @!p0 $0x0  }
0xbf: {  	[sflag:s0] =	ssyncadd.s32 @!p0 s1  }
0xc0: {  	[bflag:$0x3] =	sbarrier.arrive $0xFFFF  }
0xc1: {  	_ =	shalt  }

// kernel: kernel.9.cloned.1.call-start
scs
__scs_entry_jumppad:
0x0: {  	(pc) =	sbr.rel $0x88, $3  }
0x1: {  	(tag) =	ssettag $0x0;
	lr =	simm.s32 $0x1  }
0x2: {  	[smem:$0x3F93] =	sst lr;
	_ =	strace $0xD0000000  }
0x3: {  	_ = 	snop  }
0x4: {  	_ = 	snop  }
0x5: {  	_ = 	snop  }
0x6: {  	_ = 	snop  }
0x7: {  	_ = 	snop  }
__scs_overlays_trampoline_lowered:
0x8: {  	[smem:$0x3FA2] =	sst s0  }
0x9: {  	[smem:$0x3FA3] =	sst s1  }
0xa: {  	[smem:$0x3FA4] =	sst s2  }
0xb: {  	[smem:$0x3FA5] =	sst s3  }
0xc: {  	[smem:$0x3FA6] =	sst s4  }
0xd: {  	[smem:$0x3FA7] =	sst s5  }
0xe: {  	[smem:$0x3FA8] =	sst s6  }
0xf: {  	[smem:$0x3FA9] =	sst s7  }
0x10: {  	[smem:$0x3FAA] =	sst s8  }
0x11: {  	[smem:$0x3FAB] =	sst s9;
	s0 =	simm.s32 @!p0 $0x0  }
0x12: {  	s1 =	sld [smem:$0x3F91];
	s0 =	simm.s32 @p0 $0x1  }
0x13: {  	[smem:$0x3FAC] =	sst s0;
	s0 =	simm.s32 @!p1 $0x0  }
0x14: {  	s2 =	sld [smem:$0x3F90];
	s0 =	simm.s32 @p1 $0x1  }
0x15: {  	[smem:$0x3FAD] =	sst s0;
	s0 =	simm.s32 @!p2 $0x0  }
0x16: {  	s3 =	sld [smem:$0x3FDB];
	s0 =	simm.s32 @p2 $0x1  }
0x17: {  	s4 =	simm.s32 $0x1BF5;
	[smem:$0x3FAF] =	sst s0  }
0x18: {  	s0 =	sld [smem:$0x3F92];
	_ =	swait.ge [sflag:s4], $0x0  }
0x19: {  	s7 =	sld [smem:$0x3F93]  }
0x1a: {  	s8 =	sadd.s32 $0xFFFFE003, lr  }
0x1b: {  	s9 =	sadd.s32 $0xFFFFFEF7, lr;
	s5 =	simm.s32 $0xFFFFFFFF;
	p2 =	slt.u32 s8, $0xFFFFF086  }
0x1c: {  	p1 =	slt.u32 s9, $0xF7A;
	s5 =	simm.s32 @!p2 $0x0  }
0x1d: {  	s5 =	simm.s32 @p1 $0x1;
	p0 =	seq.s32 s7, s2  }
0x1e: {  	s7 =	smul.u32 @!p0 $0xF7A, s2;
	p2 =	seq.s32 @!p0 s5, $0x0  }
0x1f: {  	s9 =	smul.u32 $0xF7A, s1;
	s8 =	simm.s32 @!p0 $0x1BF5;
	p2 =	por !p2, p0  }
0x20: {  	[sflag:s8] =	ssyncset.s32 @!p0 $0xFFFFF086;
	s6 =	sadd.s32 @!p0 s3, s7;
	s7 =	simm.s32 @!p0 $0x108  }
0x21: {  	s3 =	sadd.s32 s3, s9;
	s6 =	sadd.s32 @!p0 $0x88, s6;
	s7 =	simm.s32 @p2 $0x1082  }
0x22: {  	[simem:s7], [sflag:s8] =	dma.local @!p0 [hbm:s6], $0xF7A  }
0x23: {  	s9 =	sor.u32 $0xD0000000, s2;
	s6 =	simm.s32 $0x108;
	_ =	swait.ge @!p0 [sflag:s8], $0x0  }
0x24: {  	s3 =	sadd.s32 $0x88, s3;
	s6 =	simm.s32 @!p1 $0x1082;
	[sflag:s4] =	ssyncset.s32 $0xFFFFF086  }
0x25: {  	[simem:s6], [sflag:s4] =	dma.local [hbm:s3], $0xF7A  }
0x26: {  	[smem:$0x3F93] =	sst s1;
	(tag) =	ssettag s2;
	_ =	strace s9  }
0x27: {  	s1 =	sld [smem:$0x3FA3]  }
0x28: {  	s2 =	sld [smem:$0x3FA4]  }
0x29: {  	s4 =	sld [smem:$0x3FA6]  }
0x2a: {  	p0 =	seq.s32 s5, $0x0;
	s5 =	sld [smem:$0x3FA7]  }
0x2b: {  	s6 =	sld [smem:$0x3FA8]  }
0x2c: {  	s7 =	sld [smem:$0x3FA9]  }
0x2d: {  	s3 =	simm.s32 $0x108;
	s8 =	sld [smem:$0x3FAA]  }
0x2e: {  	s3 =	simm.s32 @!p0 $0x1082;
	s9 =	sld [smem:$0x3FAB]  }
0x2f: {  	lr =	sadd.s32 s0, s3;
	s0 =	sld [smem:$0x3FA2]  }
0x30: {  	s3 =	sld [smem:$0x3FA5]  }
0x31: {  	[smem:$0x3FAE] =	sst s10  }
0x32: {  	s10 =	sld [smem:$0x3FAC];
	_ =	sdelay $0x3  }
0x33: {  	p0 =	seq.s32 s10, $0x1;
	s10 =	sld [smem:$0x3FAE];
	_ =	sdelay $0x3  }
0x34: {  	[smem:$0x3FAE] =	sst s10  }
0x35: {  	s10 =	sld [smem:$0x3FAD];
	_ =	sdelay $0x3  }
0x36: {  	p1 =	seq.s32 s10, $0x1;
	s10 =	sld [smem:$0x3FAE];
	_ =	sdelay $0x3  }
0x37: {  	[smem:$0x3FAE] =	sst s10  }
0x38: {  	s10 =	sld [smem:$0x3FAF]  }
0x39: {  	_ = 	snop;
	(pc) =	sbr.ind lr, $3  }
0x3a: {  	_ = 	snop  }
0x3b: {  	_ = 	snop  }
0x3c: {  	p2 =	seq.s32 s10, $0x1;
	s10 =	sld [smem:$0x3FAE]  }
0x3d: {  	_ =	shalt  }
0x3e: {  	_ =	shalt  }
0x3f: {  	_ =	shalt  }
0x40: {  	_ =	shalt  }
0x41: {  	_ =	shalt  }
0x42: {  	_ =	shalt  }
0x43: {  	_ =	shalt  }
0x44: {  	_ =	shalt  }
0x45: {  	_ =	shalt  }
0x46: {  	_ =	shalt  }
0x47: {  	_ =	shalt  }
0x48: {  	_ =	shalt  }
0x49: {  	_ =	shalt  }
0x4a: {  	_ =	shalt  }
0x4b: {  	_ =	shalt  }
0x4c: {  	_ =	shalt  }
0x4d: {  	_ =	shalt  }
0x4e: {  	_ =	shalt  }
0x4f: {  	_ =	shalt  }
0x50: {  	_ =	shalt  }
0x51: {  	_ =	shalt  }
0x52: {  	_ =	shalt  }
0x53: {  	_ =	shalt  }
0x54: {  	_ =	shalt  }
0x55: {  	_ =	shalt  }
0x56: {  	_ =	shalt  }
0x57: {  	_ =	shalt  }
0x58: {  	_ =	shalt  }
0x59: {  	_ =	shalt  }
0x5a: {  	_ =	shalt  }
0x5b: {  	_ =	shalt  }
0x5c: {  	_ =	shalt  }
0x5d: {  	_ =	shalt  }
0x5e: {  	_ =	shalt  }
0x5f: {  	_ =	shalt  }
0x60: {  	_ =	shalt  }
0x61: {  	_ =	shalt  }
0x62: {  	_ =	shalt  }
0x63: {  	_ =	shalt  }
0x64: {  	_ =	shalt  }
0x65: {  	_ =	shalt  }
0x66: {  	_ =	shalt  }
0x67: {  	_ =	shalt  }
0x68: {  	_ =	shalt  }
0x69: {  	_ =	shalt  }
0x6a: {  	_ =	shalt  }
0x6b: {  	_ =	shalt  }
0x6c: {  	_ =	shalt  }
0x6d: {  	_ =	shalt  }
0x6e: {  	_ =	shalt  }
0x6f: {  	_ =	shalt  }
0x70: {  	_ =	shalt  }
0x71: {  	_ =	shalt  }
0x72: {  	_ =	shalt  }
0x73: {  	_ =	shalt  }
0x74: {  	_ =	shalt  }
0x75: {  	_ =	shalt  }
0x76: {  	_ =	shalt  }
0x77: {  	_ =	shalt  }
0x78: {  	_ =	shalt  }
0x79: {  	_ =	shalt  }
0x7a: {  	_ =	shalt  }
0x7b: {  	_ =	shalt  }
0x7c: {  	_ =	shalt  }
0x7d: {  	_ =	shalt  }
0x7e: {  	_ =	shalt  }
0x7f: {  	_ =	shalt  }
0x80: {  	_ =	shalt  }
0x81: {  	_ =	shalt  }
0x82: {  	_ =	shalt  }
0x83: {  	_ =	shalt  }
0x84: {  	_ =	shalt  }
0x85: {  	_ =	shalt  }
0x86: {  	_ =	shalt  }
0x87: {  	_ =	shalt  }
.Lfunc_end0:
.L_simem_size_0:
called_computation_lowered:
.L_overlay_start_0:
0x88: {  	s2 =	sld [smem:$0x3FD9]  }
0x89: {  	s3 =	sld [smem:$0x3FFE];
	_ =	sdelay $0x1  }
0x8a: {  	s1 =	srdreg.scid  }
0x8b: {  	s0 =	sand.u32 $0x1, s1  }
0x8c: {  	s16 =	sshll.u32 s0, $0xA;
	s2 =	sadd.s32 s3, s2  }
0x8d: {  	s2 =	sadd.s32 s2, s16  }
0x8e: {  	[smem:$0x3FBA] =	sst s2  }
0x8f: {  	_ = 	snop  }
0x90: {  	(tm) =	ssettm $0x1  }
0x91: {  	s17 =	sld [smem:$0x3FFB];
	_ =	sdelay $0x3  }
0x92: {  	_ =	strace s17  }
0x93: {  	s2 =	sld [smem:$0x3FFC];
	_ =	sdelay $0x3  }
0x94: {  	_ =	strace s2  }
0x95: {  	s2 =	sld [smem:$0x3FFD];
	_ =	sdelay $0x3  }
0x96: {  	_ =	strace s2  }
0x97: {  	_ =	strace $0x8FFFFFFF  }
0x98: {  	s18 =	sld [smem:$0x3FDB];
	_ =	sdelay $0x1  }
0x99: {  	s19 =	simm.s32 $_scs_section_size  }
0x9a: {  	s4 =	simm.s32 $_size__tile_overlayer_lowered;
	s5 =	simm.s32 $_tile_overlayer_lowered  }
0x9b: {  	s22 =	simm.s32 $0x1BFF;
	s21 =	sshll.u32 s5, $0x1;
	s2 =	sadd.s32 s19, s18  }
0x9c: {  	s6 =	simm.s32 $0x0;
	s20 =	sshll.u32 s4, $0x1;
	s4 =	sadd.s32 s21, s2  }
0x9d: {  	[timem:s6], [sflag:s22] =	dma.local [hbm:s4], s20  }
0x9e: {  	_ =	swait.ge [sflag:s22], s20  }
0x9f: {  	s3 =	ssub.s32 $0x0, s20;
	[sflag:s22] =	ssyncset.done $0x0  }
0xa0: {  	[sflag:s22] =	ssyncadd.s32 s3;
	_ =	sdelay $0x1  }
0xa1: {  	s23 =	simm.s32 $0x1B8B  }
0xa2: {  	_ =	swait.ge [sflag:s23], $0x1  }
0xa3: {  	[sflag:s23] =	ssyncset.done $0x0  }
0xa4: {  	s25 =	simm.s32 $0x1B8E;
	s24 =	sld [smem:$0x3FFE];
	[sflag:s23] =	ssyncadd.s32 $0xFFFFFFFF  }
0xa5: {  	s26 =	simm.s32 $execute0_lowered;
	[smem:$0x3FD2] =	sst s25  }
0xa6: {  	s4 =	sshll.u32 s26, $0x1;
	_ =	strace $0x80000046;
	[dreg:$0x1] =	wrdreg $0xFFFFFFFF  }
0xa7: {  	s28 =	simm.s32 $_size_execute0_lowered;
	s2 =	sadd.s32 s2, s4;
	[dreg:$0x0] =	wrdreg $0x0  }
0xa8: {  	s4 =	sshll.u32 s28, $0x1;
	[dreg:$0x2] =	wrdreg s2  }
0xa9: {  	[dreg:$0x3] =	wrdreg s4  }
0xaa: {  	[dreg:$0x4] =	wrdreg $0xC0  }
0xab: {  	_ =	task [dreg:s6], $0x5FFFF  }
0xac: {  	[dreg:$0x1] =	wrdreg $0xFFFFFFFF  }
0xad: {  	[dreg:$0x0] =	wrdreg $0x60  }
0xae: {  	[dreg:$0x2] =	wrdreg s24  }
0xaf: {  	[dreg:$0x3] =	wrdreg $0x9  }
0xb0: {  	_ =	task.clear_ibuf [dreg:s6], $0x4FFFF;
	_ =	strace $0x90000046  }
0xb1: {  	s29 =	simm.s32 $0x9;
	_ =	strace $0x80000048  }
0xb2: {  	_ =	swait.ge [sflag:s29], $0x1  }
0xb3: {  	[sflag:s29] =	ssyncadd.s32 $0xFFFFFFFF  }
0xb4: {  	_ =	strace $0x90000048  }
0xb5: {  	_ =	sfence  }
0xb6: {  	s30 =	sld [smem:$0x0];
	_ =	sdelay $0x2  }
0xb7: {  	s31 =	sshll.u32 s1, $0xD;
	s1 =	sshrl.u32 s1, $0x2  }
0xb8: {  	s3 =	sand.u32 $0x4000, s31;
	s1 =	sadd.s32 s1, s30  }
0xb9: {  	s0 =	sor.u32 s3, s0;
	s1 =	sshll.u32 s1, $0x11  }
0xba: {  	s0 =	sor.u32 s1, s0  }
0xbb: {  	s0 =	sadd.s32 $0x8F2B, s0  }
0xbc: {  	[sflag:s0] =	ssyncadd.remote.s32 $0x1  }
0xbd: {  	_ =	sfence.sel $0xFFFF  }
0xbe: {  	[dreg:$0x0] =	wrdreg $0xFFFFFFFF;
	(pc) =	sbr.abs _section_cstart, $3  }
0xbf: {  	[dreg:$0x1] =	wrdreg $0xFFFFFFFF  }
0xc0: {  	_ =	task.clear_ibuf [dreg:s6], $0x2FFFF;
	_ =	strace $0x9FFFFFFF  }
0xc1: {  	(tm) =	ssettm $0x7FFFFFFF  }
tec
execute0_lowered:
.L_overlay_start_1:
0x0: {  	(tag) =	ssettag $0x1  }
0x1: {  	s1 =	srdreg.scid;
	s5 =	rddreg [dreg:$0x0]  }
0x2: {  	s2 =	simm.s32 $0x0;
	s7 =	sand.u32 $0x1, s1;
	s1 =	rddreg [dreg:$0x1]  }
0x3: {  	s9 =	simm.s32 $0x3800;
	[smem:$0x7FF] =	sst s2  }
0x4: {  	s17 =	simm.s32 $0xD000;
	_ =	strace $0x80000047;
	[dreg:$0x2] =	wrdreg s9  }
0x5: {  	s18 =	simm.s32 $0x4800;
	[dreg:$0x3] =	wrdreg s17  }
0x6: {  	s20 =	simm.s32 $0xD800;
	[dreg:$0x4] =	wrdreg s18  }
0x7: {  	s21 =	simm.s32 $0x5800;
	[dreg:$0x5] =	wrdreg s20  }
0x8: {  	s22 =	simm.s32 $0xE000;
	[dreg:$0x6] =	wrdreg s21  }
0x9: {  	s23 =	simm.s32 $0x6800;
	[dreg:$0x7] =	wrdreg s22  }
0xa: {  	s24 =	simm.s32 $0xE800;
	[dreg:$0x8] =	wrdreg s23  }
0xb: {  	s25 =	simm.s32 $0x7800;
	[dreg:$0x9] =	wrdreg s24  }
0xc: {  	s0 =	stileid.u32;
	s26 =	simm.s32 $0xF000;
	[dreg:$0xa] =	wrdreg s25  }
0xd: {  	s28 =	simm.s32 $0x8800;
	s29 =	simm.s32 $0xF800;
	[dreg:$0xb] =	wrdreg s26  }
0xe: {  	s30 =	simm.s32 $0x9800;
	s12 =	simm.s32 $0x10000;
	[dreg:$0xc] =	wrdreg s28  }
0xf: {  	s13 =	simm.s32 $0xA800;
	s14 =	simm.s32 $0x10800;
	[dreg:$0xd] =	wrdreg s29  }
0x10: {  	s31 =	simm.s32 $0xB800;
	s15 =	simm.s32 $0x1;
	[dreg:$0xe] =	wrdreg s30  }
0x11: {  	s16 =	sshll.u32 s0, $0x1;
	s8 =	smul.u32 $0x28000, s0;
	[dreg:$0xf] =	wrdreg s12  }
0x12: {  	s4 =	sadd.s32 $0x4000, s5;
	s3 =	sor.u32 s7, s16;
	[dreg:$0x10] =	wrdreg s13  }
0x13: {  	s19 =	ssub.s32 $0x2, s7;
	s11 =	smul.u32 $0x14000, s7;
	[dreg:$0x11] =	wrdreg s14  }
0x14: {  	s12 =	simm.s32 $0x2800;
	s13 =	simm.s32 $0xC800;
	[dreg:$0x12] =	wrdreg s31  }
0x15: {  	s14 =	simm.s32 $0x11000;
	s16 =	simm.s32 $0x20;
	s17 =	simm.s32 $0x10  }
0x16: {  	s3 =	smul.u32 $0x280, s3;
	s8 =	sadd.s32 s8, s5;
	s10 =	sshrl.u32 s19, $0x1  }
0x17: {  	s18 =	simm.s32 $0x0;
	s9 =	ssub.s32 s19, s10;
	s8 =	sadd.s32 s11, s8  }
0x18: {  	s10 =	simm.s32 $0x1400;
	s11 =	simm.s32 $0x80;
	s6 =	sadd.s32 s3, s5  }
0x19: {  	s3 =	sadd.s32 $0x31000, s5;
	s7 =	smax.u32 s9, $0x1;
	s8 =	sadd.s32 $0x45004, s8  }
0x1a: {  	s9 =	simm.s32 $0x2;
	s5 =	sadd.s32 $0x3B000, s6;
	s6 =	sadd.s32 $0x40000, s6  }
.LBB2_1:
0x1b: {  	[tilespmem:s2], [sflag:$0x2] =	stream.linear.gather [hbm4b:s5+s2], $0x1400, $0x38;
	[tilespmem:$0x11800] =	vst v63  }
0x1c: {  	_ =	swait.ge [sflag:s9], $0x1400  }
0x1d: {  	[sflag:s9] =	ssyncset.done $0x0  }
0x1e: {  	[sflag:s9] =	ssyncadd.s32 $0xFFFFEC00  }
0x1f: {  	[tilespmem:s10], [sflag:$0x2] =	stream.linear.gather [hbm4b:s6+s2], $0x1400, $0x38;
	[tilespmem:$0x11800] =	vst v63  }
0x20: {  	_ =	swait.ge [sflag:s9], $0x1400  }
0x21: {  	[sflag:s9] =	ssyncset.done $0x0  }
0x22: {  	s19 =	simm.s32 $0x0;
	[sflag:s9] =	ssyncadd.s32 $0xFFFFEC00  }
0x23: {  	[tilespmem:s12], [sflag:$0x1] =	stream.indirect.gather [hbm4b:s3+s11], $0x20, s19, s11, $0xb8;
	[tilespmem:$0x11800] =	vst v63  }
0x24: {  	s25 =	simm.s32 $0x1400  }
0x25: {  	[tilespmem:s13], [sflag:$0x1] =	stream.indirect.gather [hbm4b:s4+s11], $0x10, s25, s11, $0xb8;
	[tilespmem:$0x11800] =	vst v63  }
0x26: {  	s26 =	simm.s32 $0x80;
	s20 =	rddreg [dreg:$0x2]  }
0x27: {  	[tilespmem:s20], [sflag:$0x1] =	stream.indirect.gather [hbm4b:s3+s11], $0x20, s26, s11, $0xb8;
	[tilespmem:$0x11800] =	vst v63  }
0x28: {  	s28 =	simm.s32 $0x1480;
	s21 =	rddreg [dreg:$0x3]  }
0x29: {  	[tilespmem:s21], [sflag:$0x1] =	stream.indirect.gather [hbm4b:s4+s11], $0x10, s28, s11, $0xb8;
	[tilespmem:$0x11800] =	vst v63  }
0x2a: {  	s30 =	simm.s32 $0x100;
	s29 =	rddreg [dreg:$0x4]  }
0x2b: {  	[tilespmem:s29], [sflag:$0x1] =	stream.indirect.gather [hbm4b:s3+s11], $0x20, s30, s11, $0xb8;
	[tilespmem:$0x11800] =	vst v63  }
0x2c: {  	s31 =	rddreg [dreg:$0x5];
	s20 =	simm.s32 $0x1500  }
0x2d: {  	[tilespmem:s31], [sflag:$0x1] =	stream.indirect.gather [hbm4b:s4+s11], $0x10, s20, s11, $0xb8;
	[tilespmem:$0x11800] =	vst v63  }
0x2e: {  	s23 =	simm.s32 $0x180;
	s22 =	rddreg [dreg:$0x6]  }
0x2f: {  	[tilespmem:s22], [sflag:$0x1] =	stream.indirect.gather [hbm4b:s3+s11], $0x20, s23, s11, $0xb8;
	[tilespmem:$0x11800] =	vst v63  }
0x30: {  	s24 =	rddreg [dreg:$0x7];
	s25 =	simm.s32 $0x1580  }
0x31: {  	[tilespmem:s24], [sflag:$0x1] =	stream.indirect.gather [hbm4b:s4+s11], $0x10, s25, s11, $0xb8;
	[tilespmem:$0x11800] =	vst v63  }
0x32: {  	s26 =	rddreg [dreg:$0x8];
	s28 =	simm.s32 $0x200  }
0x33: {  	[tilespmem:s26], [sflag:$0x1] =	stream.indirect.gather [hbm4b:s3+s11], $0x20, s28, s11, $0xb8;
	[tilespmem:$0x11800] =	vst v63  }
0x34: {  	s29 =	rddreg [dreg:$0x9];
	s30 =	simm.s32 $0x1600  }
0x35: {  	[tilespmem:s29], [sflag:$0x1] =	stream.indirect.gather [hbm4b:s4+s11], $0x10, s30, s11, $0xb8;
	[tilespmem:$0x11800] =	vst v63  }
0x36: {  	s21 =	simm.s32 $0x280;
	s31 =	rddreg [dreg:$0xa]  }
0x37: {  	[tilespmem:s31], [sflag:$0x1] =	stream.indirect.gather [hbm4b:s3+s11], $0x20, s21, s11, $0xb8;
	[tilespmem:$0x11800] =	vst v63  }
0x38: {  	s22 =	rddreg [dreg:$0xb];
	s23 =	simm.s32 $0x1680  }
0x39: {  	[tilespmem:s22], [sflag:$0x1] =	stream.indirect.gather [hbm4b:s4+s11], $0x10, s23, s11, $0xb8;
	[tilespmem:$0x11800] =	vst v63  }
0x3a: {  	s24 =	rddreg [dreg:$0xc];
	s25 =	simm.s32 $0x300  }
0x3b: {  	[tilespmem:s24], [sflag:$0x1] =	stream.indirect.gather [hbm4b:s3+s11], $0x20, s25, s11, $0xb8;
	[tilespmem:$0x11800] =	vst v63  }
0x3c: {  	s26 =	rddreg [dreg:$0xd];
	s28 =	simm.s32 $0x1700  }
0x3d: {  	[tilespmem:s26], [sflag:$0x1] =	stream.indirect.gather [hbm4b:s4+s11], $0x10, s28, s11, $0xb8;
	[tilespmem:$0x11800] =	vst v63  }
0x3e: {  	s29 =	rddreg [dreg:$0xe];
	s30 =	simm.s32 $0x380  }
0x3f: {  	[tilespmem:s29], [sflag:$0x1] =	stream.indirect.gather [hbm4b:s3+s11], $0x20, s30, s11, $0xb8;
	[tilespmem:$0x11800] =	vst v63  }
0x40: {  	s31 =	rddreg [dreg:$0xf];
	s22 =	simm.s32 $0x1780  }
0x41: {  	[tilespmem:s31], [sflag:$0x1] =	stream.indirect.gather [hbm4b:s4+s11], $0x10, s22, s11, $0xb8;
	[tilespmem:$0x11800] =	vst v63  }
0x42: {  	s23 =	rddreg [dreg:$0x10];
	s24 =	simm.s32 $0x400  }
0x43: {  	[tilespmem:s23], [sflag:$0x1] =	stream.indirect.gather [hbm4b:s3+s11], $0x20, s24, s11, $0xb8;
	[tilespmem:$0x11800] =	vst v63  }
0x44: {  	s25 =	rddreg [dreg:$0x11];
	s26 =	simm.s32 $0x1800  }
0x45: {  	[tilespmem:s25], [sflag:$0x1] =	stream.indirect.gather [hbm4b:s4+s11], $0x10, s26, s11, $0xb8;
	[tilespmem:$0x11800] =	vst v63  }
0x46: {  	s28 =	rddreg [dreg:$0x12];
	s29 =	simm.s32 $0x480  }
0x47: {  	[tilespmem:s28], [sflag:$0x1] =	stream.indirect.gather [hbm4b:s3+s11], $0x20, s29, s11, $0xb8;
	[tilespmem:$0x11800] =	vst v63  }
0x48: {  	s30 =	simm.s32 $0x1880  }
0x49: {  	[tilespmem:s14], [sflag:$0x1] =	stream.indirect.gather [hbm4b:s4+s11], $0x10, s30, s11, $0xb8;
	[tilespmem:$0x11800] =	vst v63  }
0x4a: {  	_ =	swait.ge [sflag:s15], $0x1000  }
0x4b: {  	[sflag:s15] =	ssyncset.done $0x0  }
0x4c: {  	[sflag:s15] =	ssyncadd.s32 $0xFFFFF000  }
0x4d: {  	_ =	swait.ge [sflag:s15], $0x800  }
0x4e: {  	[sflag:s15] =	ssyncset.done $0x0  }
0x4f: {  	[sflag:s15] =	ssyncadd.s32 $0xFFFFF800  }
0x50: {  	_ =	swait.ge [sflag:s15], $0x1000  }
0x51: {  	[sflag:s15] =	ssyncset.done $0x0  }
0x52: {  	[sflag:s15] =	ssyncadd.s32 $0xFFFFF000  }
0x53: {  	_ =	swait.ge [sflag:s15], $0x800  }
0x54: {  	[sflag:s15] =	ssyncset.done $0x0  }
0x55: {  	[sflag:s15] =	ssyncadd.s32 $0xFFFFF800  }
0x56: {  	_ =	swait.ge [sflag:s15], $0x1000  }
0x57: {  	[sflag:s15] =	ssyncset.done $0x0  }
0x58: {  	[sflag:s15] =	ssyncadd.s32 $0xFFFFF000  }
0x59: {  	_ =	swait.ge [sflag:s15], $0x800  }
0x5a: {  	[sflag:s15] =	ssyncset.done $0x0  }
0x5b: {  	[sflag:s15] =	ssyncadd.s32 $0xFFFFF800  }
0x5c: {  	_ =	swait.ge [sflag:s15], $0x1000  }
0x5d: {  	[sflag:s15] =	ssyncset.done $0x0  }
0x5e: {  	[sflag:s15] =	ssyncadd.s32 $0xFFFFF000  }
0x5f: {  	_ =	swait.ge [sflag:s15], $0x800  }
0x60: {  	[sflag:s15] =	ssyncset.done $0x0  }
0x61: {  	[sflag:s15] =	ssyncadd.s32 $0xFFFFF800  }
0x62: {  	_ =	swait.ge [sflag:s15], $0x1000  }
0x63: {  	[sflag:s15] =	ssyncset.done $0x0  }
0x64: {  	[sflag:s15] =	ssyncadd.s32 $0xFFFFF000  }
0x65: {  	_ =	swait.ge [sflag:s15], $0x800  }
0x66: {  	[sflag:s15] =	ssyncset.done $0x0  }
0x67: {  	[sflag:s15] =	ssyncadd.s32 $0xFFFFF800  }
0x68: {  	_ =	swait.ge [sflag:s15], $0x1000  }
0x69: {  	[sflag:s15] =	ssyncset.done $0x0  }
0x6a: {  	[sflag:s15] =	ssyncadd.s32 $0xFFFFF000  }
0x6b: {  	_ =	swait.ge [sflag:s15], $0x800  }
0x6c: {  	[sflag:s15] =	ssyncset.done $0x0  }
0x6d: {  	[sflag:s15] =	ssyncadd.s32 $0xFFFFF800  }
0x6e: {  	_ =	swait.ge [sflag:s15], $0x1000  }
0x6f: {  	[sflag:s15] =	ssyncset.done $0x0  }
0x70: {  	[sflag:s15] =	ssyncadd.s32 $0xFFFFF000  }
0x71: {  	_ =	swait.ge [sflag:s15], $0x800  }
0x72: {  	[sflag:s15] =	ssyncset.done $0x0  }
0x73: {  	[sflag:s15] =	ssyncadd.s32 $0xFFFFF800  }
0x74: {  	_ =	swait.ge [sflag:s15], $0x1000  }
0x75: {  	[sflag:s15] =	ssyncset.done $0x0  }
0x76: {  	[sflag:s15] =	ssyncadd.s32 $0xFFFFF000  }
0x77: {  	_ =	swait.ge [sflag:s15], $0x800  }
0x78: {  	[sflag:s15] =	ssyncset.done $0x0  }
0x79: {  	[sflag:s15] =	ssyncadd.s32 $0xFFFFF800  }
0x7a: {  	_ =	swait.ge [sflag:s15], $0x1000  }
0x7b: {  	[sflag:s15] =	ssyncset.done $0x0  }
0x7c: {  	[sflag:s15] =	ssyncadd.s32 $0xFFFFF000  }
0x7d: {  	_ =	swait.ge [sflag:s15], $0x800  }
0x7e: {  	[sflag:s15] =	ssyncset.done $0x0  }
0x7f: {  	[sflag:s15] =	ssyncadd.s32 $0xFFFFF800  }
0x80: {  	_ =	swait.ge [sflag:s15], $0x1000  }
0x81: {  	[sflag:s15] =	ssyncset.done $0x0  }
0x82: {  	[sflag:s15] =	ssyncadd.s32 $0xFFFFF000  }
0x83: {  	_ =	swait.ge [sflag:s15], $0x800  }
0x84: {  	[sflag:s15] =	ssyncset.done $0x0  }
0x85: {  	s31 =	sadd.s32 $0xFFFFFFFC, s8;
	[sflag:s15] =	ssyncadd.s32 $0xFFFFF800  }
0x86: {  	[hbm4b:s31+s16] =	stream.strided.scatter [tilespmem:s12], [sflag:$0x2], $0xA000, s11, s16, $0x38;
	[tilespmem:$0x11800] =	vst v63  }
0x87: {  	_ =	swait.ge [sflag:s9], $0xA000  }
0x88: {  	[sflag:s9] =	ssyncset.done $0x0  }
0x89: {  	[sflag:s9] =	ssyncadd.s32 $0xFFFF6000  }
0x8a: {  	[hbm4b:s8+s17] =	stream.strided.scatter [tilespmem:s13], [sflag:$0x2], $0x5000, s11, s17, $0x38;
	[tilespmem:$0x11800] =	vst v63  }
0x8b: {  	s19 =	sadd.s32 $0x5000, s8;
	_ =	swait.ge [sflag:s9], $0x5000  }
0x8c: {  	s20 =	simm.s32 $0x1400;
	s23 =	simm.s32 $0x2800;
	[sflag:s9] =	ssyncset.done $0x0  }
.LBB2_2:
0x8d: {  	s22 =	sshra.s32 s20, $0x2;
	[sflag:s9] =	ssyncadd.s32 $0xFFFFB000  }
0x8e: {  	[tilespmem:s12], [sflag:$0x1] =	stream.indirect.gather [hbm4b:s3+s11], $0x20, s22, s11, $0xb8;
	[tilespmem:$0x11800] =	vst v63  }
0x8f: {  	s28 =	sadd.s32 $0x1400, s22  }
0x90: {  	[tilespmem:s13], [sflag:$0x1] =	stream.indirect.gather [hbm4b:s4+s11], $0x10, s28, s11, $0xb8;
	[tilespmem:$0x11800] =	vst v63  }
0x91: {  	s24 =	rddreg [dreg:$0x2];
	s29 =	sadd.s32 $0x80, s22  }
0x92: {  	[tilespmem:s24], [sflag:$0x1] =	stream.indirect.gather [hbm4b:s3+s11], $0x20, s29, s11, $0xb8;
	[tilespmem:$0x11800] =	vst v63  }
0x93: {  	s25 =	rddreg [dreg:$0x3];
	s30 =	sadd.s32 $0x1480, s22  }
0x94: {  	[tilespmem:s25], [sflag:$0x1] =	stream.indirect.gather [hbm4b:s4+s11], $0x10, s30, s11, $0xb8;
	[tilespmem:$0x11800] =	vst v63  }
0x95: {  	s31 =	rddreg [dreg:$0x4];
	s25 =	sadd.s32 $0x100, s22  }
0x96: {  	[tilespmem:s31], [sflag:$0x1] =	stream.indirect.gather [hbm4b:s3+s11], $0x20, s25, s11, $0xb8;
	[tilespmem:$0x11800] =	vst v63  }
0x97: {  	s26 =	rddreg [dreg:$0x5];
	s28 =	sadd.s32 $0x1500, s22  }
0x98: {  	[tilespmem:s26], [sflag:$0x1] =	stream.indirect.gather [hbm4b:s4+s11], $0x10, s28, s11, $0xb8;
	[tilespmem:$0x11800] =	vst v63  }
0x99: {  	s29 =	rddreg [dreg:$0x6];
	s30 =	sadd.s32 $0x180, s22  }
0x9a: {  	[tilespmem:s29], [sflag:$0x1] =	stream.indirect.gather [hbm4b:s3+s11], $0x20, s30, s11, $0xb8;
	[tilespmem:$0x11800] =	vst v63  }
0x9b: {  	s24 =	sadd.s32 $0x1580, s22;
	s31 =	rddreg [dreg:$0x7]  }
0x9c: {  	[tilespmem:s31], [sflag:$0x1] =	stream.indirect.gather [hbm4b:s4+s11], $0x10, s24, s11, $0xb8;
	[tilespmem:$0x11800] =	vst v63  }
0x9d: {  	s26 =	rddreg [dreg:$0x8];
	s28 =	sadd.s32 $0x200, s22  }
0x9e: {  	[tilespmem:s26], [sflag:$0x1] =	stream.indirect.gather [hbm4b:s3+s11], $0x20, s28, s11, $0xb8;
	[tilespmem:$0x11800] =	vst v63  }
0x9f: {  	s29 =	rddreg [dreg:$0x9];
	s30 =	sadd.s32 $0x1600, s22  }
0xa0: {  	[tilespmem:s29], [sflag:$0x1] =	stream.indirect.gather [hbm4b:s4+s11], $0x10, s30, s11, $0xb8;
	[tilespmem:$0x11800] =	vst v63  }
0xa1: {  	s25 =	sadd.s32 $0x280, s22;
	s31 =	rddreg [dreg:$0xa]  }
0xa2: {  	[tilespmem:s31], [sflag:$0x1] =	stream.indirect.gather [hbm4b:s3+s11], $0x20, s25, s11, $0xb8;
	[tilespmem:$0x11800] =	vst v63  }
0xa3: {  	s26 =	rddreg [dreg:$0xb];
	s28 =	sadd.s32 $0x1680, s22  }
0xa4: {  	[tilespmem:s26], [sflag:$0x1] =	stream.indirect.gather [hbm4b:s4+s11], $0x10, s28, s11, $0xb8;
	[tilespmem:$0x11800] =	vst v63  }
0xa5: {  	s29 =	rddreg [dreg:$0xc];
	s30 =	sadd.s32 $0x300, s22  }
0xa6: {  	[tilespmem:s29], [sflag:$0x1] =	stream.indirect.gather [hbm4b:s3+s11], $0x20, s30, s11, $0xb8;
	[tilespmem:$0x11800] =	vst v63  }
0xa7: {  	s24 =	sadd.s32 $0x1700, s22;
	s31 =	rddreg [dreg:$0xd]  }
0xa8: {  	[tilespmem:s31], [sflag:$0x1] =	stream.indirect.gather [hbm4b:s4+s11], $0x10, s24, s11, $0xb8;
	[tilespmem:$0x11800] =	vst v63  }
0xa9: {  	s26 =	rddreg [dreg:$0xe];
	s28 =	sadd.s32 $0x380, s22  }
0xaa: {  	[tilespmem:s26], [sflag:$0x1] =	stream.indirect.gather [hbm4b:s3+s11], $0x20, s28, s11, $0xb8;
	[tilespmem:$0x11800] =	vst v63  }
0xab: {  	s29 =	rddreg [dreg:$0xf];
	s30 =	sadd.s32 $0x1780, s22  }
0xac: {  	[tilespmem:s29], [sflag:$0x1] =	stream.indirect.gather [hbm4b:s4+s11], $0x10, s30, s11, $0xb8;
	[tilespmem:$0x11800] =	vst v63  }
0xad: {  	s25 =	sadd.s32 $0x400, s22;
	s31 =	rddreg [dreg:$0x10]  }
0xae: {  	[tilespmem:s31], [sflag:$0x1] =	stream.indirect.gather [hbm4b:s3+s11], $0x20, s25, s11, $0xb8;
	[tilespmem:$0x11800] =	vst v63  }
0xaf: {  	s26 =	rddreg [dreg:$0x11];
	s28 =	sadd.s32 $0x1800, s22  }
0xb0: {  	[tilespmem:s26], [sflag:$0x1] =	stream.indirect.gather [hbm4b:s4+s11], $0x10, s28, s11, $0xb8;
	[tilespmem:$0x11800] =	vst v63  }
0xb1: {  	s29 =	rddreg [dreg:$0x12];
	s30 =	sadd.s32 $0x480, s22  }
0xb2: {  	[tilespmem:s29], [sflag:$0x1] =	stream.indirect.gather [hbm4b:s3+s11], $0x20, s30, s11, $0xb8;
	[tilespmem:$0x11800] =	vst v63  }
0xb3: {  	s22 =	sadd.s32 $0x1880, s22  }
0xb4: {  	[tilespmem:s14], [sflag:$0x1] =	stream.indirect.gather [hbm4b:s4+s11], $0x10, s22, s11, $0xb8;
	[tilespmem:$0x11800] =	vst v63  }
0xb5: {  	_ =	swait.ge [sflag:s15], $0x1000  }
0xb6: {  	[sflag:s15] =	ssyncset.done $0x0  }
0xb7: {  	[sflag:s15] =	ssyncadd.s32 $0xFFFFF000  }
0xb8: {  	_ =	swait.ge [sflag:s15], $0x800  }
0xb9: {  	[sflag:s15] =	ssyncset.done $0x0  }
0xba: {  	[sflag:s15] =	ssyncadd.s32 $0xFFFFF800  }
0xbb: {  	_ =	swait.ge [sflag:s15], $0x1000  }
0xbc: {  	[sflag:s15] =	ssyncset.done $0x0  }
0xbd: {  	[sflag:s15] =	ssyncadd.s32 $0xFFFFF000  }
0xbe: {  	_ =	swait.ge [sflag:s15], $0x800  }
0xbf: {  	[sflag:s15] =	ssyncset.done $0x0  }
0xc0: {  	[sflag:s15] =	ssyncadd.s32 $0xFFFFF800  }
0xc1: {  	_ =	swait.ge [sflag:s15], $0x1000  }
0xc2: {  	[sflag:s15] =	ssyncset.done $0x0  }
0xc3: {  	[sflag:s15] =	ssyncadd.s32 $0xFFFFF000  }
0xc4: {  	_ =	swait.ge [sflag:s15], $0x800  }
0xc5: {  	[sflag:s15] =	ssyncset.done $0x0  }
0xc6: {  	[sflag:s15] =	ssyncadd.s32 $0xFFFFF800  }
0xc7: {  	_ =	swait.ge [sflag:s15], $0x1000  }
0xc8: {  	[sflag:s15] =	ssyncset.done $0x0  }
0xc9: {  	[sflag:s15] =	ssyncadd.s32 $0xFFFFF000  }
0xca: {  	_ =	swait.ge [sflag:s15], $0x800  }
0xcb: {  	[sflag:s15] =	ssyncset.done $0x0  }
0xcc: {  	[sflag:s15] =	ssyncadd.s32 $0xFFFFF800  }
0xcd: {  	_ =	swait.ge [sflag:s15], $0x1000  }
0xce: {  	[sflag:s15] =	ssyncset.done $0x0  }
0xcf: {  	[sflag:s15] =	ssyncadd.s32 $0xFFFFF000  }
0xd0: {  	_ =	swait.ge [sflag:s15], $0x800  }
0xd1: {  	[sflag:s15] =	ssyncset.done $0x0  }
0xd2: {  	[sflag:s15] =	ssyncadd.s32 $0xFFFFF800  }
0xd3: {  	_ =	swait.ge [sflag:s15], $0x1000  }
0xd4: {  	[sflag:s15] =	ssyncset.done $0x0  }
0xd5: {  	[sflag:s15] =	ssyncadd.s32 $0xFFFFF000  }
0xd6: {  	_ =	swait.ge [sflag:s15], $0x800  }
0xd7: {  	[sflag:s15] =	ssyncset.done $0x0  }
0xd8: {  	[sflag:s15] =	ssyncadd.s32 $0xFFFFF800  }
0xd9: {  	_ =	swait.ge [sflag:s15], $0x1000  }
0xda: {  	[sflag:s15] =	ssyncset.done $0x0  }
0xdb: {  	[sflag:s15] =	ssyncadd.s32 $0xFFFFF000  }
0xdc: {  	_ =	swait.ge [sflag:s15], $0x800  }
0xdd: {  	[sflag:s15] =	ssyncset.done $0x0  }
0xde: {  	[sflag:s15] =	ssyncadd.s32 $0xFFFFF800  }
0xdf: {  	_ =	swait.ge [sflag:s15], $0x1000  }
0xe0: {  	[sflag:s15] =	ssyncset.done $0x0  }
0xe1: {  	[sflag:s15] =	ssyncadd.s32 $0xFFFFF000  }
0xe2: {  	_ =	swait.ge [sflag:s15], $0x800  }
0xe3: {  	[sflag:s15] =	ssyncset.done $0x0  }
0xe4: {  	[sflag:s15] =	ssyncadd.s32 $0xFFFFF800  }
0xe5: {  	_ =	swait.ge [sflag:s15], $0x1000  }
0xe6: {  	[sflag:s15] =	ssyncset.done $0x0  }
0xe7: {  	[sflag:s15] =	ssyncadd.s32 $0xFFFFF000  }
0xe8: {  	_ =	swait.ge [sflag:s15], $0x800  }
0xe9: {  	[sflag:s15] =	ssyncset.done $0x0  }
0xea: {  	[sflag:s15] =	ssyncadd.s32 $0xFFFFF800  }
0xeb: {  	_ =	swait.ge [sflag:s15], $0x1000  }
0xec: {  	[sflag:s15] =	ssyncset.done $0x0  }
0xed: {  	[sflag:s15] =	ssyncadd.s32 $0xFFFFF000  }
0xee: {  	_ =	swait.ge [sflag:s15], $0x800  }
0xef: {  	[sflag:s15] =	ssyncset.done $0x0  }
0xf0: {  	s31 =	sadd.s32 $0xFFFFFFFC, s19;
	[sflag:s15] =	ssyncadd.s32 $0xFFFFF800  }
0xf1: {  	[hbm4b:s31+s16] =	stream.strided.scatter [tilespmem:s12], [sflag:$0x2], $0xA000, s11, s16, $0x38;
	[tilespmem:$0x11800] =	vst v63  }
0xf2: {  	p0 =	sne.s32 s23, $0x3C00;
	_ =	swait.ge [sflag:s9], $0xA000  }
.Ltmp0:
0xf3: {  	[sflag:s9] =	ssyncset.done $0x0;
	(pc) =	sbr.rel @p0 .LBB2_2-.Ltmp0, $4  }
0xf4: {  	[sflag:s9] =	ssyncadd.s32 $0xFFFF6000  }
0xf5: {  	[hbm4b:s19+s17] =	stream.strided.scatter [tilespmem:s13], [sflag:$0x2], $0x5000, s11, s17, $0x38;
	[tilespmem:$0x11800] =	vst v63  }
0xf6: {  	s20 =	smov.u32 s23;
	s21 =	sadd.s32 $0x1400, s23;
	_ =	swait.ge [sflag:s9], $0x5000  }
0xf7: {  	s23 =	smov.u32 s21;
	s19 =	sadd.s32 $0x5000, s19;
	[sflag:s9] =	ssyncset.done $0x0  }
0xf8: {  	s20 =	sshra.s32 s20, $0x2;
	[sflag:s9] =	ssyncadd.s32 $0xFFFFB000  }
0xf9: {  	[tilespmem:s12], [sflag:$0x1] =	stream.indirect.gather [hbm4b:s3+s11], $0x20, s20, s11, $0xb8;
	[tilespmem:$0x11800] =	vst v63  }
0xfa: {  	s21 =	sadd.s32 $0x1400, s20  }
0xfb: {  	[tilespmem:s13], [sflag:$0x1] =	stream.indirect.gather [hbm4b:s4+s11], $0x10, s21, s11, $0xb8;
	[tilespmem:$0x11800] =	vst v63  }
0xfc: {  	s22 =	rddreg [dreg:$0x2];
	s31 =	sadd.s32 $0x80, s20  }
0xfd: {  	[tilespmem:s22], [sflag:$0x1] =	stream.indirect.gather [hbm4b:s3+s11], $0x20, s31, s11, $0xb8;
	[tilespmem:$0x11800] =	vst v63  }
0xfe: {  	s23 =	rddreg [dreg:$0x3];
	s22 =	sadd.s32 $0x1480, s20  }
0xff: {  	[tilespmem:s23], [sflag:$0x1] =	stream.indirect.gather [hbm4b:s4+s11], $0x10, s22, s11, $0xb8;
	[tilespmem:$0x11800] =	vst v63  }
0x100: {  	s24 =	rddreg [dreg:$0x4];
	s25 =	sadd.s32 $0x100, s20  }
0x101: {  	[tilespmem:s24], [sflag:$0x1] =	stream.indirect.gather [hbm4b:s3+s11], $0x20, s25, s11, $0xb8;
	[tilespmem:$0x11800] =	vst v63  }
0x102: {  	s26 =	rddreg [dreg:$0x5];
	s28 =	sadd.s32 $0x1500, s20  }
0x103: {  	[tilespmem:s26], [sflag:$0x1] =	stream.indirect.gather [hbm4b:s4+s11], $0x10, s28, s11, $0xb8;
	[tilespmem:$0x11800] =	vst v63  }
0x104: {  	s29 =	rddreg [dreg:$0x6];
	s30 =	sadd.s32 $0x180, s20  }
0x105: {  	[tilespmem:s29], [sflag:$0x1] =	stream.indirect.gather [hbm4b:s3+s11], $0x20, s30, s11, $0xb8;
	[tilespmem:$0x11800] =	vst v63  }
0x106: {  	s31 =	rddreg [dreg:$0x7];
	s22 =	sadd.s32 $0x1580, s20  }
0x107: {  	[tilespmem:s31], [sflag:$0x1] =	stream.indirect.gather [hbm4b:s4+s11], $0x10, s22, s11, $0xb8;
	[tilespmem:$0x11800] =	vst v63  }
0x108: {  	s24 =	rddreg [dreg:$0x8];
	s25 =	sadd.s32 $0x200, s20  }
0x109: {  	[tilespmem:s24], [sflag:$0x1] =	stream.indirect.gather [hbm4b:s3+s11], $0x20, s25, s11, $0xb8;
	[tilespmem:$0x11800] =	vst v63  }
0x10a: {  	s26 =	rddreg [dreg:$0x9];
	s28 =	sadd.s32 $0x1600, s20  }
0x10b: {  	[tilespmem:s26], [sflag:$0x1] =	stream.indirect.gather [hbm4b:s4+s11], $0x10, s28, s11, $0xb8;
	[tilespmem:$0x11800] =	vst v63  }
0x10c: {  	s29 =	rddreg [dreg:$0xa];
	s30 =	sadd.s32 $0x280, s20  }
0x10d: {  	[tilespmem:s29], [sflag:$0x1] =	stream.indirect.gather [hbm4b:s3+s11], $0x20, s30, s11, $0xb8;
	[tilespmem:$0x11800] =	vst v63  }
0x10e: {  	s31 =	rddreg [dreg:$0xb];
	s22 =	sadd.s32 $0x1680, s20  }
0x10f: {  	[tilespmem:s31], [sflag:$0x1] =	stream.indirect.gather [hbm4b:s4+s11], $0x10, s22, s11, $0xb8;
	[tilespmem:$0x11800] =	vst v63  }
0x110: {  	s24 =	rddreg [dreg:$0xc];
	s25 =	sadd.s32 $0x300, s20  }
0x111: {  	[tilespmem:s24], [sflag:$0x1] =	stream.indirect.gather [hbm4b:s3+s11], $0x20, s25, s11, $0xb8;
	[tilespmem:$0x11800] =	vst v63  }
0x112: {  	s26 =	rddreg [dreg:$0xd];
	s28 =	sadd.s32 $0x1700, s20  }
0x113: {  	[tilespmem:s26], [sflag:$0x1] =	stream.indirect.gather [hbm4b:s4+s11], $0x10, s28, s11, $0xb8;
	[tilespmem:$0x11800] =	vst v63  }
0x114: {  	s29 =	rddreg [dreg:$0xe];
	s30 =	sadd.s32 $0x380, s20  }
0x115: {  	[tilespmem:s29], [sflag:$0x1] =	stream.indirect.gather [hbm4b:s3+s11], $0x20, s30, s11, $0xb8;
	[tilespmem:$0x11800] =	vst v63  }
0x116: {  	s31 =	rddreg [dreg:$0xf];
	s22 =	sadd.s32 $0x1780, s20  }
0x117: {  	[tilespmem:s31], [sflag:$0x1] =	stream.indirect.gather [hbm4b:s4+s11], $0x10, s22, s11, $0xb8;
	[tilespmem:$0x11800] =	vst v63  }
0x118: {  	s24 =	rddreg [dreg:$0x10];
	s25 =	sadd.s32 $0x400, s20  }
0x119: {  	[tilespmem:s24], [sflag:$0x1] =	stream.indirect.gather [hbm4b:s3+s11], $0x20, s25, s11, $0xb8;
	[tilespmem:$0x11800] =	vst v63  }
0x11a: {  	s26 =	rddreg [dreg:$0x11];
	s28 =	sadd.s32 $0x1800, s20  }
0x11b: {  	[tilespmem:s26], [sflag:$0x1] =	stream.indirect.gather [hbm4b:s4+s11], $0x10, s28, s11, $0xb8;
	[tilespmem:$0x11800] =	vst v63  }
0x11c: {  	s29 =	rddreg [dreg:$0x12];
	s30 =	sadd.s32 $0x480, s20  }
0x11d: {  	[tilespmem:s29], [sflag:$0x1] =	stream.indirect.gather [hbm4b:s3+s11], $0x20, s30, s11, $0xb8;
	[tilespmem:$0x11800] =	vst v63  }
0x11e: {  	s20 =	sadd.s32 $0x1880, s20  }
0x11f: {  	[tilespmem:s14], [sflag:$0x1] =	stream.indirect.gather [hbm4b:s4+s11], $0x10, s20, s11, $0xb8;
	[tilespmem:$0x11800] =	vst v63  }
0x120: {  	_ =	swait.ge [sflag:s15], $0x1000  }
0x121: {  	[sflag:s15] =	ssyncset.done $0x0  }
0x122: {  	[sflag:s15] =	ssyncadd.s32 $0xFFFFF000  }
0x123: {  	_ =	swait.ge [sflag:s15], $0x800  }
0x124: {  	[sflag:s15] =	ssyncset.done $0x0  }
0x125: {  	[sflag:s15] =	ssyncadd.s32 $0xFFFFF800  }
0x126: {  	_ =	swait.ge [sflag:s15], $0x1000  }
0x127: {  	[sflag:s15] =	ssyncset.done $0x0  }
0x128: {  	[sflag:s15] =	ssyncadd.s32 $0xFFFFF000  }
0x129: {  	_ =	swait.ge [sflag:s15], $0x800  }
0x12a: {  	[sflag:s15] =	ssyncset.done $0x0  }
0x12b: {  	[sflag:s15] =	ssyncadd.s32 $0xFFFFF800  }
0x12c: {  	_ =	swait.ge [sflag:s15], $0x1000  }
0x12d: {  	[sflag:s15] =	ssyncset.done $0x0  }
0x12e: {  	[sflag:s15] =	ssyncadd.s32 $0xFFFFF000  }
0x12f: {  	_ =	swait.ge [sflag:s15], $0x800  }
0x130: {  	[sflag:s15] =	ssyncset.done $0x0  }
0x131: {  	[sflag:s15] =	ssyncadd.s32 $0xFFFFF800  }
0x132: {  	_ =	swait.ge [sflag:s15], $0x1000  }
0x133: {  	[sflag:s15] =	ssyncset.done $0x0  }
0x134: {  	[sflag:s15] =	ssyncadd.s32 $0xFFFFF000  }
0x135: {  	_ =	swait.ge [sflag:s15], $0x800  }
0x136: {  	[sflag:s15] =	ssyncset.done $0x0  }
0x137: {  	[sflag:s15] =	ssyncadd.s32 $0xFFFFF800  }
0x138: {  	_ =	swait.ge [sflag:s15], $0x1000  }
0x139: {  	[sflag:s15] =	ssyncset.done $0x0  }
0x13a: {  	[sflag:s15] =	ssyncadd.s32 $0xFFFFF000  }
0x13b: {  	_ =	swait.ge [sflag:s15], $0x800  }
0x13c: {  	[sflag:s15] =	ssyncset.done $0x0  }
0x13d: {  	[sflag:s15] =	ssyncadd.s32 $0xFFFFF800  }
0x13e: {  	_ =	swait.ge [sflag:s15], $0x1000  }
0x13f: {  	[sflag:s15] =	ssyncset.done $0x0  }
0x140: {  	[sflag:s15] =	ssyncadd.s32 $0xFFFFF000  }
0x141: {  	_ =	swait.ge [sflag:s15], $0x800  }
0x142: {  	[sflag:s15] =	ssyncset.done $0x0  }
0x143: {  	[sflag:s15] =	ssyncadd.s32 $0xFFFFF800  }
0x144: {  	_ =	swait.ge [sflag:s15], $0x1000  }
0x145: {  	[sflag:s15] =	ssyncset.done $0x0  }
0x146: {  	[sflag:s15] =	ssyncadd.s32 $0xFFFFF000  }
0x147: {  	_ =	swait.ge [sflag:s15], $0x800  }
0x148: {  	[sflag:s15] =	ssyncset.done $0x0  }
0x149: {  	[sflag:s15] =	ssyncadd.s32 $0xFFFFF800  }
0x14a: {  	_ =	swait.ge [sflag:s15], $0x1000  }
0x14b: {  	[sflag:s15] =	ssyncset.done $0x0  }
0x14c: {  	[sflag:s15] =	ssyncadd.s32 $0xFFFFF000  }
0x14d: {  	_ =	swait.ge [sflag:s15], $0x800  }
0x14e: {  	[sflag:s15] =	ssyncset.done $0x0  }
0x14f: {  	[sflag:s15] =	ssyncadd.s32 $0xFFFFF800  }
0x150: {  	_ =	swait.ge [sflag:s15], $0x1000  }
0x151: {  	[sflag:s15] =	ssyncset.done $0x0  }
0x152: {  	[sflag:s15] =	ssyncadd.s32 $0xFFFFF000  }
0x153: {  	_ =	swait.ge [sflag:s15], $0x800  }
0x154: {  	[sflag:s15] =	ssyncset.done $0x0  }
0x155: {  	[sflag:s15] =	ssyncadd.s32 $0xFFFFF800  }
0x156: {  	_ =	swait.ge [sflag:s15], $0x1000  }
0x157: {  	[sflag:s15] =	ssyncset.done $0x0  }
0x158: {  	[sflag:s15] =	ssyncadd.s32 $0xFFFFF000  }
0x159: {  	_ =	swait.ge [sflag:s15], $0x800  }
0x15a: {  	[sflag:s15] =	ssyncset.done $0x0  }
0x15b: {  	s31 =	sadd.s32 $0xFFFFFFFC, s19;
	[sflag:s15] =	ssyncadd.s32 $0xFFFFF800  }
0x15c: {  	[hbm4b:s31+s16] =	stream.strided.scatter [tilespmem:s12], [sflag:$0x2], $0xA000, s11, s16, $0x38;
	[tilespmem:$0x11800] =	vst v63  }
0x15d: {  	s18 =	sadd.s32 $0x1, s18;
	_ =	swait.ge [sflag:s9], $0xA000  }
0x15e: {  	p0 =	sne.s32 s18, s7;
	[sflag:s9] =	ssyncset.done $0x0  }
.Ltmp1:
0x15f: {  	[sflag:s9] =	ssyncadd.s32 $0xFFFF6000;
	(pc) =	sbr.rel @p0 .LBB2_1-.Ltmp1, $4  }
0x160: {  	[hbm4b:s19+s17] =	stream.strided.scatter [tilespmem:s13], [sflag:$0x2], $0x5000, s11, s17, $0x38;
	[tilespmem:$0x11800] =	vst v63  }
0x161: {  	_ =	swait.ge [sflag:s9], $0x5000  }
0x162: {  	[sflag:s9] =	ssyncset.done $0x0  }
0x163: {  	[sflag:s9] =	ssyncadd.s32 $0xFFFFB000  }
0x164: {  	_ =	sfence.sel $0x180000  }
0x165: {  	[bflag:$0x0] =	sbarrier.arrive $0xFFFF  }
0x166: {  	p0 =	sne.s32 s0, $0x0;
	_ =	strace $0x90000047  }
0x167: {  	s0 =	sadd.s32 @!p0 $0x100000, s1;
	[bflag:$0x2] =	sbarrier.arrive $0xFFFF  }
0x168: {  	[sflag:s0] =	ssyncadd.tile.s32 @!p0 $0x1;
	_ =	shalt  }
.Lfunc_end2:
_tile_overlayer_lowered:
.L_overlay_start_2:
0x169: {  	(tag) =	ssettag $0x2  }
0x16a: {  	s0 =	rddreg [dreg:$0x0];
	s2 =	stileid.u32  }
0x16b: {  	s1 =	rddreg [dreg:$0x1];
	p0 =	sne.s32 s2, $0x0  }
0x16c: {  	s3 =	rddreg [dreg:$0x2];
	[bflag:$0x3] =	sbarrier.arrive $0xFFFF;
	s2 =	simm.s32 @!p0 $0x1C02  }
0x16d: {  	[timem:s3], [sflag:s2] =	dma.local @!p0 [hbm:s0], s1  }
0x16e: {  	s0 =	simm.s32 @!p0 $0x2  }
0x16f: {  	_ =	swait.ge @!p0 [sflag:s0], s1  }
0x170: {  	s1 =	ssub.s32 @!p0 $0x0, s1;
	[sflag:s0] =	ssyncset.done @!p0 $0x0  }
0x171: {  	[sflag:s0] =	ssyncadd.s32 @!p0 s1  }
0x172: {  	[bflag:$0x3] =	sbarrier.arrive $0xFFFF  }
0x173: {  	_ =	shalt  }

</sc_bundles>
